<compile_context>
chip_gen: v7x
topology: tpu7x:2x2x1
jax: 0.10.2.dev20260603
libtpu: 0.0.44.dev20260713+nightly
codegen_flags: <defaults>
</compile_context>

<pallas_src>
import functools

import jax
import jax.numpy as jnp
from jax import lax
from jax.experimental import pallas as pl
from jax.experimental.pallas import tpu as pltpu
from jax.experimental.pallas import tpu_sc as plsc

HIDDEN = 128
CHUNK = 128
LANES = 16
N_WORKERS = 32


def _sc_embed_sum(ix, x_table, y_table, t_table, n_tokens):
    per_worker = n_tokens // N_WORKERS
    n_chunks = per_worker // CHUNK
    mesh = plsc.VectorSubcoreMesh(core_axis_name="c", subcore_axis_name="s")

    @functools.partial(
        pl.kernel,
        mesh=mesh,
        out_type=jax.ShapeDtypeStruct((n_tokens, HIDDEN), jnp.float32),
        scratch_types=[
            pltpu.VMEM((3, n_chunks, CHUNK), jnp.int32),
            pltpu.VMEM((CHUNK, HIDDEN), jnp.float32),
            pltpu.VMEM((CHUNK, HIDDEN), jnp.float32),
            pltpu.VMEM((CHUNK, HIDDEN), jnp.float32),
            pltpu.VMEM((CHUNK, HIDDEN), jnp.float32),
            pltpu.VMEM((CHUNK, HIDDEN), jnp.float32),
            pltpu.VMEM((CHUNK, HIDDEN), jnp.float32),
            pltpu.SemaphoreType.DMA,
            pltpu.SemaphoreType.DMA,
            pltpu.SemaphoreType.DMA,
            pltpu.SemaphoreType.DMA,
        ],
    )
    def body(idx_hbm, x_hbm, y_hbm, t_hbm, out_hbm,
             iv, bx0, by0, bt0, bx1, by1, bt1,
             sg0, sg1, ss0, ss1):
        wid = lax.axis_index("s") * 2 + lax.axis_index("c")
        w_base = wid * per_worker
        pltpu.sync_copy(idx_hbm.at[wid], iv)

        bufs = ((bx0, by0, bt0, sg0, ss0), (bx1, by1, bt1, sg1, ss1))

        def fire(p, k):
            bx, by, bt, sg, _ = bufs[p]
            return (pltpu.async_copy(x_hbm.at[iv.at[0, k]], bx, sg),
                    pltpu.async_copy(y_hbm.at[iv.at[1, k]], by, sg),
                    pltpu.async_copy(t_hbm.at[iv.at[2, k]], bt, sg))

        gd = [None, None]
        sd = [None, None]
        gd[0] = fire(0, 0)
        for k in range(n_chunks):
            p = k & 1
            q = (k + 1) & 1
            if k + 1 < n_chunks:
                if sd[q] is not None:
                    sd[q].wait()
                gd[q] = fire(q, k + 1)
            for d in gd[p]:
                d.wait()
            bx, by, bt, _, ss = bufs[p]

            def row_step(r, _, bx=bx, by=by, bt=bt):
                for c in range(HIDDEN // LANES):
                    sl = pl.ds(c * LANES, LANES)
                    plsc.addupdate(bx.at[r, sl], by[r, sl] + bt[r, sl])
                return 0

            lax.fori_loop(0, CHUNK, row_step, 0)
            sd[p] = pltpu.async_copy(
                bx, out_hbm.at[pl.ds(w_base + k * CHUNK, CHUNK)], ss)
        for d in sd:
            if d is not None:
                d.wait()

    return body(ix, x_table, y_table, t_table)


def kernel(position_ids, x_table, y_table, time_table):
    b, s, _ = position_ids.shape
    n_tokens = b * s
    per_worker = n_tokens // N_WORKERS
    n_chunks = per_worker // CHUNK
    ids = position_ids.reshape(n_tokens, 3).astype(jnp.int32)
    idx = (ids.T.reshape(3, N_WORKERS, n_chunks, CHUNK)
           .transpose(1, 0, 2, 3))
    out = _sc_embed_sum(idx, x_table, y_table, time_table, n_tokens)
    return out.reshape(b, s, HIDDEN)

# --- scband reference (transcript-rebuilt; emitter-appended) ---
"""Pipeline reference for scband-positional-embeddings-56264071578067 (READ-ONLY COPY).

The authoritative reference and input builder live on the scoring server;
editing this copy changes nothing except your own understanding.
"""

import jax, jax.numpy as jnp
import numpy as np

HIDDEN = 128
MAX_POS = 8192
B, S = 16, 2048

def setup_inputs(seed: int = 0) -> dict:
    key = jax.random.key(seed)
    k_ids, k_x, k_y, k_t = jax.random.split(key, 4)
    position_ids = jax.random.randint(k_ids, (B, S, 3), 0, MAX_POS, dtype=jnp.int64 if jax.config.jax_enable_x64 else jnp.int32)
    x_table = jax.random.normal(k_x, (MAX_POS, HIDDEN), dtype=jnp.float32)
    y_table = jax.random.normal(k_y, (MAX_POS, HIDDEN), dtype=jnp.float32)
    time_table = jax.random.normal(k_t, (MAX_POS, HIDDEN), dtype=jnp.float32)
    return {"position_ids": position_ids, "x_table": x_table, "y_table": y_table, "time_table": time_table}

def reference(position_ids, x_table, y_table, time_table):
    x_emb = jnp.take(x_table, position_ids[..., 0], axis=0)
    y_emb = jnp.take(y_table, position_ids[..., 1], axis=0)
    t_emb = jnp.take(time_table, position_ids[..., 2], axis=0)
    return x_emb + y_emb + t_emb

if __name__ == "__main__":
    import jax
    _d = setup_inputs()
    print(jax.jit(kernel)(*tuple(_d.values())))

</pallas_src>

<mosaic_0001>
#map = affine_map<(d0, d1) -> (0, 0, 0, 0)>
#map1 = affine_map<(d0, d1) -> (0, 0)>
module attributes {stable_mosaic.version = 14 : i64} {
  func.func @body(%arg0: i32, %arg1: i32, %arg2: memref<32x3x8x128xi32, #tpu.memory_space<hbm>>, %arg3: memref<8192x128xf32, #tpu.memory_space<hbm>>, %arg4: memref<8192x128xf32, #tpu.memory_space<hbm>>, %arg5: memref<8192x128xf32, #tpu.memory_space<hbm>>, %arg6: memref<32768x128xf32, #tpu.memory_space<hbm>>, %arg7: memref<3x8x128xi32, #tpu.memory_space<vmem>>, %arg8: memref<128x128xf32, #tpu.memory_space<vmem>>, %arg9: memref<128x128xf32, #tpu.memory_space<vmem>>, %arg10: memref<128x128xf32, #tpu.memory_space<vmem>>, %arg11: memref<128x128xf32, #tpu.memory_space<vmem>>, %arg12: memref<128x128xf32, #tpu.memory_space<vmem>>, %arg13: memref<128x128xf32, #tpu.memory_space<vmem>>, %arg14: memref<!tpu.dma_semaphore, #tpu.memory_space<semaphore_mem>>, %arg15: memref<!tpu.dma_semaphore, #tpu.memory_space<semaphore_mem>>, %arg16: memref<!tpu.dma_semaphore, #tpu.memory_space<semaphore_mem>>, %arg17: memref<!tpu.dma_semaphore, #tpu.memory_space<semaphore_mem>>) attributes {dimension_semantics = [#tpu.dimension_semantics<core_parallel>, #tpu.dimension_semantics<subcore_parallel>], iteration_bounds = array<i64: 2, 16>, scalar_prefetch = 0 : i64, scratch_operands = 11 : i64, tpu.core_type = #tpu.core_type<sc_vector_subcore>, window_params = [{transform_indices = #map}, {transform_indices = #map1}, {transform_indices = #map1}, {transform_indices = #map1}, {transform_indices = #map1}]} {
    %mul3A = arith.constant 2 : i32
    %mul3A_0 = arith.muli %arg1, %mul3A : i32
    %add3A = arith.addi %mul3A_0, %arg0 : i32
    %mul3A_1 = arith.constant 1024 : i32
    %mul3A_2 = arith.muli %add3A, %mul3A_1 : i32
    "tpu.region"() ({
      %run_scoped3A = tpu.sem_alloc : memref<!tpu.dma_semaphore, #tpu.memory_space<semaphore_mem>>
      %dma_start3A_520 = arith.constant 0 : i32
      %dma_start3A_521 = arith.constant 0 : i32
      %dma_start3A_522 = arith.constant 0 : i32
      %dma_start3A_523 = tpu.memref_slice %arg2[%add3A, %dma_start3A_520, %dma_start3A_521, %dma_start3A_522] : memref<32x3x8x128xi32, #tpu.memory_space<hbm>> -> memref<1x3x8x128xi32, #tpu.memory_space<hbm>>
      %dma_start3A_524 = tpu.memref_squeeze %dma_start3A_523 : memref<1x3x8x128xi32, #tpu.memory_space<hbm>> -> memref<3x8x128xi32, #tpu.memory_space<hbm>>
      %dma_start3A_525 = arith.constant 0 : i32
      %dma_start3A_526 = arith.constant 0 : i32
      %dma_start3A_527 = arith.constant 0 : i32
      %dma_start3A_528 = tpu.memref_slice %arg2[%add3A, %dma_start3A_525, %dma_start3A_526, %dma_start3A_527] : memref<32x3x8x128xi32, #tpu.memory_space<hbm>> -> memref<1x3x8x128xi32, #tpu.memory_space<hbm>>
      %dma_start3A_529 = tpu.memref_squeeze %dma_start3A_528 : memref<1x3x8x128xi32, #tpu.memory_space<hbm>> -> memref<3x8x128xi32, #tpu.memory_space<hbm>>
      tpu.enqueue_dma source(%dma_start3A_529 : memref<3x8x128xi32, #tpu.memory_space<hbm>>) target(%arg7 : memref<3x8x128xi32, #tpu.memory_space<vmem>>) target_semaphore(%run_scoped3A : memref<!tpu.dma_semaphore, #tpu.memory_space<semaphore_mem>>)
      %dma_wait3A_530 = arith.constant 0 : i32
      %dma_wait3A_531 = arith.constant 0 : i32
      %dma_wait3A_532 = arith.constant 0 : i32
      %dma_wait3A_533 = tpu.memref_slice %arg2[%add3A, %dma_wait3A_530, %dma_wait3A_531, %dma_wait3A_532] : memref<32x3x8x128xi32, #tpu.memory_space<hbm>> -> memref<1x3x8x128xi32, #tpu.memory_space<hbm>>
      %dma_wait3A_534 = tpu.memref_squeeze %dma_wait3A_533 : memref<1x3x8x128xi32, #tpu.memory_space<hbm>> -> memref<3x8x128xi32, #tpu.memory_space<hbm>>
      %dma_wait3A_535 = arith.constant 0 : i32
      %dma_wait3A_536 = arith.constant 0 : i32
      %dma_wait3A_537 = arith.constant 0 : i32
      %dma_wait3A_538 = tpu.memref_slice %arg2[%add3A, %dma_wait3A_535, %dma_wait3A_536, %dma_wait3A_537] : memref<32x3x8x128xi32, #tpu.memory_space<hbm>> -> memref<1x3x8x128xi32, #tpu.memory_space<hbm>>
      %dma_wait3A_539 = tpu.memref_squeeze %dma_wait3A_538 : memref<1x3x8x128xi32, #tpu.memory_space<hbm>> -> memref<3x8x128xi32, #tpu.memory_space<hbm>>
      tpu.wait_dma2 semaphore(%run_scoped3A : memref<!tpu.dma_semaphore, #tpu.memory_space<semaphore_mem>>) src(%dma_wait3A_539 : memref<3x8x128xi32, #tpu.memory_space<hbm>>) dst(%arg7 : memref<3x8x128xi32, #tpu.memory_space<vmem>>)
      tpu.yield
    }) : () -> ()
    %dma_start3A = arith.constant 0 : i32
    %dma_start3A_3 = arith.constant 0 : i32
    %dma_start3A_4 = arith.constant 0 : i32
    %dma_start3A_5 = tpu.memref_slice %arg7[%dma_start3A, %dma_start3A_3, %dma_start3A_4] : memref<3x8x128xi32, #tpu.memory_space<vmem>> -> memref<1x1x128xi32, #tpu.memory_space<vmem>>
    %dma_start3A_6 = tpu.memref_squeeze %dma_start3A_5 : memref<1x1x128xi32, #tpu.memory_space<vmem>> -> memref<128xi32, #tpu.memory_space<vmem>>
    %dma_start3A_7 = arith.constant 0 : i32
    %dma_start3A_8 = arith.constant 0 : i32
    %dma_start3A_9 = tpu.memref_slice %arg3[%dma_start3A_7, %dma_start3A_8] : memref<8192x128xf32, #tpu.memory_space<hbm>> -> memref<8192x128xf32, #tpu.memory_space<hbm>>
    tpu.enqueue_indirect_dma source(%dma_start3A_9 : memref<8192x128xf32, #tpu.memory_space<hbm>>) target(%arg8 : memref<128x128xf32, #tpu.memory_space<vmem>>) offsets(%dma_start3A_6 : memref<128xi32, #tpu.memory_space<vmem>>) semaphore(%arg14 : memref<!tpu.dma_semaphore, #tpu.memory_space<semaphore_mem>>)
    %dma_start3A_10 = arith.constant 1 : i32
    %dma_start3A_11 = arith.constant 0 : i32
    %dma_start3A_12 = arith.constant 0 : i32
    %dma_start3A_13 = tpu.memref_slice %arg7[%dma_start3A_10, %dma_start3A_11, %dma_start3A_12] : memref<3x8x128xi32, #tpu.memory_space<vmem>> -> memref<1x1x128xi32, #tpu.memory_space<vmem>>
    %dma_start3A_14 = tpu.memref_squeeze %dma_start3A_13 : memref<1x1x128xi32, #tpu.memory_space<vmem>> -> memref<128xi32, #tpu.memory_space<vmem>>
    %dma_start3A_15 = arith.constant 0 : i32
    %dma_start3A_16 = arith.constant 0 : i32
    %dma_start3A_17 = tpu.memref_slice %arg4[%dma_start3A_15, %dma_start3A_16] : memref<8192x128xf32, #tpu.memory_space<hbm>> -> memref<8192x128xf32, #tpu.memory_space<hbm>>
    tpu.enqueue_indirect_dma source(%dma_start3A_17 : memref<8192x128xf32, #tpu.memory_space<hbm>>) target(%arg9 : memref<128x128xf32, #tpu.memory_space<vmem>>) offsets(%dma_start3A_14 : memref<128xi32, #tpu.memory_space<vmem>>) semaphore(%arg14 : memref<!tpu.dma_semaphore, #tpu.memory_space<semaphore_mem>>)
    %dma_start3A_18 = arith.constant 2 : i32
    %dma_start3A_19 = arith.constant 0 : i32
    %dma_start3A_20 = arith.constant 0 : i32
    %dma_start3A_21 = tpu.memref_slice %arg7[%dma_start3A_18, %dma_start3A_19, %dma_start3A_20] : memref<3x8x128xi32, #tpu.memory_space<vmem>> -> memref<1x1x128xi32, #tpu.memory_space<vmem>>
    %dma_start3A_22 = tpu.memref_squeeze %dma_start3A_21 : memref<1x1x128xi32, #tpu.memory_space<vmem>> -> memref<128xi32, #tpu.memory_space<vmem>>
    %dma_start3A_23 = arith.constant 0 : i32
    %dma_start3A_24 = arith.constant 0 : i32
    %dma_start3A_25 = tpu.memref_slice %arg5[%dma_start3A_23, %dma_start3A_24] : memref<8192x128xf32, #tpu.memory_space<hbm>> -> memref<8192x128xf32, #tpu.memory_space<hbm>>
    tpu.enqueue_indirect_dma source(%dma_start3A_25 : memref<8192x128xf32, #tpu.memory_space<hbm>>) target(%arg10 : memref<128x128xf32, #tpu.memory_space<vmem>>) offsets(%dma_start3A_22 : memref<128xi32, #tpu.memory_space<vmem>>) semaphore(%arg14 : memref<!tpu.dma_semaphore, #tpu.memory_space<semaphore_mem>>)
    %dma_start3A_26 = arith.constant 0 : i32
    %dma_start3A_27 = arith.constant 1 : i32
    %dma_start3A_28 = arith.constant 0 : i32
    %dma_start3A_29 = tpu.memref_slice %arg7[%dma_start3A_26, %dma_start3A_27, %dma_start3A_28] : memref<3x8x128xi32, #tpu.memory_space<vmem>> -> memref<1x1x128xi32, #tpu.memory_space<vmem>>
    %dma_start3A_30 = tpu.memref_squeeze %dma_start3A_29 : memref<1x1x128xi32, #tpu.memory_space<vmem>> -> memref<128xi32, #tpu.memory_space<vmem>>
    %dma_start3A_31 = arith.constant 0 : i32
    %dma_start3A_32 = arith.constant 0 : i32
    %dma_start3A_33 = tpu.memref_slice %arg3[%dma_start3A_31, %dma_start3A_32] : memref<8192x128xf32, #tpu.memory_space<hbm>> -> memref<8192x128xf32, #tpu.memory_space<hbm>>
    tpu.enqueue_indirect_dma source(%dma_start3A_33 : memref<8192x128xf32, #tpu.memory_space<hbm>>) target(%arg11 : memref<128x128xf32, #tpu.memory_space<vmem>>) offsets(%dma_start3A_30 : memref<128xi32, #tpu.memory_space<vmem>>) semaphore(%arg15 : memref<!tpu.dma_semaphore, #tpu.memory_space<semaphore_mem>>)
    %dma_start3A_34 = arith.constant 1 : i32
    %dma_start3A_35 = arith.constant 1 : i32
    %dma_start3A_36 = arith.constant 0 : i32
    %dma_start3A_37 = tpu.memref_slice %arg7[%dma_start3A_34, %dma_start3A_35, %dma_start3A_36] : memref<3x8x128xi32, #tpu.memory_space<vmem>> -> memref<1x1x128xi32, #tpu.memory_space<vmem>>
    %dma_start3A_38 = tpu.memref_squeeze %dma_start3A_37 : memref<1x1x128xi32, #tpu.memory_space<vmem>> -> memref<128xi32, #tpu.memory_space<vmem>>
    %dma_start3A_39 = arith.constant 0 : i32
    %dma_start3A_40 = arith.constant 0 : i32
    %dma_start3A_41 = tpu.memref_slice %arg4[%dma_start3A_39, %dma_start3A_40] : memref<8192x128xf32, #tpu.memory_space<hbm>> -> memref<8192x128xf32, #tpu.memory_space<hbm>>
    tpu.enqueue_indirect_dma source(%dma_start3A_41 : memref<8192x128xf32, #tpu.memory_space<hbm>>) target(%arg12 : memref<128x128xf32, #tpu.memory_space<vmem>>) offsets(%dma_start3A_38 : memref<128xi32, #tpu.memory_space<vmem>>) semaphore(%arg15 : memref<!tpu.dma_semaphore, #tpu.memory_space<semaphore_mem>>)
    %dma_start3A_42 = arith.constant 2 : i32
    %dma_start3A_43 = arith.constant 1 : i32
    %dma_start3A_44 = arith.constant 0 : i32
    %dma_start3A_45 = tpu.memref_slice %arg7[%dma_start3A_42, %dma_start3A_43, %dma_start3A_44] : memref<3x8x128xi32, #tpu.memory_space<vmem>> -> memref<1x1x128xi32, #tpu.memory_space<vmem>>
    %dma_start3A_46 = tpu.memref_squeeze %dma_start3A_45 : memref<1x1x128xi32, #tpu.memory_space<vmem>> -> memref<128xi32, #tpu.memory_space<vmem>>
    %dma_start3A_47 = arith.constant 0 : i32
    %dma_start3A_48 = arith.constant 0 : i32
    %dma_start3A_49 = tpu.memref_slice %arg5[%dma_start3A_47, %dma_start3A_48] : memref<8192x128xf32, #tpu.memory_space<hbm>> -> memref<8192x128xf32, #tpu.memory_space<hbm>>
    tpu.enqueue_indirect_dma source(%dma_start3A_49 : memref<8192x128xf32, #tpu.memory_space<hbm>>) target(%arg13 : memref<128x128xf32, #tpu.memory_space<vmem>>) offsets(%dma_start3A_46 : memref<128xi32, #tpu.memory_space<vmem>>) semaphore(%arg15 : memref<!tpu.dma_semaphore, #tpu.memory_space<semaphore_mem>>)
    %dma_wait3A = arith.constant 0 : i32
    %dma_wait3A_50 = arith.constant 0 : i32
    %dma_wait3A_51 = arith.constant 0 : i32
    %dma_wait3A_52 = tpu.memref_slice %arg7[%dma_wait3A, %dma_wait3A_50, %dma_wait3A_51] : memref<3x8x128xi32, #tpu.memory_space<vmem>> -> memref<1x1x128xi32, #tpu.memory_space<vmem>>
    %dma_wait3A_53 = tpu.memref_squeeze %dma_wait3A_52 : memref<1x1x128xi32, #tpu.memory_space<vmem>> -> memref<128xi32, #tpu.memory_space<vmem>>
    %dma_wait3A_54 = arith.constant 0 : i32
    %dma_wait3A_55 = arith.constant 0 : i32
    %dma_wait3A_56 = tpu.memref_slice %arg3[%dma_wait3A_54, %dma_wait3A_55] : memref<8192x128xf32, #tpu.memory_space<hbm>> -> memref<8192x128xf32, #tpu.memory_space<hbm>>
    tpu.wait_indirect_dma semaphore(%arg14 : memref<!tpu.dma_semaphore, #tpu.memory_space<semaphore_mem>>) src(%dma_wait3A_56 : memref<8192x128xf32, #tpu.memory_space<hbm>>) dst(%arg8 : memref<128x128xf32, #tpu.memory_space<vmem>>)
    %dma_wait3A_57 = arith.constant 1 : i32
    %dma_wait3A_58 = arith.constant 0 : i32
    %dma_wait3A_59 = arith.constant 0 : i32
    %dma_wait3A_60 = tpu.memref_slice %arg7[%dma_wait3A_57, %dma_wait3A_58, %dma_wait3A_59] : memref<3x8x128xi32, #tpu.memory_space<vmem>> -> memref<1x1x128xi32, #tpu.memory_space<vmem>>
    %dma_wait3A_61 = tpu.memref_squeeze %dma_wait3A_60 : memref<1x1x128xi32, #tpu.memory_space<vmem>> -> memref<128xi32, #tpu.memory_space<vmem>>
    %dma_wait3A_62 = arith.constant 0 : i32
    %dma_wait3A_63 = arith.constant 0 : i32
    %dma_wait3A_64 = tpu.memref_slice %arg4[%dma_wait3A_62, %dma_wait3A_63] : memref<8192x128xf32, #tpu.memory_space<hbm>> -> memref<8192x128xf32, #tpu.memory_space<hbm>>
    tpu.wait_indirect_dma semaphore(%arg14 : memref<!tpu.dma_semaphore, #tpu.memory_space<semaphore_mem>>) src(%dma_wait3A_64 : memref<8192x128xf32, #tpu.memory_space<hbm>>) dst(%arg9 : memref<128x128xf32, #tpu.memory_space<vmem>>)
    %dma_wait3A_65 = arith.constant 2 : i32
    %dma_wait3A_66 = arith.constant 0 : i32
    %dma_wait3A_67 = arith.constant 0 : i32
    %dma_wait3A_68 = tpu.memref_slice %arg7[%dma_wait3A_65, %dma_wait3A_66, %dma_wait3A_67] : memref<3x8x128xi32, #tpu.memory_space<vmem>> -> memref<1x1x128xi32, #tpu.memory_space<vmem>>
    %dma_wait3A_69 = tpu.memref_squeeze %dma_wait3A_68 : memref<1x1x128xi32, #tpu.memory_space<vmem>> -> memref<128xi32, #tpu.memory_space<vmem>>
    %dma_wait3A_70 = arith.constant 0 : i32
    %dma_wait3A_71 = arith.constant 0 : i32
    %dma_wait3A_72 = tpu.memref_slice %arg5[%dma_wait3A_70, %dma_wait3A_71] : memref<8192x128xf32, #tpu.memory_space<hbm>> -> memref<8192x128xf32, #tpu.memory_space<hbm>>
    tpu.wait_indirect_dma semaphore(%arg14 : memref<!tpu.dma_semaphore, #tpu.memory_space<semaphore_mem>>) src(%dma_wait3A_72 : memref<8192x128xf32, #tpu.memory_space<hbm>>) dst(%arg10 : memref<128x128xf32, #tpu.memory_space<vmem>>)
    %scan3A = arith.constant 0 : i32
    %scan3A_73 = arith.constant 0 : i32
    %scan3A_74 = arith.constant 128 : i32
    %scan3A_75 = arith.addi %scan3A_73, %scan3A_74 : i32
    %scan3A_76 = arith.constant 1 : i32
    %scan3A_77 = scf.for %scan3A_520 = %scan3A_73 to %scan3A_75 step %scan3A_76 iter_args(%scan3A_521 = %scan3A) -> (i32)  : i32 {
      %get3A = arith.index_cast %scan3A_520 : i32 to index
      %get3A_522 = arith.constant 0 : index
      %get3A_523 = tpu.vector_load %arg9[%get3A, %get3A_522] {strides = array<i32>} : memref<128x128xf32, #tpu.memory_space<vmem>>, vector<1x16xf32>,
      %get3A_524 = vector.shape_cast %get3A_523 : vector<1x16xf32> to vector<16xf32>
      %get3A_525 = arith.index_cast %scan3A_520 : i32 to index
      %get3A_526 = arith.constant 0 : index
      %get3A_527 = tpu.vector_load %arg10[%get3A_525, %get3A_526] {strides = array<i32>} : memref<128x128xf32, #tpu.memory_space<vmem>>, vector<1x16xf32>,
      %get3A_528 = vector.shape_cast %get3A_527 : vector<1x16xf32> to vector<16xf32>
      %add3A_529 = arith.addf %get3A_524, %get3A_528 : vector<16xf32>
      %swap3A = arith.index_cast %scan3A_520 : i32 to index
      %swap3A_530 = arith.constant 0 : index
      %swap3A_531 = tpu.vector_load %arg8[%swap3A, %swap3A_530] {strides = array<i32>} : memref<128x128xf32, #tpu.memory_space<vmem>>, vector<1x16xf32>,
      %swap3A_532 = vector.shape_cast %swap3A_531 : vector<1x16xf32> to vector<16xf32>
      %swap3A_533 = vector.shape_cast %add3A_529 : vector<16xf32> to vector<1x16xf32>
      tpu.vector_store %arg8[%swap3A, %swap3A_530], %swap3A_533 {add = true, strides = array<i32>} : memref<128x128xf32, #tpu.memory_space<vmem>>, vector<1x16xf32>,
      %get3A_534 = arith.index_cast %scan3A_520 : i32 to index
      %get3A_535 = arith.constant 16 : index
      %get3A_536 = tpu.vector_load %arg9[%get3A_534, %get3A_535] {strides = array<i32>} : memref<128x128xf32, #tpu.memory_space<vmem>>, vector<1x16xf32>,
      %get3A_537 = vector.shape_cast %get3A_536 : vector<1x16xf32> to vector<16xf32>
      %get3A_538 = arith.index_cast %scan3A_520 : i32 to index
      %get3A_539 = arith.constant 16 : index
      %get3A_540 = tpu.vector_load %arg10[%get3A_538, %get3A_539] {strides = array<i32>} : memref<128x128xf32, #tpu.memory_space<vmem>>, vector<1x16xf32>,
      %get3A_541 = vector.shape_cast %get3A_540 : vector<1x16xf32> to vector<16xf32>
      %add3A_542 = arith.addf %get3A_537, %get3A_541 : vector<16xf32>
      %swap3A_543 = arith.index_cast %scan3A_520 : i32 to index
      %swap3A_544 = arith.constant 16 : index
      %swap3A_545 = tpu.vector_load %arg8[%swap3A_543, %swap3A_544] {strides = array<i32>} : memref<128x128xf32, #tpu.memory_space<vmem>>, vector<1x16xf32>,
      %swap3A_546 = vector.shape_cast %swap3A_545 : vector<1x16xf32> to vector<16xf32>
      %swap3A_547 = vector.shape_cast %add3A_542 : vector<16xf32> to vector<1x16xf32>
      tpu.vector_store %arg8[%swap3A_543, %swap3A_544], %swap3A_547 {add = true, strides = array<i32>} : memref<128x128xf32, #tpu.memory_space<vmem>>, vector<1x16xf32>,
      %get3A_548 = arith.index_cast %scan3A_520 : i32 to index
      %get3A_549 = arith.constant 32 : index
      %get3A_550 = tpu.vector_load %arg9[%get3A_548, %get3A_549] {strides = array<i32>} : memref<128x128xf32, #tpu.memory_space<vmem>>, vector<1x16xf32>,
      %get3A_551 = vector.shape_cast %get3A_550 : vector<1x16xf32> to vector<16xf32>
      %get3A_552 = arith.index_cast %scan3A_520 : i32 to index
      %get3A_553 = arith.constant 32 : index
      %get3A_554 = tpu.vector_load %arg10[%get3A_552, %get3A_553] {strides = array<i32>} : memref<128x128xf32, #tpu.memory_space<vmem>>, vector<1x16xf32>,
      %get3A_555 = vector.shape_cast %get3A_554 : vector<1x16xf32> to vector<16xf32>
      %add3A_556 = arith.addf %get3A_551, %get3A_555 : vector<16xf32>
      %swap3A_557 = arith.index_cast %scan3A_520 : i32 to index
      %swap3A_558 = arith.constant 32 : index
      %swap3A_559 = tpu.vector_load %arg8[%swap3A_557, %swap3A_558] {strides = array<i32>} : memref<128x128xf32, #tpu.memory_space<vmem>>, vector<1x16xf32>,
      %swap3A_560 = vector.shape_cast %swap3A_559 : vector<1x16xf32> to vector<16xf32>
      %swap3A_561 = vector.shape_cast %add3A_556 : vector<16xf32> to vector<1x16xf32>
      tpu.vector_store %arg8[%swap3A_557, %swap3A_558], %swap3A_561 {add = true, strides = array<i32>} : memref<128x128xf32, #tpu.memory_space<vmem>>, vector<1x16xf32>,
      %get3A_562 = arith.index_cast %scan3A_520 : i32 to index
      %get3A_563 = arith.constant 48 : index
      %get3A_564 = tpu.vector_load %arg9[%get3A_562, %get3A_563] {strides = array<i32>} : memref<128x128xf32, #tpu.memory_space<vmem>>, vector<1x16xf32>,
      %get3A_565 = vector.shape_cast %get3A_564 : vector<1x16xf32> to vector<16xf32>
      %get3A_566 = arith.index_cast %scan3A_520 : i32 to index
      %get3A_567 = arith.constant 48 : index
      %get3A_568 = tpu.vector_load %arg10[%get3A_566, %get3A_567] {strides = array<i32>} : memref<128x128xf32, #tpu.memory_space<vmem>>, vector<1x16xf32>,
      %get3A_569 = vector.shape_cast %get3A_568 : vector<1x16xf32> to vector<16xf32>
      %add3A_570 = arith.addf %get3A_565, %get3A_569 : vector<16xf32>
      %swap3A_571 = arith.index_cast %scan3A_520 : i32 to index
      %swap3A_572 = arith.constant 48 : index
      %swap3A_573 = tpu.vector_load %arg8[%swap3A_571, %swap3A_572] {strides = array<i32>} : memref<128x128xf32, #tpu.memory_space<vmem>>, vector<1x16xf32>,
      %swap3A_574 = vector.shape_cast %swap3A_573 : vector<1x16xf32> to vector<16xf32>
      %swap3A_575 = vector.shape_cast %add3A_570 : vector<16xf32> to vector<1x16xf32>
      tpu.vector_store %arg8[%swap3A_571, %swap3A_572], %swap3A_575 {add = true, strides = array<i32>} : memref<128x128xf32, #tpu.memory_space<vmem>>, vector<1x16xf32>,
      %get3A_576 = arith.index_cast %scan3A_520 : i32 to index
      %get3A_577 = arith.constant 64 : index
      %get3A_578 = tpu.vector_load %arg9[%get3A_576, %get3A_577] {strides = array<i32>} : memref<128x128xf32, #tpu.memory_space<vmem>>, vector<1x16xf32>,
      %get3A_579 = vector.shape_cast %get3A_578 : vector<1x16xf32> to vector<16xf32>
      %get3A_580 = arith.index_cast %scan3A_520 : i32 to index
      %get3A_581 = arith.constant 64 : index
      %get3A_582 = tpu.vector_load %arg10[%get3A_580, %get3A_581] {strides = array<i32>} : memref<128x128xf32, #tpu.memory_space<vmem>>, vector<1x16xf32>,
      %get3A_583 = vector.shape_cast %get3A_582 : vector<1x16xf32> to vector<16xf32>
      %add3A_584 = arith.addf %get3A_579, %get3A_583 : vector<16xf32>
      %swap3A_585 = arith.index_cast %scan3A_520 : i32 to index
      %swap3A_586 = arith.constant 64 : index
      %swap3A_587 = tpu.vector_load %arg8[%swap3A_585, %swap3A_586] {strides = array<i32>} : memref<128x128xf32, #tpu.memory_space<vmem>>, vector<1x16xf32>,
      %swap3A_588 = vector.shape_cast %swap3A_587 : vector<1x16xf32> to vector<16xf32>
      %swap3A_589 = vector.shape_cast %add3A_584 : vector<16xf32> to vector<1x16xf32>
      tpu.vector_store %arg8[%swap3A_585, %swap3A_586], %swap3A_589 {add = true, strides = array<i32>} : memref<128x128xf32, #tpu.memory_space<vmem>>, vector<1x16xf32>,
      %get3A_590 = arith.index_cast %scan3A_520 : i32 to index
      %get3A_591 = arith.constant 80 : index
      %get3A_592 = tpu.vector_load %arg9[%get3A_590, %get3A_591] {strides = array<i32>} : memref<128x128xf32, #tpu.memory_space<vmem>>, vector<1x16xf32>,
      %get3A_593 = vector.shape_cast %get3A_592 : vector<1x16xf32> to vector<16xf32>
      %get3A_594 = arith.index_cast %scan3A_520 : i32 to index
      %get3A_595 = arith.constant 80 : index
      %get3A_596 = tpu.vector_load %arg10[%get3A_594, %get3A_595] {strides = array<i32>} : memref<128x128xf32, #tpu.memory_space<vmem>>, vector<1x16xf32>,
      %get3A_597 = vector.shape_cast %get3A_596 : vector<1x16xf32> to vector<16xf32>
      %add3A_598 = arith.addf %get3A_593, %get3A_597 : vector<16xf32>
      %swap3A_599 = arith.index_cast %scan3A_520 : i32 to index
      %swap3A_600 = arith.constant 80 : index
      %swap3A_601 = tpu.vector_load %arg8[%swap3A_599, %swap3A_600] {strides = array<i32>} : memref<128x128xf32, #tpu.memory_space<vmem>>, vector<1x16xf32>,
      %swap3A_602 = vector.shape_cast %swap3A_601 : vector<1x16xf32> to vector<16xf32>
      %swap3A_603 = vector.shape_cast %add3A_598 : vector<16xf32> to vector<1x16xf32>
      tpu.vector_store %arg8[%swap3A_599, %swap3A_600], %swap3A_603 {add = true, strides = array<i32>} : memref<128x128xf32, #tpu.memory_space<vmem>>, vector<1x16xf32>,
      %get3A_604 = arith.index_cast %scan3A_520 : i32 to index
      %get3A_605 = arith.constant 96 : index
      %get3A_606 = tpu.vector_load %arg9[%get3A_604, %get3A_605] {strides = array<i32>} : memref<128x128xf32, #tpu.memory_space<vmem>>, vector<1x16xf32>,
      %get3A_607 = vector.shape_cast %get3A_606 : vector<1x16xf32> to vector<16xf32>
      %get3A_608 = arith.index_cast %scan3A_520 : i32 to index
      %get3A_609 = arith.constant 96 : index
      %get3A_610 = tpu.vector_load %arg10[%get3A_608, %get3A_609] {strides = array<i32>} : memref<128x128xf32, #tpu.memory_space<vmem>>, vector<1x16xf32>,
      %get3A_611 = vector.shape_cast %get3A_610 : vector<1x16xf32> to vector<16xf32>
      %add3A_612 = arith.addf %get3A_607, %get3A_611 : vector<16xf32>
      %swap3A_613 = arith.index_cast %scan3A_520 : i32 to index
      %swap3A_614 = arith.constant 96 : index
      %swap3A_615 = tpu.vector_load %arg8[%swap3A_613, %swap3A_614] {strides = array<i32>} : memref<128x128xf32, #tpu.memory_space<vmem>>, vector<1x16xf32>,
      %swap3A_616 = vector.shape_cast %swap3A_615 : vector<1x16xf32> to vector<16xf32>
      %swap3A_617 = vector.shape_cast %add3A_612 : vector<16xf32> to vector<1x16xf32>
      tpu.vector_store %arg8[%swap3A_613, %swap3A_614], %swap3A_617 {add = true, strides = array<i32>} : memref<128x128xf32, #tpu.memory_space<vmem>>, vector<1x16xf32>,
      %get3A_618 = arith.index_cast %scan3A_520 : i32 to index
      %get3A_619 = arith.constant 112 : index
      %get3A_620 = tpu.vector_load %arg9[%get3A_618, %get3A_619] {strides = array<i32>} : memref<128x128xf32, #tpu.memory_space<vmem>>, vector<1x16xf32>,
      %get3A_621 = vector.shape_cast %get3A_620 : vector<1x16xf32> to vector<16xf32>
      %get3A_622 = arith.index_cast %scan3A_520 : i32 to index
      %get3A_623 = arith.constant 112 : index
      %get3A_624 = tpu.vector_load %arg10[%get3A_622, %get3A_623] {strides = array<i32>} : memref<128x128xf32, #tpu.memory_space<vmem>>, vector<1x16xf32>,
      %get3A_625 = vector.shape_cast %get3A_624 : vector<1x16xf32> to vector<16xf32>
      %add3A_626 = arith.addf %get3A_621, %get3A_625 : vector<16xf32>
      %swap3A_627 = arith.index_cast %scan3A_520 : i32 to index
      %swap3A_628 = arith.constant 112 : index
      %swap3A_629 = tpu.vector_load %arg8[%swap3A_627, %swap3A_628] {strides = array<i32>} : memref<128x128xf32, #tpu.memory_space<vmem>>, vector<1x16xf32>,
      %swap3A_630 = vector.shape_cast %swap3A_629 : vector<1x16xf32> to vector<16xf32>
      %swap3A_631 = vector.shape_cast %add3A_626 : vector<16xf32> to vector<1x16xf32>
      tpu.vector_store %arg8[%swap3A_627, %swap3A_628], %swap3A_631 {add = true, strides = array<i32>} : memref<128x128xf32, #tpu.memory_space<vmem>>, vector<1x16xf32>,
      %scan3A_632 = arith.constant 0 : i32
      scf.yield %scan3A_632 : i32
    }
    %scan3A_78 = arith.constant 128 : i32
    %add3A_79 = arith.constant 0 : i32
    %add3A_80 = arith.addi %mul3A_2, %add3A_79 : i32
    %dma_start3A_81 = arith.constant 0 : i32
    %dma_start3A_82 = tpu.memref_slice %arg6[%add3A_80, %dma_start3A_81] : memref<32768x128xf32, #tpu.memory_space<hbm>> -> memref<128x128xf32, #tpu.memory_space<hbm>>
    %dma_start3A_83 = arith.constant 0 : i32
    %dma_start3A_84 = tpu.memref_slice %arg6[%add3A_80, %dma_start3A_83] : memref<32768x128xf32, #tpu.memory_space<hbm>> -> memref<128x128xf32, #tpu.memory_space<hbm>>
    tpu.enqueue_dma source(%arg8 : memref<128x128xf32, #tpu.memory_space<vmem>>) target(%dma_start3A_84 : memref<128x128xf32, #tpu.memory_space<hbm>>) target_semaphore(%arg16 : memref<!tpu.dma_semaphore, #tpu.memory_space<semaphore_mem>>)
    %dma_wait3A_85 = arith.constant 0 : i32
    %dma_wait3A_86 = tpu.memref_slice %arg6[%add3A_80, %dma_wait3A_85] : memref<32768x128xf32, #tpu.memory_space<hbm>> -> memref<128x128xf32, #tpu.memory_space<hbm>>
    %dma_wait3A_87 = arith.constant 0 : i32
    %dma_wait3A_88 = tpu.memref_slice %arg6[%add3A_80, %dma_wait3A_87] : memref<32768x128xf32, #tpu.memory_space<hbm>> -> memref<128x128xf32, #tpu.memory_space<hbm>>
    tpu.wait_dma2 semaphore(%arg16 : memref<!tpu.dma_semaphore, #tpu.memory_space<semaphore_mem>>) src(%arg8 : memref<128x128xf32, #tpu.memory_space<vmem>>) dst(%dma_wait3A_88 : memref<128x128xf32, #tpu.memory_space<hbm>>)
    %dma_start3A_89 = arith.constant 0 : i32
    %dma_start3A_90 = arith.constant 2 : i32
    %dma_start3A_91 = arith.constant 0 : i32
    %dma_start3A_92 = tpu.memref_slice %arg7[%dma_start3A_89, %dma_start3A_90, %dma_start3A_91] : memref<3x8x128xi32, #tpu.memory_space<vmem>> -> memref<1x1x128xi32, #tpu.memory_space<vmem>>
    %dma_start3A_93 = tpu.memref_squeeze %dma_start3A_92 : memref<1x1x128xi32, #tpu.memory_space<vmem>> -> memref<128xi32, #tpu.memory_space<vmem>>
    %dma_start3A_94 = arith.constant 0 : i32
    %dma_start3A_95 = arith.constant 0 : i32
    %dma_start3A_96 = tpu.memref_slice %arg3[%dma_start3A_94, %dma_start3A_95] : memref<8192x128xf32, #tpu.memory_space<hbm>> -> memref<8192x128xf32, #tpu.memory_space<hbm>>
    tpu.enqueue_indirect_dma source(%dma_start3A_96 : memref<8192x128xf32, #tpu.memory_space<hbm>>) target(%arg8 : memref<128x128xf32, #tpu.memory_space<vmem>>) offsets(%dma_start3A_93 : memref<128xi32, #tpu.memory_space<vmem>>) semaphore(%arg14 : memref<!tpu.dma_semaphore, #tpu.memory_space<semaphore_mem>>)
    %dma_start3A_97 = arith.constant 1 : i32
    %dma_start3A_98 = arith.constant 2 : i32
    %dma_start3A_99 = arith.constant 0 : i32
    %dma_start3A_100 = tpu.memref_slice %arg7[%dma_start3A_97, %dma_start3A_98, %dma_start3A_99] : memref<3x8x128xi32, #tpu.memory_space<vmem>> -> memref<1x1x128xi32, #tpu.memory_space<vmem>>
    %dma_start3A_101 = tpu.memref_squeeze %dma_start3A_100 : memref<1x1x128xi32, #tpu.memory_space<vmem>> -> memref<128xi32, #tpu.memory_space<vmem>>
    %dma_start3A_102 = arith.constant 0 : i32
    %dma_start3A_103 = arith.constant 0 : i32
    %dma_start3A_104 = tpu.memref_slice %arg4[%dma_start3A_102, %dma_start3A_103] : memref<8192x128xf32, #tpu.memory_space<hbm>> -> memref<8192x128xf32, #tpu.memory_space<hbm>>
    tpu.enqueue_indirect_dma source(%dma_start3A_104 : memref<8192x128xf32, #tpu.memory_space<hbm>>) target(%arg9 : memref<128x128xf32, #tpu.memory_space<vmem>>) offsets(%dma_start3A_101 : memref<128xi32, #tpu.memory_space<vmem>>) semaphore(%arg14 : memref<!tpu.dma_semaphore, #tpu.memory_space<semaphore_mem>>)
    %dma_start3A_105 = arith.constant 2 : i32
    %dma_start3A_106 = arith.constant 2 : i32
    %dma_start3A_107 = arith.constant 0 : i32
    %dma_start3A_108 = tpu.memref_slice %arg7[%dma_start3A_105, %dma_start3A_106, %dma_start3A_107] : memref<3x8x128xi32, #tpu.memory_space<vmem>> -> memref<1x1x128xi32, #tpu.memory_space<vmem>>
    %dma_start3A_109 = tpu.memref_squeeze %dma_start3A_108 : memref<1x1x128xi32, #tpu.memory_space<vmem>> -> memref<128xi32, #tpu.memory_space<vmem>>
    %dma_start3A_110 = arith.constant 0 : i32
    %dma_start3A_111 = arith.constant 0 : i32
    %dma_start3A_112 = tpu.memref_slice %arg5[%dma_start3A_110, %dma_start3A_111] : memref<8192x128xf32, #tpu.memory_space<hbm>> -> memref<8192x128xf32, #tpu.memory_space<hbm>>
    tpu.enqueue_indirect_dma source(%dma_start3A_112 : memref<8192x128xf32, #tpu.memory_space<hbm>>) target(%arg10 : memref<128x128xf32, #tpu.memory_space<vmem>>) offsets(%dma_start3A_109 : memref<128xi32, #tpu.memory_space<vmem>>) semaphore(%arg14 : memref<!tpu.dma_semaphore, #tpu.memory_space<semaphore_mem>>)
    %dma_wait3A_113 = arith.constant 0 : i32
    %dma_wait3A_114 = arith.constant 1 : i32
    %dma_wait3A_115 = arith.constant 0 : i32
    %dma_wait3A_116 = tpu.memref_slice %arg7[%dma_wait3A_113, %dma_wait3A_114, %dma_wait3A_115] : memref<3x8x128xi32, #tpu.memory_space<vmem>> -> memref<1x1x128xi32, #tpu.memory_space<vmem>>
    %dma_wait3A_117 = tpu.memref_squeeze %dma_wait3A_116 : memref<1x1x128xi32, #tpu.memory_space<vmem>> -> memref<128xi32, #tpu.memory_space<vmem>>
    %dma_wait3A_118 = arith.constant 0 : i32
    %dma_wait3A_119 = arith.constant 0 : i32
    %dma_wait3A_120 = tpu.memref_slice %arg3[%dma_wait3A_118, %dma_wait3A_119] : memref<8192x128xf32, #tpu.memory_space<hbm>> -> memref<8192x128xf32, #tpu.memory_space<hbm>>
    tpu.wait_indirect_dma semaphore(%arg15 : memref<!tpu.dma_semaphore, #tpu.memory_space<semaphore_mem>>) src(%dma_wait3A_120 : memref<8192x128xf32, #tpu.memory_space<hbm>>) dst(%arg11 : memref<128x128xf32, #tpu.memory_space<vmem>>)
    %dma_wait3A_121 = arith.constant 1 : i32
    %dma_wait3A_122 = arith.constant 1 : i32
    %dma_wait3A_123 = arith.constant 0 : i32
    %dma_wait3A_124 = tpu.memref_slice %arg7[%dma_wait3A_121, %dma_wait3A_122, %dma_wait3A_123] : memref<3x8x128xi32, #tpu.memory_space<vmem>> -> memref<1x1x128xi32, #tpu.memory_space<vmem>>
    %dma_wait3A_125 = tpu.memref_squeeze %dma_wait3A_124 : memref<1x1x128xi32, #tpu.memory_space<vmem>> -> memref<128xi32, #tpu.memory_space<vmem>>
    %dma_wait3A_126 = arith.constant 0 : i32
    %dma_wait3A_127 = arith.constant 0 : i32
    %dma_wait3A_128 = tpu.memref_slice %arg4[%dma_wait3A_126, %dma_wait3A_127] : memref<8192x128xf32, #tpu.memory_space<hbm>> -> memref<8192x128xf32, #tpu.memory_space<hbm>>
    tpu.wait_indirect_dma semaphore(%arg15 : memref<!tpu.dma_semaphore, #tpu.memory_space<semaphore_mem>>) src(%dma_wait3A_128 : memref<8192x128xf32, #tpu.memory_space<hbm>>) dst(%arg12 : memref<128x128xf32, #tpu.memory_space<vmem>>)
    %dma_wait3A_129 = arith.constant 2 : i32
    %dma_wait3A_130 = arith.constant 1 : i32
    %dma_wait3A_131 = arith.constant 0 : i32
    %dma_wait3A_132 = tpu.memref_slice %arg7[%dma_wait3A_129, %dma_wait3A_130, %dma_wait3A_131] : memref<3x8x128xi32, #tpu.memory_space<vmem>> -> memref<1x1x128xi32, #tpu.memory_space<vmem>>
    %dma_wait3A_133 = tpu.memref_squeeze %dma_wait3A_132 : memref<1x1x128xi32, #tpu.memory_space<vmem>> -> memref<128xi32, #tpu.memory_space<vmem>>
    %dma_wait3A_134 = arith.constant 0 : i32
    %dma_wait3A_135 = arith.constant 0 : i32
    %dma_wait3A_136 = tpu.memref_slice %arg5[%dma_wait3A_134, %dma_wait3A_135] : memref<8192x128xf32, #tpu.memory_space<hbm>> -> memref<8192x128xf32, #tpu.memory_space<hbm>>
    tpu.wait_indirect_dma semaphore(%arg15 : memref<!tpu.dma_semaphore, #tpu.memory_space<semaphore_mem>>) src(%dma_wait3A_136 : memref<8192x128xf32, #tpu.memory_space<hbm>>) dst(%arg13 : memref<128x128xf32, #tpu.memory_space<vmem>>)
    %scan3A_137 = arith.constant 0 : i32
    %scan3A_138 = arith.constant 0 : i32
    %scan3A_139 = arith.constant 128 : i32
    %scan3A_140 = arith.addi %scan3A_138, %scan3A_139 : i32
    %scan3A_141 = arith.constant 1 : i32
    %scan3A_142 = scf.for %scan3A_520 = %scan3A_138 to %scan3A_140 step %scan3A_141 iter_args(%scan3A_521 = %scan3A_137) -> (i32)  : i32 {
      %get3A = arith.index_cast %scan3A_520 : i32 to index
      %get3A_522 = arith.constant 0 : index
      %get3A_523 = tpu.vector_load %arg12[%get3A, %get3A_522] {strides = array<i32>} : memref<128x128xf32, #tpu.memory_space<vmem>>, vector<1x16xf32>,
      %get3A_524 = vector.shape_cast %get3A_523 : vector<1x16xf32> to vector<16xf32>
      %get3A_525 = arith.index_cast %scan3A_520 : i32 to index
      %get3A_526 = arith.constant 0 : index
      %get3A_527 = tpu.vector_load %arg13[%get3A_525, %get3A_526] {strides = array<i32>} : memref<128x128xf32, #tpu.memory_space<vmem>>, vector<1x16xf32>,
      %get3A_528 = vector.shape_cast %get3A_527 : vector<1x16xf32> to vector<16xf32>
      %add3A_529 = arith.addf %get3A_524, %get3A_528 : vector<16xf32>
      %swap3A = arith.index_cast %scan3A_520 : i32 to index
      %swap3A_530 = arith.constant 0 : index
      %swap3A_531 = tpu.vector_load %arg11[%swap3A, %swap3A_530] {strides = array<i32>} : memref<128x128xf32, #tpu.memory_space<vmem>>, vector<1x16xf32>,
      %swap3A_532 = vector.shape_cast %swap3A_531 : vector<1x16xf32> to vector<16xf32>
      %swap3A_533 = vector.shape_cast %add3A_529 : vector<16xf32> to vector<1x16xf32>
      tpu.vector_store %arg11[%swap3A, %swap3A_530], %swap3A_533 {add = true, strides = array<i32>} : memref<128x128xf32, #tpu.memory_space<vmem>>, vector<1x16xf32>,
      %get3A_534 = arith.index_cast %scan3A_520 : i32 to index
      %get3A_535 = arith.constant 16 : index
      %get3A_536 = tpu.vector_load %arg12[%get3A_534, %get3A_535] {strides = array<i32>} : memref<128x128xf32, #tpu.memory_space<vmem>>, vector<1x16xf32>,
      %get3A_537 = vector.shape_cast %get3A_536 : vector<1x16xf32> to vector<16xf32>
      %get3A_538 = arith.index_cast %scan3A_520 : i32 to index
      %get3A_539 = arith.constant 16 : index
      %get3A_540 = tpu.vector_load %arg13[%get3A_538, %get3A_539] {strides = array<i32>} : memref<128x128xf32, #tpu.memory_space<vmem>>, vector<1x16xf32>,
      %get3A_541 = vector.shape_cast %get3A_540 : vector<1x16xf32> to vector<16xf32>
      %add3A_542 = arith.addf %get3A_537, %get3A_541 : vector<16xf32>
      %swap3A_543 = arith.index_cast %scan3A_520 : i32 to index
      %swap3A_544 = arith.constant 16 : index
      %swap3A_545 = tpu.vector_load %arg11[%swap3A_543, %swap3A_544] {strides = array<i32>} : memref<128x128xf32, #tpu.memory_space<vmem>>, vector<1x16xf32>,
      %swap3A_546 = vector.shape_cast %swap3A_545 : vector<1x16xf32> to vector<16xf32>
      %swap3A_547 = vector.shape_cast %add3A_542 : vector<16xf32> to vector<1x16xf32>
      tpu.vector_store %arg11[%swap3A_543, %swap3A_544], %swap3A_547 {add = true, strides = array<i32>} : memref<128x128xf32, #tpu.memory_space<vmem>>, vector<1x16xf32>,
      %get3A_548 = arith.index_cast %scan3A_520 : i32 to index
      %get3A_549 = arith.constant 32 : index
      %get3A_550 = tpu.vector_load %arg12[%get3A_548, %get3A_549] {strides = array<i32>} : memref<128x128xf32, #tpu.memory_space<vmem>>, vector<1x16xf32>,
      %get3A_551 = vector.shape_cast %get3A_550 : vector<1x16xf32> to vector<16xf32>
      %get3A_552 = arith.index_cast %scan3A_520 : i32 to index
      %get3A_553 = arith.constant 32 : index
      %get3A_554 = tpu.vector_load %arg13[%get3A_552, %get3A_553] {strides = array<i32>} : memref<128x128xf32, #tpu.memory_space<vmem>>, vector<1x16xf32>,
      %get3A_555 = vector.shape_cast %get3A_554 : vector<1x16xf32> to vector<16xf32>
      %add3A_556 = arith.addf %get3A_551, %get3A_555 : vector<16xf32>
      %swap3A_557 = arith.index_cast %scan3A_520 : i32 to index
      %swap3A_558 = arith.constant 32 : index
      %swap3A_559 = tpu.vector_load %arg11[%swap3A_557, %swap3A_558] {strides = array<i32>} : memref<128x128xf32, #tpu.memory_space<vmem>>, vector<1x16xf32>,
      %swap3A_560 = vector.shape_cast %swap3A_559 : vector<1x16xf32> to vector<16xf32>
      %swap3A_561 = vector.shape_cast %add3A_556 : vector<16xf32> to vector<1x16xf32>
      tpu.vector_store %arg11[%swap3A_557, %swap3A_558], %swap3A_561 {add = true, strides = array<i32>} : memref<128x128xf32, #tpu.memory_space<vmem>>, vector<1x16xf32>,
      %get3A_562 = arith.index_cast %scan3A_520 : i32 to index
      %get3A_563 = arith.constant 48 : index
      %get3A_564 = tpu.vector_load %arg12[%get3A_562, %get3A_563] {strides = array<i32>} : memref<128x128xf32, #tpu.memory_space<vmem>>, vector<1x16xf32>,
      %get3A_565 = vector.shape_cast %get3A_564 : vector<1x16xf32> to vector<16xf32>
      %get3A_566 = arith.index_cast %scan3A_520 : i32 to index
      %get3A_567 = arith.constant 48 : index
      %get3A_568 = tpu.vector_load %arg13[%get3A_566, %get3A_567] {strides = array<i32>} : memref<128x128xf32, #tpu.memory_space<vmem>>, vector<1x16xf32>,
      %get3A_569 = vector.shape_cast %get3A_568 : vector<1x16xf32> to vector<16xf32>
      %add3A_570 = arith.addf %get3A_565, %get3A_569 : vector<16xf32>
      %swap3A_571 = arith.index_cast %scan3A_520 : i32 to index
      %swap3A_572 = arith.constant 48 : index
      %swap3A_573 = tpu.vector_load %arg11[%swap3A_571, %swap3A_572] {strides = array<i32>} : memref<128x128xf32, #tpu.memory_space<vmem>>, vector<1x16xf32>,
      %swap3A_574 = vector.shape_cast %swap3A_573 : vector<1x16xf32> to vector<16xf32>
      %swap3A_575 = vector.shape_cast %add3A_570 : vector<16xf32> to vector<1x16xf32>
      tpu.vector_store %arg11[%swap3A_571, %swap3A_572], %swap3A_575 {add = true, strides = array<i32>} : memref<128x128xf32, #tpu.memory_space<vmem>>, vector<1x16xf32>,
      %get3A_576 = arith.index_cast %scan3A_520 : i32 to index
      %get3A_577 = arith.constant 64 : index
      %get3A_578 = tpu.vector_load %arg12[%get3A_576, %get3A_577] {strides = array<i32>} : memref<128x128xf32, #tpu.memory_space<vmem>>, vector<1x16xf32>,
      %get3A_579 = vector.shape_cast %get3A_578 : vector<1x16xf32> to vector<16xf32>
      %get3A_580 = arith.index_cast %scan3A_520 : i32 to index
      %get3A_581 = arith.constant 64 : index
      %get3A_582 = tpu.vector_load %arg13[%get3A_580, %get3A_581] {strides = array<i32>} : memref<128x128xf32, #tpu.memory_space<vmem>>, vector<1x16xf32>,
      %get3A_583 = vector.shape_cast %get3A_582 : vector<1x16xf32> to vector<16xf32>
      %add3A_584 = arith.addf %get3A_579, %get3A_583 : vector<16xf32>
      %swap3A_585 = arith.index_cast %scan3A_520 : i32 to index
      %swap3A_586 = arith.constant 64 : index
      %swap3A_587 = tpu.vector_load %arg11[%swap3A_585, %swap3A_586] {strides = array<i32>} : memref<128x128xf32, #tpu.memory_space<vmem>>, vector<1x16xf32>,
      %swap3A_588 = vector.shape_cast %swap3A_587 : vector<1x16xf32> to vector<16xf32>
      %swap3A_589 = vector.shape_cast %add3A_584 : vector<16xf32> to vector<1x16xf32>
      tpu.vector_store %arg11[%swap3A_585, %swap3A_586], %swap3A_589 {add = true, strides = array<i32>} : memref<128x128xf32, #tpu.memory_space<vmem>>, vector<1x16xf32>,
      %get3A_590 = arith.index_cast %scan3A_520 : i32 to index
      %get3A_591 = arith.constant 80 : index
      %get3A_592 = tpu.vector_load %arg12[%get3A_590, %get3A_591] {strides = array<i32>} : memref<128x128xf32, #tpu.memory_space<vmem>>, vector<1x16xf32>,
      %get3A_593 = vector.shape_cast %get3A_592 : vector<1x16xf32> to vector<16xf32>
      %get3A_594 = arith.index_cast %scan3A_520 : i32 to index
      %get3A_595 = arith.constant 80 : index
      %get3A_596 = tpu.vector_load %arg13[%get3A_594, %get3A_595] {strides = array<i32>} : memref<128x128xf32, #tpu.memory_space<vmem>>, vector<1x16xf32>,
      %get3A_597 = vector.shape_cast %get3A_596 : vector<1x16xf32> to vector<16xf32>
      %add3A_598 = arith.addf %get3A_593, %get3A_597 : vector<16xf32>
      %swap3A_599 = arith.index_cast %scan3A_520 : i32 to index
      %swap3A_600 = arith.constant 80 : index
      %swap3A_601 = tpu.vector_load %arg11[%swap3A_599, %swap3A_600] {strides = array<i32>} : memref<128x128xf32, #tpu.memory_space<vmem>>, vector<1x16xf32>,
      %swap3A_602 = vector.shape_cast %swap3A_601 : vector<1x16xf32> to vector<16xf32>
      %swap3A_603 = vector.shape_cast %add3A_598 : vector<16xf32> to vector<1x16xf32>
      tpu.vector_store %arg11[%swap3A_599, %swap3A_600], %swap3A_603 {add = true, strides = array<i32>} : memref<128x128xf32, #tpu.memory_space<vmem>>, vector<1x16xf32>,
      %get3A_604 = arith.index_cast %scan3A_520 : i32 to index
      %get3A_605 = arith.constant 96 : index
      %get3A_606 = tpu.vector_load %arg12[%get3A_604, %get3A_605] {strides = array<i32>} : memref<128x128xf32, #tpu.memory_space<vmem>>, vector<1x16xf32>,
      %get3A_607 = vector.shape_cast %get3A_606 : vector<1x16xf32> to vector<16xf32>
      %get3A_608 = arith.index_cast %scan3A_520 : i32 to index
      %get3A_609 = arith.constant 96 : index
      %get3A_610 = tpu.vector_load %arg13[%get3A_608, %get3A_609] {strides = array<i32>} : memref<128x128xf32, #tpu.memory_space<vmem>>, vector<1x16xf32>,
      %get3A_611 = vector.shape_cast %get3A_610 : vector<1x16xf32> to vector<16xf32>
      %add3A_612 = arith.addf %get3A_607, %get3A_611 : vector<16xf32>
      %swap3A_613 = arith.index_cast %scan3A_520 : i32 to index
      %swap3A_614 = arith.constant 96 : index
      %swap3A_615 = tpu.vector_load %arg11[%swap3A_613, %swap3A_614] {strides = array<i32>} : memref<128x128xf32, #tpu.memory_space<vmem>>, vector<1x16xf32>,
      %swap3A_616 = vector.shape_cast %swap3A_615 : vector<1x16xf32> to vector<16xf32>
      %swap3A_617 = vector.shape_cast %add3A_612 : vector<16xf32> to vector<1x16xf32>
      tpu.vector_store %arg11[%swap3A_613, %swap3A_614], %swap3A_617 {add = true, strides = array<i32>} : memref<128x128xf32, #tpu.memory_space<vmem>>, vector<1x16xf32>,
      %get3A_618 = arith.index_cast %scan3A_520 : i32 to index
      %get3A_619 = arith.constant 112 : index
      %get3A_620 = tpu.vector_load %arg12[%get3A_618, %get3A_619] {strides = array<i32>} : memref<128x128xf32, #tpu.memory_space<vmem>>, vector<1x16xf32>,
      %get3A_621 = vector.shape_cast %get3A_620 : vector<1x16xf32> to vector<16xf32>
      %get3A_622 = arith.index_cast %scan3A_520 : i32 to index
      %get3A_623 = arith.constant 112 : index
      %get3A_624 = tpu.vector_load %arg13[%get3A_622, %get3A_623] {strides = array<i32>} : memref<128x128xf32, #tpu.memory_space<vmem>>, vector<1x16xf32>,
      %get3A_625 = vector.shape_cast %get3A_624 : vector<1x16xf32> to vector<16xf32>
      %add3A_626 = arith.addf %get3A_621, %get3A_625 : vector<16xf32>
      %swap3A_627 = arith.index_cast %scan3A_520 : i32 to index
      %swap3A_628 = arith.constant 112 : index
      %swap3A_629 = tpu.vector_load %arg11[%swap3A_627, %swap3A_628] {strides = array<i32>} : memref<128x128xf32, #tpu.memory_space<vmem>>, vector<1x16xf32>,
      %swap3A_630 = vector.shape_cast %swap3A_629 : vector<1x16xf32> to vector<16xf32>
      %swap3A_631 = vector.shape_cast %add3A_626 : vector<16xf32> to vector<1x16xf32>
      tpu.vector_store %arg11[%swap3A_627, %swap3A_628], %swap3A_631 {add = true, strides = array<i32>} : memref<128x128xf32, #tpu.memory_space<vmem>>, vector<1x16xf32>,
      %scan3A_632 = arith.constant 0 : i32
      scf.yield %scan3A_632 : i32
    }
    %scan3A_143 = arith.constant 128 : i32
    %add3A_144 = arith.constant 128 : i32
    %add3A_145 = arith.addi %mul3A_2, %add3A_144 : i32
    %dma_start3A_146 = arith.constant 0 : i32
    %dma_start3A_147 = tpu.memref_slice %arg6[%add3A_145, %dma_start3A_146] : memref<32768x128xf32, #tpu.memory_space<hbm>> -> memref<128x128xf32, #tpu.memory_space<hbm>>
    %dma_start3A_148 = arith.constant 0 : i32
    %dma_start3A_149 = tpu.memref_slice %arg6[%add3A_145, %dma_start3A_148] : memref<32768x128xf32, #tpu.memory_space<hbm>> -> memref<128x128xf32, #tpu.memory_space<hbm>>
    tpu.enqueue_dma source(%arg11 : memref<128x128xf32, #tpu.memory_space<vmem>>) target(%dma_start3A_149 : memref<128x128xf32, #tpu.memory_space<hbm>>) target_semaphore(%arg17 : memref<!tpu.dma_semaphore, #tpu.memory_space<semaphore_mem>>)
    %dma_wait3A_150 = arith.constant 0 : i32
    %dma_wait3A_151 = tpu.memref_slice %arg6[%add3A_145, %dma_wait3A_150] : memref<32768x128xf32, #tpu.memory_space<hbm>> -> memref<128x128xf32, #tpu.memory_space<hbm>>
    %dma_wait3A_152 = arith.constant 0 : i32
    %dma_wait3A_153 = tpu.memref_slice %arg6[%add3A_145, %dma_wait3A_152] : memref<32768x128xf32, #tpu.memory_space<hbm>> -> memref<128x128xf32, #tpu.memory_space<hbm>>
    tpu.wait_dma2 semaphore(%arg17 : memref<!tpu.dma_semaphore, #tpu.memory_space<semaphore_mem>>) src(%arg11 : memref<128x128xf32, #tpu.memory_space<vmem>>) dst(%dma_wait3A_153 : memref<128x128xf32, #tpu.memory_space<hbm>>)
    %dma_start3A_154 = arith.constant 0 : i32
    %dma_start3A_155 = arith.constant 3 : i32
    %dma_start3A_156 = arith.constant 0 : i32
    %dma_start3A_157 = tpu.memref_slice %arg7[%dma_start3A_154, %dma_start3A_155, %dma_start3A_156] : memref<3x8x128xi32, #tpu.memory_space<vmem>> -> memref<1x1x128xi32, #tpu.memory_space<vmem>>
    %dma_start3A_158 = tpu.memref_squeeze %dma_start3A_157 : memref<1x1x128xi32, #tpu.memory_space<vmem>> -> memref<128xi32, #tpu.memory_space<vmem>>
    %dma_start3A_159 = arith.constant 0 : i32
    %dma_start3A_160 = arith.constant 0 : i32
    %dma_start3A_161 = tpu.memref_slice %arg3[%dma_start3A_159, %dma_start3A_160] : memref<8192x128xf32, #tpu.memory_space<hbm>> -> memref<8192x128xf32, #tpu.memory_space<hbm>>
    tpu.enqueue_indirect_dma source(%dma_start3A_161 : memref<8192x128xf32, #tpu.memory_space<hbm>>) target(%arg11 : memref<128x128xf32, #tpu.memory_space<vmem>>) offsets(%dma_start3A_158 : memref<128xi32, #tpu.memory_space<vmem>>) semaphore(%arg15 : memref<!tpu.dma_semaphore, #tpu.memory_space<semaphore_mem>>)
    %dma_start3A_162 = arith.constant 1 : i32
    %dma_start3A_163 = arith.constant 3 : i32
    %dma_start3A_164 = arith.constant 0 : i32
    %dma_start3A_165 = tpu.memref_slice %arg7[%dma_start3A_162, %dma_start3A_163, %dma_start3A_164] : memref<3x8x128xi32, #tpu.memory_space<vmem>> -> memref<1x1x128xi32, #tpu.memory_space<vmem>>
    %dma_start3A_166 = tpu.memref_squeeze %dma_start3A_165 : memref<1x1x128xi32, #tpu.memory_space<vmem>> -> memref<128xi32, #tpu.memory_space<vmem>>
    %dma_start3A_167 = arith.constant 0 : i32
    %dma_start3A_168 = arith.constant 0 : i32
    %dma_start3A_169 = tpu.memref_slice %arg4[%dma_start3A_167, %dma_start3A_168] : memref<8192x128xf32, #tpu.memory_space<hbm>> -> memref<8192x128xf32, #tpu.memory_space<hbm>>
    tpu.enqueue_indirect_dma source(%dma_start3A_169 : memref<8192x128xf32, #tpu.memory_space<hbm>>) target(%arg12 : memref<128x128xf32, #tpu.memory_space<vmem>>) offsets(%dma_start3A_166 : memref<128xi32, #tpu.memory_space<vmem>>) semaphore(%arg15 : memref<!tpu.dma_semaphore, #tpu.memory_space<semaphore_mem>>)
    %dma_start3A_170 = arith.constant 2 : i32
    %dma_start3A_171 = arith.constant 3 : i32
    %dma_start3A_172 = arith.constant 0 : i32
    %dma_start3A_173 = tpu.memref_slice %arg7[%dma_start3A_170, %dma_start3A_171, %dma_start3A_172] : memref<3x8x128xi32, #tpu.memory_space<vmem>> -> memref<1x1x128xi32, #tpu.memory_space<vmem>>
    %dma_start3A_174 = tpu.memref_squeeze %dma_start3A_173 : memref<1x1x128xi32, #tpu.memory_space<vmem>> -> memref<128xi32, #tpu.memory_space<vmem>>
    %dma_start3A_175 = arith.constant 0 : i32
    %dma_start3A_176 = arith.constant 0 : i32
    %dma_start3A_177 = tpu.memref_slice %arg5[%dma_start3A_175, %dma_start3A_176] : memref<8192x128xf32, #tpu.memory_space<hbm>> -> memref<8192x128xf32, #tpu.memory_space<hbm>>
    tpu.enqueue_indirect_dma source(%dma_start3A_177 : memref<8192x128xf32, #tpu.memory_space<hbm>>) target(%arg13 : memref<128x128xf32, #tpu.memory_space<vmem>>) offsets(%dma_start3A_174 : memref<128xi32, #tpu.memory_space<vmem>>) semaphore(%arg15 : memref<!tpu.dma_semaphore, #tpu.memory_space<semaphore_mem>>)
    %dma_wait3A_178 = arith.constant 0 : i32
    %dma_wait3A_179 = arith.constant 2 : i32
    %dma_wait3A_180 = arith.constant 0 : i32
    %dma_wait3A_181 = tpu.memref_slice %arg7[%dma_wait3A_178, %dma_wait3A_179, %dma_wait3A_180] : memref<3x8x128xi32, #tpu.memory_space<vmem>> -> memref<1x1x128xi32, #tpu.memory_space<vmem>>
    %dma_wait3A_182 = tpu.memref_squeeze %dma_wait3A_181 : memref<1x1x128xi32, #tpu.memory_space<vmem>> -> memref<128xi32, #tpu.memory_space<vmem>>
    %dma_wait3A_183 = arith.constant 0 : i32
    %dma_wait3A_184 = arith.constant 0 : i32
    %dma_wait3A_185 = tpu.memref_slice %arg3[%dma_wait3A_183, %dma_wait3A_184] : memref<8192x128xf32, #tpu.memory_space<hbm>> -> memref<8192x128xf32, #tpu.memory_space<hbm>>
    tpu.wait_indirect_dma semaphore(%arg14 : memref<!tpu.dma_semaphore, #tpu.memory_space<semaphore_mem>>) src(%dma_wait3A_185 : memref<8192x128xf32, #tpu.memory_space<hbm>>) dst(%arg8 : memref<128x128xf32, #tpu.memory_space<vmem>>)
    %dma_wait3A_186 = arith.constant 1 : i32
    %dma_wait3A_187 = arith.constant 2 : i32
    %dma_wait3A_188 = arith.constant 0 : i32
    %dma_wait3A_189 = tpu.memref_slice %arg7[%dma_wait3A_186, %dma_wait3A_187, %dma_wait3A_188] : memref<3x8x128xi32, #tpu.memory_space<vmem>> -> memref<1x1x128xi32, #tpu.memory_space<vmem>>
    %dma_wait3A_190 = tpu.memref_squeeze %dma_wait3A_189 : memref<1x1x128xi32, #tpu.memory_space<vmem>> -> memref<128xi32, #tpu.memory_space<vmem>>
    %dma_wait3A_191 = arith.constant 0 : i32
    %dma_wait3A_192 = arith.constant 0 : i32
    %dma_wait3A_193 = tpu.memref_slice %arg4[%dma_wait3A_191, %dma_wait3A_192] : memref<8192x128xf32, #tpu.memory_space<hbm>> -> memref<8192x128xf32, #tpu.memory_space<hbm>>
    tpu.wait_indirect_dma semaphore(%arg14 : memref<!tpu.dma_semaphore, #tpu.memory_space<semaphore_mem>>) src(%dma_wait3A_193 : memref<8192x128xf32, #tpu.memory_space<hbm>>) dst(%arg9 : memref<128x128xf32, #tpu.memory_space<vmem>>)
    %dma_wait3A_194 = arith.constant 2 : i32
    %dma_wait3A_195 = arith.constant 2 : i32
    %dma_wait3A_196 = arith.constant 0 : i32
    %dma_wait3A_197 = tpu.memref_slice %arg7[%dma_wait3A_194, %dma_wait3A_195, %dma_wait3A_196] : memref<3x8x128xi32, #tpu.memory_space<vmem>> -> memref<1x1x128xi32, #tpu.memory_space<vmem>>
    %dma_wait3A_198 = tpu.memref_squeeze %dma_wait3A_197 : memref<1x1x128xi32, #tpu.memory_space<vmem>> -> memref<128xi32, #tpu.memory_space<vmem>>
    %dma_wait3A_199 = arith.constant 0 : i32
    %dma_wait3A_200 = arith.constant 0 : i32
    %dma_wait3A_201 = tpu.memref_slice %arg5[%dma_wait3A_199, %dma_wait3A_200] : memref<8192x128xf32, #tpu.memory_space<hbm>> -> memref<8192x128xf32, #tpu.memory_space<hbm>>
    tpu.wait_indirect_dma semaphore(%arg14 : memref<!tpu.dma_semaphore, #tpu.memory_space<semaphore_mem>>) src(%dma_wait3A_201 : memref<8192x128xf32, #tpu.memory_space<hbm>>) dst(%arg10 : memref<128x128xf32, #tpu.memory_space<vmem>>)
    %scan3A_202 = arith.constant 0 : i32
    %scan3A_203 = arith.constant 0 : i32
    %scan3A_204 = arith.constant 128 : i32
    %scan3A_205 = arith.addi %scan3A_203, %scan3A_204 : i32
    %scan3A_206 = arith.constant 1 : i32
    %scan3A_207 = scf.for %scan3A_520 = %scan3A_203 to %scan3A_205 step %scan3A_206 iter_args(%scan3A_521 = %scan3A_202) -> (i32)  : i32 {
      %get3A = arith.index_cast %scan3A_520 : i32 to index
      %get3A_522 = arith.constant 0 : index
      %get3A_523 = tpu.vector_load %arg9[%get3A, %get3A_522] {strides = array<i32>} : memref<128x128xf32, #tpu.memory_space<vmem>>, vector<1x16xf32>,
      %get3A_524 = vector.shape_cast %get3A_523 : vector<1x16xf32> to vector<16xf32>
      %get3A_525 = arith.index_cast %scan3A_520 : i32 to index
      %get3A_526 = arith.constant 0 : index
      %get3A_527 = tpu.vector_load %arg10[%get3A_525, %get3A_526] {strides = array<i32>} : memref<128x128xf32, #tpu.memory_space<vmem>>, vector<1x16xf32>,
      %get3A_528 = vector.shape_cast %get3A_527 : vector<1x16xf32> to vector<16xf32>
      %add3A_529 = arith.addf %get3A_524, %get3A_528 : vector<16xf32>
      %swap3A = arith.index_cast %scan3A_520 : i32 to index
      %swap3A_530 = arith.constant 0 : index
      %swap3A_531 = tpu.vector_load %arg8[%swap3A, %swap3A_530] {strides = array<i32>} : memref<128x128xf32, #tpu.memory_space<vmem>>, vector<1x16xf32>,
      %swap3A_532 = vector.shape_cast %swap3A_531 : vector<1x16xf32> to vector<16xf32>
      %swap3A_533 = vector.shape_cast %add3A_529 : vector<16xf32> to vector<1x16xf32>
      tpu.vector_store %arg8[%swap3A, %swap3A_530], %swap3A_533 {add = true, strides = array<i32>} : memref<128x128xf32, #tpu.memory_space<vmem>>, vector<1x16xf32>,
      %get3A_534 = arith.index_cast %scan3A_520 : i32 to index
      %get3A_535 = arith.constant 16 : index
      %get3A_536 = tpu.vector_load %arg9[%get3A_534, %get3A_535] {strides = array<i32>} : memref<128x128xf32, #tpu.memory_space<vmem>>, vector<1x16xf32>,
      %get3A_537 = vector.shape_cast %get3A_536 : vector<1x16xf32> to vector<16xf32>
      %get3A_538 = arith.index_cast %scan3A_520 : i32 to index
      %get3A_539 = arith.constant 16 : index
      %get3A_540 = tpu.vector_load %arg10[%get3A_538, %get3A_539] {strides = array<i32>} : memref<128x128xf32, #tpu.memory_space<vmem>>, vector<1x16xf32>,
      %get3A_541 = vector.shape_cast %get3A_540 : vector<1x16xf32> to vector<16xf32>
      %add3A_542 = arith.addf %get3A_537, %get3A_541 : vector<16xf32>
      %swap3A_543 = arith.index_cast %scan3A_520 : i32 to index
      %swap3A_544 = arith.constant 16 : index
      %swap3A_545 = tpu.vector_load %arg8[%swap3A_543, %swap3A_544] {strides = array<i32>} : memref<128x128xf32, #tpu.memory_space<vmem>>, vector<1x16xf32>,
      %swap3A_546 = vector.shape_cast %swap3A_545 : vector<1x16xf32> to vector<16xf32>
      %swap3A_547 = vector.shape_cast %add3A_542 : vector<16xf32> to vector<1x16xf32>
      tpu.vector_store %arg8[%swap3A_543, %swap3A_544], %swap3A_547 {add = true, strides = array<i32>} : memref<128x128xf32, #tpu.memory_space<vmem>>, vector<1x16xf32>,
      %get3A_548 = arith.index_cast %scan3A_520 : i32 to index
      %get3A_549 = arith.constant 32 : index
      %get3A_550 = tpu.vector_load %arg9[%get3A_548, %get3A_549] {strides = array<i32>} : memref<128x128xf32, #tpu.memory_space<vmem>>, vector<1x16xf32>,
      %get3A_551 = vector.shape_cast %get3A_550 : vector<1x16xf32> to vector<16xf32>
      %get3A_552 = arith.index_cast %scan3A_520 : i32 to index
      %get3A_553 = arith.constant 32 : index
      %get3A_554 = tpu.vector_load %arg10[%get3A_552, %get3A_553] {strides = array<i32>} : memref<128x128xf32, #tpu.memory_space<vmem>>, vector<1x16xf32>,
      %get3A_555 = vector.shape_cast %get3A_554 : vector<1x16xf32> to vector<16xf32>
      %add3A_556 = arith.addf %get3A_551, %get3A_555 : vector<16xf32>
      %swap3A_557 = arith.index_cast %scan3A_520 : i32 to index
      %swap3A_558 = arith.constant 32 : index
      %swap3A_559 = tpu.vector_load %arg8[%swap3A_557, %swap3A_558] {strides = array<i32>} : memref<128x128xf32, #tpu.memory_space<vmem>>, vector<1x16xf32>,
      %swap3A_560 = vector.shape_cast %swap3A_559 : vector<1x16xf32> to vector<16xf32>
      %swap3A_561 = vector.shape_cast %add3A_556 : vector<16xf32> to vector<1x16xf32>
      tpu.vector_store %arg8[%swap3A_557, %swap3A_558], %swap3A_561 {add = true, strides = array<i32>} : memref<128x128xf32, #tpu.memory_space<vmem>>, vector<1x16xf32>,
      %get3A_562 = arith.index_cast %scan3A_520 : i32 to index
      %get3A_563 = arith.constant 48 : index
      %get3A_564 = tpu.vector_load %arg9[%get3A_562, %get3A_563] {strides = array<i32>} : memref<128x128xf32, #tpu.memory_space<vmem>>, vector<1x16xf32>,
      %get3A_565 = vector.shape_cast %get3A_564 : vector<1x16xf32> to vector<16xf32>
      %get3A_566 = arith.index_cast %scan3A_520 : i32 to index
      %get3A_567 = arith.constant 48 : index
      %get3A_568 = tpu.vector_load %arg10[%get3A_566, %get3A_567] {strides = array<i32>} : memref<128x128xf32, #tpu.memory_space<vmem>>, vector<1x16xf32>,
      %get3A_569 = vector.shape_cast %get3A_568 : vector<1x16xf32> to vector<16xf32>
      %add3A_570 = arith.addf %get3A_565, %get3A_569 : vector<16xf32>
      %swap3A_571 = arith.index_cast %scan3A_520 : i32 to index
      %swap3A_572 = arith.constant 48 : index
      %swap3A_573 = tpu.vector_load %arg8[%swap3A_571, %swap3A_572] {strides = array<i32>} : memref<128x128xf32, #tpu.memory_space<vmem>>, vector<1x16xf32>,
      %swap3A_574 = vector.shape_cast %swap3A_573 : vector<1x16xf32> to vector<16xf32>
      %swap3A_575 = vector.shape_cast %add3A_570 : vector<16xf32> to vector<1x16xf32>
      tpu.vector_store %arg8[%swap3A_571, %swap3A_572], %swap3A_575 {add = true, strides = array<i32>} : memref<128x128xf32, #tpu.memory_space<vmem>>, vector<1x16xf32>,
      %get3A_576 = arith.index_cast %scan3A_520 : i32 to index
      %get3A_577 = arith.constant 64 : index
      %get3A_578 = tpu.vector_load %arg9[%get3A_576, %get3A_577] {strides = array<i32>} : memref<128x128xf32, #tpu.memory_space<vmem>>, vector<1x16xf32>,
      %get3A_579 = vector.shape_cast %get3A_578 : vector<1x16xf32> to vector<16xf32>
      %get3A_580 = arith.index_cast %scan3A_520 : i32 to index
      %get3A_581 = arith.constant 64 : index
      %get3A_582 = tpu.vector_load %arg10[%get3A_580, %get3A_581] {strides = array<i32>} : memref<128x128xf32, #tpu.memory_space<vmem>>, vector<1x16xf32>,
      %get3A_583 = vector.shape_cast %get3A_582 : vector<1x16xf32> to vector<16xf32>
      %add3A_584 = arith.addf %get3A_579, %get3A_583 : vector<16xf32>
      %swap3A_585 = arith.index_cast %scan3A_520 : i32 to index
      %swap3A_586 = arith.constant 64 : index
      %swap3A_587 = tpu.vector_load %arg8[%swap3A_585, %swap3A_586] {strides = array<i32>} : memref<128x128xf32, #tpu.memory_space<vmem>>, vector<1x16xf32>,
      %swap3A_588 = vector.shape_cast %swap3A_587 : vector<1x16xf32> to vector<16xf32>
      %swap3A_589 = vector.shape_cast %add3A_584 : vector<16xf32> to vector<1x16xf32>
      tpu.vector_store %arg8[%swap3A_585, %swap3A_586], %swap3A_589 {add = true, strides = array<i32>} : memref<128x128xf32, #tpu.memory_space<vmem>>, vector<1x16xf32>,
      %get3A_590 = arith.index_cast %scan3A_520 : i32 to index
      %get3A_591 = arith.constant 80 : index
      %get3A_592 = tpu.vector_load %arg9[%get3A_590, %get3A_591] {strides = array<i32>} : memref<128x128xf32, #tpu.memory_space<vmem>>, vector<1x16xf32>,
      %get3A_593 = vector.shape_cast %get3A_592 : vector<1x16xf32> to vector<16xf32>
      %get3A_594 = arith.index_cast %scan3A_520 : i32 to index
      %get3A_595 = arith.constant 80 : index
      %get3A_596 = tpu.vector_load %arg10[%get3A_594, %get3A_595] {strides = array<i32>} : memref<128x128xf32, #tpu.memory_space<vmem>>, vector<1x16xf32>,
      %get3A_597 = vector.shape_cast %get3A_596 : vector<1x16xf32> to vector<16xf32>
      %add3A_598 = arith.addf %get3A_593, %get3A_597 : vector<16xf32>
      %swap3A_599 = arith.index_cast %scan3A_520 : i32 to index
      %swap3A_600 = arith.constant 80 : index
      %swap3A_601 = tpu.vector_load %arg8[%swap3A_599, %swap3A_600] {strides = array<i32>} : memref<128x128xf32, #tpu.memory_space<vmem>>, vector<1x16xf32>,
      %swap3A_602 = vector.shape_cast %swap3A_601 : vector<1x16xf32> to vector<16xf32>
      %swap3A_603 = vector.shape_cast %add3A_598 : vector<16xf32> to vector<1x16xf32>
      tpu.vector_store %arg8[%swap3A_599, %swap3A_600], %swap3A_603 {add = true, strides = array<i32>} : memref<128x128xf32, #tpu.memory_space<vmem>>, vector<1x16xf32>,
      %get3A_604 = arith.index_cast %scan3A_520 : i32 to index
      %get3A_605 = arith.constant 96 : index
      %get3A_606 = tpu.vector_load %arg9[%get3A_604, %get3A_605] {strides = array<i32>} : memref<128x128xf32, #tpu.memory_space<vmem>>, vector<1x16xf32>,
      %get3A_607 = vector.shape_cast %get3A_606 : vector<1x16xf32> to vector<16xf32>
      %get3A_608 = arith.index_cast %scan3A_520 : i32 to index
      %get3A_609 = arith.constant 96 : index
      %get3A_610 = tpu.vector_load %arg10[%get3A_608, %get3A_609] {strides = array<i32>} : memref<128x128xf32, #tpu.memory_space<vmem>>, vector<1x16xf32>,
      %get3A_611 = vector.shape_cast %get3A_610 : vector<1x16xf32> to vector<16xf32>
      %add3A_612 = arith.addf %get3A_607, %get3A_611 : vector<16xf32>
      %swap3A_613 = arith.index_cast %scan3A_520 : i32 to index
      %swap3A_614 = arith.constant 96 : index
      %swap3A_615 = tpu.vector_load %arg8[%swap3A_613, %swap3A_614] {strides = array<i32>} : memref<128x128xf32, #tpu.memory_space<vmem>>, vector<1x16xf32>,
      %swap3A_616 = vector.shape_cast %swap3A_615 : vector<1x16xf32> to vector<16xf32>
      %swap3A_617 = vector.shape_cast %add3A_612 : vector<16xf32> to vector<1x16xf32>
      tpu.vector_store %arg8[%swap3A_613, %swap3A_614], %swap3A_617 {add = true, strides = array<i32>} : memref<128x128xf32, #tpu.memory_space<vmem>>, vector<1x16xf32>,
      %get3A_618 = arith.index_cast %scan3A_520 : i32 to index
      %get3A_619 = arith.constant 112 : index
      %get3A_620 = tpu.vector_load %arg9[%get3A_618, %get3A_619] {strides = array<i32>} : memref<128x128xf32, #tpu.memory_space<vmem>>, vector<1x16xf32>,
      %get3A_621 = vector.shape_cast %get3A_620 : vector<1x16xf32> to vector<16xf32>
      %get3A_622 = arith.index_cast %scan3A_520 : i32 to index
      %get3A_623 = arith.constant 112 : index
      %get3A_624 = tpu.vector_load %arg10[%get3A_622, %get3A_623] {strides = array<i32>} : memref<128x128xf32, #tpu.memory_space<vmem>>, vector<1x16xf32>,
      %get3A_625 = vector.shape_cast %get3A_624 : vector<1x16xf32> to vector<16xf32>
      %add3A_626 = arith.addf %get3A_621, %get3A_625 : vector<16xf32>
      %swap3A_627 = arith.index_cast %scan3A_520 : i32 to index
      %swap3A_628 = arith.constant 112 : index
      %swap3A_629 = tpu.vector_load %arg8[%swap3A_627, %swap3A_628] {strides = array<i32>} : memref<128x128xf32, #tpu.memory_space<vmem>>, vector<1x16xf32>,
      %swap3A_630 = vector.shape_cast %swap3A_629 : vector<1x16xf32> to vector<16xf32>
      %swap3A_631 = vector.shape_cast %add3A_626 : vector<16xf32> to vector<1x16xf32>
      tpu.vector_store %arg8[%swap3A_627, %swap3A_628], %swap3A_631 {add = true, strides = array<i32>} : memref<128x128xf32, #tpu.memory_space<vmem>>, vector<1x16xf32>,
      %scan3A_632 = arith.constant 0 : i32
      scf.yield %scan3A_632 : i32
    }
    %scan3A_208 = arith.constant 128 : i32
    %add3A_209 = arith.constant 256 : i32
    %add3A_210 = arith.addi %mul3A_2, %add3A_209 : i32
    %dma_start3A_211 = arith.constant 0 : i32
    %dma_start3A_212 = tpu.memref_slice %arg6[%add3A_210, %dma_start3A_211] : memref<32768x128xf32, #tpu.memory_space<hbm>> -> memref<128x128xf32, #tpu.memory_space<hbm>>
    %dma_start3A_213 = arith.constant 0 : i32
    %dma_start3A_214 = tpu.memref_slice %arg6[%add3A_210, %dma_start3A_213] : memref<32768x128xf32, #tpu.memory_space<hbm>> -> memref<128x128xf32, #tpu.memory_space<hbm>>
    tpu.enqueue_dma source(%arg8 : memref<128x128xf32, #tpu.memory_space<vmem>>) target(%dma_start3A_214 : memref<128x128xf32, #tpu.memory_space<hbm>>) target_semaphore(%arg16 : memref<!tpu.dma_semaphore, #tpu.memory_space<semaphore_mem>>)
    %dma_wait3A_215 = arith.constant 0 : i32
    %dma_wait3A_216 = tpu.memref_slice %arg6[%add3A_210, %dma_wait3A_215] : memref<32768x128xf32, #tpu.memory_space<hbm>> -> memref<128x128xf32, #tpu.memory_space<hbm>>
    %dma_wait3A_217 = arith.constant 0 : i32
    %dma_wait3A_218 = tpu.memref_slice %arg6[%add3A_210, %dma_wait3A_217] : memref<32768x128xf32, #tpu.memory_space<hbm>> -> memref<128x128xf32, #tpu.memory_space<hbm>>
    tpu.wait_dma2 semaphore(%arg16 : memref<!tpu.dma_semaphore, #tpu.memory_space<semaphore_mem>>) src(%arg8 : memref<128x128xf32, #tpu.memory_space<vmem>>) dst(%dma_wait3A_218 : memref<128x128xf32, #tpu.memory_space<hbm>>)
    %dma_start3A_219 = arith.constant 0 : i32
    %dma_start3A_220 = arith.constant 4 : i32
    %dma_start3A_221 = arith.constant 0 : i32
    %dma_start3A_222 = tpu.memref_slice %arg7[%dma_start3A_219, %dma_start3A_220, %dma_start3A_221] : memref<3x8x128xi32, #tpu.memory_space<vmem>> -> memref<1x1x128xi32, #tpu.memory_space<vmem>>
    %dma_start3A_223 = tpu.memref_squeeze %dma_start3A_222 : memref<1x1x128xi32, #tpu.memory_space<vmem>> -> memref<128xi32, #tpu.memory_space<vmem>>
    %dma_start3A_224 = arith.constant 0 : i32
    %dma_start3A_225 = arith.constant 0 : i32
    %dma_start3A_226 = tpu.memref_slice %arg3[%dma_start3A_224, %dma_start3A_225] : memref<8192x128xf32, #tpu.memory_space<hbm>> -> memref<8192x128xf32, #tpu.memory_space<hbm>>
    tpu.enqueue_indirect_dma source(%dma_start3A_226 : memref<8192x128xf32, #tpu.memory_space<hbm>>) target(%arg8 : memref<128x128xf32, #tpu.memory_space<vmem>>) offsets(%dma_start3A_223 : memref<128xi32, #tpu.memory_space<vmem>>) semaphore(%arg14 : memref<!tpu.dma_semaphore, #tpu.memory_space<semaphore_mem>>)
    %dma_start3A_227 = arith.constant 1 : i32
    %dma_start3A_228 = arith.constant 4 : i32
    %dma_start3A_229 = arith.constant 0 : i32
    %dma_start3A_230 = tpu.memref_slice %arg7[%dma_start3A_227, %dma_start3A_228, %dma_start3A_229] : memref<3x8x128xi32, #tpu.memory_space<vmem>> -> memref<1x1x128xi32, #tpu.memory_space<vmem>>
    %dma_start3A_231 = tpu.memref_squeeze %dma_start3A_230 : memref<1x1x128xi32, #tpu.memory_space<vmem>> -> memref<128xi32, #tpu.memory_space<vmem>>
    %dma_start3A_232 = arith.constant 0 : i32
    %dma_start3A_233 = arith.constant 0 : i32
    %dma_start3A_234 = tpu.memref_slice %arg4[%dma_start3A_232, %dma_start3A_233] : memref<8192x128xf32, #tpu.memory_space<hbm>> -> memref<8192x128xf32, #tpu.memory_space<hbm>>
    tpu.enqueue_indirect_dma source(%dma_start3A_234 : memref<8192x128xf32, #tpu.memory_space<hbm>>) target(%arg9 : memref<128x128xf32, #tpu.memory_space<vmem>>) offsets(%dma_start3A_231 : memref<128xi32, #tpu.memory_space<vmem>>) semaphore(%arg14 : memref<!tpu.dma_semaphore, #tpu.memory_space<semaphore_mem>>)
    %dma_start3A_235 = arith.constant 2 : i32
    %dma_start3A_236 = arith.constant 4 : i32
    %dma_start3A_237 = arith.constant 0 : i32
    %dma_start3A_238 = tpu.memref_slice %arg7[%dma_start3A_235, %dma_start3A_236, %dma_start3A_237] : memref<3x8x128xi32, #tpu.memory_space<vmem>> -> memref<1x1x128xi32, #tpu.memory_space<vmem>>
    %dma_start3A_239 = tpu.memref_squeeze %dma_start3A_238 : memref<1x1x128xi32, #tpu.memory_space<vmem>> -> memref<128xi32, #tpu.memory_space<vmem>>
    %dma_start3A_240 = arith.constant 0 : i32
    %dma_start3A_241 = arith.constant 0 : i32
    %dma_start3A_242 = tpu.memref_slice %arg5[%dma_start3A_240, %dma_start3A_241] : memref<8192x128xf32, #tpu.memory_space<hbm>> -> memref<8192x128xf32, #tpu.memory_space<hbm>>
    tpu.enqueue_indirect_dma source(%dma_start3A_242 : memref<8192x128xf32, #tpu.memory_space<hbm>>) target(%arg10 : memref<128x128xf32, #tpu.memory_space<vmem>>) offsets(%dma_start3A_239 : memref<128xi32, #tpu.memory_space<vmem>>) semaphore(%arg14 : memref<!tpu.dma_semaphore, #tpu.memory_space<semaphore_mem>>)
    %dma_wait3A_243 = arith.constant 0 : i32
    %dma_wait3A_244 = arith.constant 3 : i32
    %dma_wait3A_245 = arith.constant 0 : i32
    %dma_wait3A_246 = tpu.memref_slice %arg7[%dma_wait3A_243, %dma_wait3A_244, %dma_wait3A_245] : memref<3x8x128xi32, #tpu.memory_space<vmem>> -> memref<1x1x128xi32, #tpu.memory_space<vmem>>
    %dma_wait3A_247 = tpu.memref_squeeze %dma_wait3A_246 : memref<1x1x128xi32, #tpu.memory_space<vmem>> -> memref<128xi32, #tpu.memory_space<vmem>>
    %dma_wait3A_248 = arith.constant 0 : i32
    %dma_wait3A_249 = arith.constant 0 : i32
    %dma_wait3A_250 = tpu.memref_slice %arg3[%dma_wait3A_248, %dma_wait3A_249] : memref<8192x128xf32, #tpu.memory_space<hbm>> -> memref<8192x128xf32, #tpu.memory_space<hbm>>
    tpu.wait_indirect_dma semaphore(%arg15 : memref<!tpu.dma_semaphore, #tpu.memory_space<semaphore_mem>>) src(%dma_wait3A_250 : memref<8192x128xf32, #tpu.memory_space<hbm>>) dst(%arg11 : memref<128x128xf32, #tpu.memory_space<vmem>>)
    %dma_wait3A_251 = arith.constant 1 : i32
    %dma_wait3A_252 = arith.constant 3 : i32
    %dma_wait3A_253 = arith.constant 0 : i32
    %dma_wait3A_254 = tpu.memref_slice %arg7[%dma_wait3A_251, %dma_wait3A_252, %dma_wait3A_253] : memref<3x8x128xi32, #tpu.memory_space<vmem>> -> memref<1x1x128xi32, #tpu.memory_space<vmem>>
    %dma_wait3A_255 = tpu.memref_squeeze %dma_wait3A_254 : memref<1x1x128xi32, #tpu.memory_space<vmem>> -> memref<128xi32, #tpu.memory_space<vmem>>
    %dma_wait3A_256 = arith.constant 0 : i32
    %dma_wait3A_257 = arith.constant 0 : i32
    %dma_wait3A_258 = tpu.memref_slice %arg4[%dma_wait3A_256, %dma_wait3A_257] : memref<8192x128xf32, #tpu.memory_space<hbm>> -> memref<8192x128xf32, #tpu.memory_space<hbm>>
    tpu.wait_indirect_dma semaphore(%arg15 : memref<!tpu.dma_semaphore, #tpu.memory_space<semaphore_mem>>) src(%dma_wait3A_258 : memref<8192x128xf32, #tpu.memory_space<hbm>>) dst(%arg12 : memref<128x128xf32, #tpu.memory_space<vmem>>)
    %dma_wait3A_259 = arith.constant 2 : i32
    %dma_wait3A_260 = arith.constant 3 : i32
    %dma_wait3A_261 = arith.constant 0 : i32
    %dma_wait3A_262 = tpu.memref_slice %arg7[%dma_wait3A_259, %dma_wait3A_260, %dma_wait3A_261] : memref<3x8x128xi32, #tpu.memory_space<vmem>> -> memref<1x1x128xi32, #tpu.memory_space<vmem>>
    %dma_wait3A_263 = tpu.memref_squeeze %dma_wait3A_262 : memref<1x1x128xi32, #tpu.memory_space<vmem>> -> memref<128xi32, #tpu.memory_space<vmem>>
    %dma_wait3A_264 = arith.constant 0 : i32
    %dma_wait3A_265 = arith.constant 0 : i32
    %dma_wait3A_266 = tpu.memref_slice %arg5[%dma_wait3A_264, %dma_wait3A_265] : memref<8192x128xf32, #tpu.memory_space<hbm>> -> memref<8192x128xf32, #tpu.memory_space<hbm>>
    tpu.wait_indirect_dma semaphore(%arg15 : memref<!tpu.dma_semaphore, #tpu.memory_space<semaphore_mem>>) src(%dma_wait3A_266 : memref<8192x128xf32, #tpu.memory_space<hbm>>) dst(%arg13 : memref<128x128xf32, #tpu.memory_space<vmem>>)
    %scan3A_267 = arith.constant 0 : i32
    %scan3A_268 = arith.constant 0 : i32
    %scan3A_269 = arith.constant 128 : i32
    %scan3A_270 = arith.addi %scan3A_268, %scan3A_269 : i32
    %scan3A_271 = arith.constant 1 : i32
    %scan3A_272 = scf.for %scan3A_520 = %scan3A_268 to %scan3A_270 step %scan3A_271 iter_args(%scan3A_521 = %scan3A_267) -> (i32)  : i32 {
      %get3A = arith.index_cast %scan3A_520 : i32 to index
      %get3A_522 = arith.constant 0 : index
      %get3A_523 = tpu.vector_load %arg12[%get3A, %get3A_522] {strides = array<i32>} : memref<128x128xf32, #tpu.memory_space<vmem>>, vector<1x16xf32>,
      %get3A_524 = vector.shape_cast %get3A_523 : vector<1x16xf32> to vector<16xf32>
      %get3A_525 = arith.index_cast %scan3A_520 : i32 to index
      %get3A_526 = arith.constant 0 : index
      %get3A_527 = tpu.vector_load %arg13[%get3A_525, %get3A_526] {strides = array<i32>} : memref<128x128xf32, #tpu.memory_space<vmem>>, vector<1x16xf32>,
      %get3A_528 = vector.shape_cast %get3A_527 : vector<1x16xf32> to vector<16xf32>
      %add3A_529 = arith.addf %get3A_524, %get3A_528 : vector<16xf32>
      %swap3A = arith.index_cast %scan3A_520 : i32 to index
      %swap3A_530 = arith.constant 0 : index
      %swap3A_531 = tpu.vector_load %arg11[%swap3A, %swap3A_530] {strides = array<i32>} : memref<128x128xf32, #tpu.memory_space<vmem>>, vector<1x16xf32>,
      %swap3A_532 = vector.shape_cast %swap3A_531 : vector<1x16xf32> to vector<16xf32>
      %swap3A_533 = vector.shape_cast %add3A_529 : vector<16xf32> to vector<1x16xf32>
      tpu.vector_store %arg11[%swap3A, %swap3A_530], %swap3A_533 {add = true, strides = array<i32>} : memref<128x128xf32, #tpu.memory_space<vmem>>, vector<1x16xf32>,
      %get3A_534 = arith.index_cast %scan3A_520 : i32 to index
      %get3A_535 = arith.constant 16 : index
      %get3A_536 = tpu.vector_load %arg12[%get3A_534, %get3A_535] {strides = array<i32>} : memref<128x128xf32, #tpu.memory_space<vmem>>, vector<1x16xf32>,
      %get3A_537 = vector.shape_cast %get3A_536 : vector<1x16xf32> to vector<16xf32>
      %get3A_538 = arith.index_cast %scan3A_520 : i32 to index
      %get3A_539 = arith.constant 16 : index
      %get3A_540 = tpu.vector_load %arg13[%get3A_538, %get3A_539] {strides = array<i32>} : memref<128x128xf32, #tpu.memory_space<vmem>>, vector<1x16xf32>,
      %get3A_541 = vector.shape_cast %get3A_540 : vector<1x16xf32> to vector<16xf32>
      %add3A_542 = arith.addf %get3A_537, %get3A_541 : vector<16xf32>
      %swap3A_543 = arith.index_cast %scan3A_520 : i32 to index
      %swap3A_544 = arith.constant 16 : index
      %swap3A_545 = tpu.vector_load %arg11[%swap3A_543, %swap3A_544] {strides = array<i32>} : memref<128x128xf32, #tpu.memory_space<vmem>>, vector<1x16xf32>,
      %swap3A_546 = vector.shape_cast %swap3A_545 : vector<1x16xf32> to vector<16xf32>
      %swap3A_547 = vector.shape_cast %add3A_542 : vector<16xf32> to vector<1x16xf32>
      tpu.vector_store %arg11[%swap3A_543, %swap3A_544], %swap3A_547 {add = true, strides = array<i32>} : memref<128x128xf32, #tpu.memory_space<vmem>>, vector<1x16xf32>,
      %get3A_548 = arith.index_cast %scan3A_520 : i32 to index
      %get3A_549 = arith.constant 32 : index
      %get3A_550 = tpu.vector_load %arg12[%get3A_548, %get3A_549] {strides = array<i32>} : memref<128x128xf32, #tpu.memory_space<vmem>>, vector<1x16xf32>,
      %get3A_551 = vector.shape_cast %get3A_550 : vector<1x16xf32> to vector<16xf32>
      %get3A_552 = arith.index_cast %scan3A_520 : i32 to index
      %get3A_553 = arith.constant 32 : index
      %get3A_554 = tpu.vector_load %arg13[%get3A_552, %get3A_553] {strides = array<i32>} : memref<128x128xf32, #tpu.memory_space<vmem>>, vector<1x16xf32>,
      %get3A_555 = vector.shape_cast %get3A_554 : vector<1x16xf32> to vector<16xf32>
      %add3A_556 = arith.addf %get3A_551, %get3A_555 : vector<16xf32>
      %swap3A_557 = arith.index_cast %scan3A_520 : i32 to index
      %swap3A_558 = arith.constant 32 : index
      %swap3A_559 = tpu.vector_load %arg11[%swap3A_557, %swap3A_558] {strides = array<i32>} : memref<128x128xf32, #tpu.memory_space<vmem>>, vector<1x16xf32>,
      %swap3A_560 = vector.shape_cast %swap3A_559 : vector<1x16xf32> to vector<16xf32>
      %swap3A_561 = vector.shape_cast %add3A_556 : vector<16xf32> to vector<1x16xf32>
      tpu.vector_store %arg11[%swap3A_557, %swap3A_558], %swap3A_561 {add = true, strides = array<i32>} : memref<128x128xf32, #tpu.memory_space<vmem>>, vector<1x16xf32>,
      %get3A_562 = arith.index_cast %scan3A_520 : i32 to index
      %get3A_563 = arith.constant 48 : index
      %get3A_564 = tpu.vector_load %arg12[%get3A_562, %get3A_563] {strides = array<i32>} : memref<128x128xf32, #tpu.memory_space<vmem>>, vector<1x16xf32>,
      %get3A_565 = vector.shape_cast %get3A_564 : vector<1x16xf32> to vector<16xf32>
      %get3A_566 = arith.index_cast %scan3A_520 : i32 to index
      %get3A_567 = arith.constant 48 : index
      %get3A_568 = tpu.vector_load %arg13[%get3A_566, %get3A_567] {strides = array<i32>} : memref<128x128xf32, #tpu.memory_space<vmem>>, vector<1x16xf32>,
      %get3A_569 = vector.shape_cast %get3A_568 : vector<1x16xf32> to vector<16xf32>
      %add3A_570 = arith.addf %get3A_565, %get3A_569 : vector<16xf32>
      %swap3A_571 = arith.index_cast %scan3A_520 : i32 to index
      %swap3A_572 = arith.constant 48 : index
      %swap3A_573 = tpu.vector_load %arg11[%swap3A_571, %swap3A_572] {strides = array<i32>} : memref<128x128xf32, #tpu.memory_space<vmem>>, vector<1x16xf32>,
      %swap3A_574 = vector.shape_cast %swap3A_573 : vector<1x16xf32> to vector<16xf32>
      %swap3A_575 = vector.shape_cast %add3A_570 : vector<16xf32> to vector<1x16xf32>
      tpu.vector_store %arg11[%swap3A_571, %swap3A_572], %swap3A_575 {add = true, strides = array<i32>} : memref<128x128xf32, #tpu.memory_space<vmem>>, vector<1x16xf32>,
      %get3A_576 = arith.index_cast %scan3A_520 : i32 to index
      %get3A_577 = arith.constant 64 : index
      %get3A_578 = tpu.vector_load %arg12[%get3A_576, %get3A_577] {strides = array<i32>} : memref<128x128xf32, #tpu.memory_space<vmem>>, vector<1x16xf32>,
      %get3A_579 = vector.shape_cast %get3A_578 : vector<1x16xf32> to vector<16xf32>
      %get3A_580 = arith.index_cast %scan3A_520 : i32 to index
      %get3A_581 = arith.constant 64 : index
      %get3A_582 = tpu.vector_load %arg13[%get3A_580, %get3A_581] {strides = array<i32>} : memref<128x128xf32, #tpu.memory_space<vmem>>, vector<1x16xf32>,
      %get3A_583 = vector.shape_cast %get3A_582 : vector<1x16xf32> to vector<16xf32>
      %add3A_584 = arith.addf %get3A_579, %get3A_583 : vector<16xf32>
      %swap3A_585 = arith.index_cast %scan3A_520 : i32 to index
      %swap3A_586 = arith.constant 64 : index
      %swap3A_587 = tpu.vector_load %arg11[%swap3A_585, %swap3A_586] {strides = array<i32>} : memref<128x128xf32, #tpu.memory_space<vmem>>, vector<1x16xf32>,
      %swap3A_588 = vector.shape_cast %swap3A_587 : vector<1x16xf32> to vector<16xf32>
      %swap3A_589 = vector.shape_cast %add3A_584 : vector<16xf32> to vector<1x16xf32>
      tpu.vector_store %arg11[%swap3A_585, %swap3A_586], %swap3A_589 {add = true, strides = array<i32>} : memref<128x128xf32, #tpu.memory_space<vmem>>, vector<1x16xf32>,
      %get3A_590 = arith.index_cast %scan3A_520 : i32 to index
      %get3A_591 = arith.constant 80 : index
      %get3A_592 = tpu.vector_load %arg12[%get3A_590, %get3A_591] {strides = array<i32>} : memref<128x128xf32, #tpu.memory_space<vmem>>, vector<1x16xf32>,
      %get3A_593 = vector.shape_cast %get3A_592 : vector<1x16xf32> to vector<16xf32>
      %get3A_594 = arith.index_cast %scan3A_520 : i32 to index
      %get3A_595 = arith.constant 80 : index
      %get3A_596 = tpu.vector_load %arg13[%get3A_594, %get3A_595] {strides = array<i32>} : memref<128x128xf32, #tpu.memory_space<vmem>>, vector<1x16xf32>,
      %get3A_597 = vector.shape_cast %get3A_596 : vector<1x16xf32> to vector<16xf32>
      %add3A_598 = arith.addf %get3A_593, %get3A_597 : vector<16xf32>
      %swap3A_599 = arith.index_cast %scan3A_520 : i32 to index
      %swap3A_600 = arith.constant 80 : index
      %swap3A_601 = tpu.vector_load %arg11[%swap3A_599, %swap3A_600] {strides = array<i32>} : memref<128x128xf32, #tpu.memory_space<vmem>>, vector<1x16xf32>,
      %swap3A_602 = vector.shape_cast %swap3A_601 : vector<1x16xf32> to vector<16xf32>
      %swap3A_603 = vector.shape_cast %add3A_598 : vector<16xf32> to vector<1x16xf32>
      tpu.vector_store %arg11[%swap3A_599, %swap3A_600], %swap3A_603 {add = true, strides = array<i32>} : memref<128x128xf32, #tpu.memory_space<vmem>>, vector<1x16xf32>,
      %get3A_604 = arith.index_cast %scan3A_520 : i32 to index
      %get3A_605 = arith.constant 96 : index
      %get3A_606 = tpu.vector_load %arg12[%get3A_604, %get3A_605] {strides = array<i32>} : memref<128x128xf32, #tpu.memory_space<vmem>>, vector<1x16xf32>,
      %get3A_607 = vector.shape_cast %get3A_606 : vector<1x16xf32> to vector<16xf32>
      %get3A_608 = arith.index_cast %scan3A_520 : i32 to index
      %get3A_609 = arith.constant 96 : index
      %get3A_610 = tpu.vector_load %arg13[%get3A_608, %get3A_609] {strides = array<i32>} : memref<128x128xf32, #tpu.memory_space<vmem>>, vector<1x16xf32>,
      %get3A_611 = vector.shape_cast %get3A_610 : vector<1x16xf32> to vector<16xf32>
      %add3A_612 = arith.addf %get3A_607, %get3A_611 : vector<16xf32>
      %swap3A_613 = arith.index_cast %scan3A_520 : i32 to index
      %swap3A_614 = arith.constant 96 : index
      %swap3A_615 = tpu.vector_load %arg11[%swap3A_613, %swap3A_614] {strides = array<i32>} : memref<128x128xf32, #tpu.memory_space<vmem>>, vector<1x16xf32>,
      %swap3A_616 = vector.shape_cast %swap3A_615 : vector<1x16xf32> to vector<16xf32>
      %swap3A_617 = vector.shape_cast %add3A_612 : vector<16xf32> to vector<1x16xf32>
      tpu.vector_store %arg11[%swap3A_613, %swap3A_614], %swap3A_617 {add = true, strides = array<i32>} : memref<128x128xf32, #tpu.memory_space<vmem>>, vector<1x16xf32>,
      %get3A_618 = arith.index_cast %scan3A_520 : i32 to index
      %get3A_619 = arith.constant 112 : index
      %get3A_620 = tpu.vector_load %arg12[%get3A_618, %get3A_619] {strides = array<i32>} : memref<128x128xf32, #tpu.memory_space<vmem>>, vector<1x16xf32>,
      %get3A_621 = vector.shape_cast %get3A_620 : vector<1x16xf32> to vector<16xf32>
      %get3A_622 = arith.index_cast %scan3A_520 : i32 to index
      %get3A_623 = arith.constant 112 : index
      %get3A_624 = tpu.vector_load %arg13[%get3A_622, %get3A_623] {strides = array<i32>} : memref<128x128xf32, #tpu.memory_space<vmem>>, vector<1x16xf32>,
      %get3A_625 = vector.shape_cast %get3A_624 : vector<1x16xf32> to vector<16xf32>
      %add3A_626 = arith.addf %get3A_621, %get3A_625 : vector<16xf32>
      %swap3A_627 = arith.index_cast %scan3A_520 : i32 to index
      %swap3A_628 = arith.constant 112 : index
      %swap3A_629 = tpu.vector_load %arg11[%swap3A_627, %swap3A_628] {strides = array<i32>} : memref<128x128xf32, #tpu.memory_space<vmem>>, vector<1x16xf32>,
      %swap3A_630 = vector.shape_cast %swap3A_629 : vector<1x16xf32> to vector<16xf32>
      %swap3A_631 = vector.shape_cast %add3A_626 : vector<16xf32> to vector<1x16xf32>
      tpu.vector_store %arg11[%swap3A_627, %swap3A_628], %swap3A_631 {add = true, strides = array<i32>} : memref<128x128xf32, #tpu.memory_space<vmem>>, vector<1x16xf32>,
      %scan3A_632 = arith.constant 0 : i32
      scf.yield %scan3A_632 : i32
    }
    %scan3A_273 = arith.constant 128 : i32
    %add3A_274 = arith.constant 384 : i32
    %add3A_275 = arith.addi %mul3A_2, %add3A_274 : i32
    %dma_start3A_276 = arith.constant 0 : i32
    %dma_start3A_277 = tpu.memref_slice %arg6[%add3A_275, %dma_start3A_276] : memref<32768x128xf32, #tpu.memory_space<hbm>> -> memref<128x128xf32, #tpu.memory_space<hbm>>
    %dma_start3A_278 = arith.constant 0 : i32
    %dma_start3A_279 = tpu.memref_slice %arg6[%add3A_275, %dma_start3A_278] : memref<32768x128xf32, #tpu.memory_space<hbm>> -> memref<128x128xf32, #tpu.memory_space<hbm>>
    tpu.enqueue_dma source(%arg11 : memref<128x128xf32, #tpu.memory_space<vmem>>) target(%dma_start3A_279 : memref<128x128xf32, #tpu.memory_space<hbm>>) target_semaphore(%arg17 : memref<!tpu.dma_semaphore, #tpu.memory_space<semaphore_mem>>)
    %dma_wait3A_280 = arith.constant 0 : i32
    %dma_wait3A_281 = tpu.memref_slice %arg6[%add3A_275, %dma_wait3A_280] : memref<32768x128xf32, #tpu.memory_space<hbm>> -> memref<128x128xf32, #tpu.memory_space<hbm>>
    %dma_wait3A_282 = arith.constant 0 : i32
    %dma_wait3A_283 = tpu.memref_slice %arg6[%add3A_275, %dma_wait3A_282] : memref<32768x128xf32, #tpu.memory_space<hbm>> -> memref<128x128xf32, #tpu.memory_space<hbm>>
    tpu.wait_dma2 semaphore(%arg17 : memref<!tpu.dma_semaphore, #tpu.memory_space<semaphore_mem>>) src(%arg11 : memref<128x128xf32, #tpu.memory_space<vmem>>) dst(%dma_wait3A_283 : memref<128x128xf32, #tpu.memory_space<hbm>>)
    %dma_start3A_284 = arith.constant 0 : i32
    %dma_start3A_285 = arith.constant 5 : i32
    %dma_start3A_286 = arith.constant 0 : i32
    %dma_start3A_287 = tpu.memref_slice %arg7[%dma_start3A_284, %dma_start3A_285, %dma_start3A_286] : memref<3x8x128xi32, #tpu.memory_space<vmem>> -> memref<1x1x128xi32, #tpu.memory_space<vmem>>
    %dma_start3A_288 = tpu.memref_squeeze %dma_start3A_287 : memref<1x1x128xi32, #tpu.memory_space<vmem>> -> memref<128xi32, #tpu.memory_space<vmem>>
    %dma_start3A_289 = arith.constant 0 : i32
    %dma_start3A_290 = arith.constant 0 : i32
    %dma_start3A_291 = tpu.memref_slice %arg3[%dma_start3A_289, %dma_start3A_290] : memref<8192x128xf32, #tpu.memory_space<hbm>> -> memref<8192x128xf32, #tpu.memory_space<hbm>>
    tpu.enqueue_indirect_dma source(%dma_start3A_291 : memref<8192x128xf32, #tpu.memory_space<hbm>>) target(%arg11 : memref<128x128xf32, #tpu.memory_space<vmem>>) offsets(%dma_start3A_288 : memref<128xi32, #tpu.memory_space<vmem>>) semaphore(%arg15 : memref<!tpu.dma_semaphore, #tpu.memory_space<semaphore_mem>>)
    %dma_start3A_292 = arith.constant 1 : i32
    %dma_start3A_293 = arith.constant 5 : i32
    %dma_start3A_294 = arith.constant 0 : i32
    %dma_start3A_295 = tpu.memref_slice %arg7[%dma_start3A_292, %dma_start3A_293, %dma_start3A_294] : memref<3x8x128xi32, #tpu.memory_space<vmem>> -> memref<1x1x128xi32, #tpu.memory_space<vmem>>
    %dma_start3A_296 = tpu.memref_squeeze %dma_start3A_295 : memref<1x1x128xi32, #tpu.memory_space<vmem>> -> memref<128xi32, #tpu.memory_space<vmem>>
    %dma_start3A_297 = arith.constant 0 : i32
    %dma_start3A_298 = arith.constant 0 : i32
    %dma_start3A_299 = tpu.memref_slice %arg4[%dma_start3A_297, %dma_start3A_298] : memref<8192x128xf32, #tpu.memory_space<hbm>> -> memref<8192x128xf32, #tpu.memory_space<hbm>>
    tpu.enqueue_indirect_dma source(%dma_start3A_299 : memref<8192x128xf32, #tpu.memory_space<hbm>>) target(%arg12 : memref<128x128xf32, #tpu.memory_space<vmem>>) offsets(%dma_start3A_296 : memref<128xi32, #tpu.memory_space<vmem>>) semaphore(%arg15 : memref<!tpu.dma_semaphore, #tpu.memory_space<semaphore_mem>>)
    %dma_start3A_300 = arith.constant 2 : i32
    %dma_start3A_301 = arith.constant 5 : i32
    %dma_start3A_302 = arith.constant 0 : i32
    %dma_start3A_303 = tpu.memref_slice %arg7[%dma_start3A_300, %dma_start3A_301, %dma_start3A_302] : memref<3x8x128xi32, #tpu.memory_space<vmem>> -> memref<1x1x128xi32, #tpu.memory_space<vmem>>
    %dma_start3A_304 = tpu.memref_squeeze %dma_start3A_303 : memref<1x1x128xi32, #tpu.memory_space<vmem>> -> memref<128xi32, #tpu.memory_space<vmem>>
    %dma_start3A_305 = arith.constant 0 : i32
    %dma_start3A_306 = arith.constant 0 : i32
    %dma_start3A_307 = tpu.memref_slice %arg5[%dma_start3A_305, %dma_start3A_306] : memref<8192x128xf32, #tpu.memory_space<hbm>> -> memref<8192x128xf32, #tpu.memory_space<hbm>>
    tpu.enqueue_indirect_dma source(%dma_start3A_307 : memref<8192x128xf32, #tpu.memory_space<hbm>>) target(%arg13 : memref<128x128xf32, #tpu.memory_space<vmem>>) offsets(%dma_start3A_304 : memref<128xi32, #tpu.memory_space<vmem>>) semaphore(%arg15 : memref<!tpu.dma_semaphore, #tpu.memory_space<semaphore_mem>>)
    %dma_wait3A_308 = arith.constant 0 : i32
    %dma_wait3A_309 = arith.constant 4 : i32
    %dma_wait3A_310 = arith.constant 0 : i32
    %dma_wait3A_311 = tpu.memref_slice %arg7[%dma_wait3A_308, %dma_wait3A_309, %dma_wait3A_310] : memref<3x8x128xi32, #tpu.memory_space<vmem>> -> memref<1x1x128xi32, #tpu.memory_space<vmem>>
    %dma_wait3A_312 = tpu.memref_squeeze %dma_wait3A_311 : memref<1x1x128xi32, #tpu.memory_space<vmem>> -> memref<128xi32, #tpu.memory_space<vmem>>
    %dma_wait3A_313 = arith.constant 0 : i32
    %dma_wait3A_314 = arith.constant 0 : i32
    %dma_wait3A_315 = tpu.memref_slice %arg3[%dma_wait3A_313, %dma_wait3A_314] : memref<8192x128xf32, #tpu.memory_space<hbm>> -> memref<8192x128xf32, #tpu.memory_space<hbm>>
    tpu.wait_indirect_dma semaphore(%arg14 : memref<!tpu.dma_semaphore, #tpu.memory_space<semaphore_mem>>) src(%dma_wait3A_315 : memref<8192x128xf32, #tpu.memory_space<hbm>>) dst(%arg8 : memref<128x128xf32, #tpu.memory_space<vmem>>)
    %dma_wait3A_316 = arith.constant 1 : i32
    %dma_wait3A_317 = arith.constant 4 : i32
    %dma_wait3A_318 = arith.constant 0 : i32
    %dma_wait3A_319 = tpu.memref_slice %arg7[%dma_wait3A_316, %dma_wait3A_317, %dma_wait3A_318] : memref<3x8x128xi32, #tpu.memory_space<vmem>> -> memref<1x1x128xi32, #tpu.memory_space<vmem>>
    %dma_wait3A_320 = tpu.memref_squeeze %dma_wait3A_319 : memref<1x1x128xi32, #tpu.memory_space<vmem>> -> memref<128xi32, #tpu.memory_space<vmem>>
    %dma_wait3A_321 = arith.constant 0 : i32
    %dma_wait3A_322 = arith.constant 0 : i32
    %dma_wait3A_323 = tpu.memref_slice %arg4[%dma_wait3A_321, %dma_wait3A_322] : memref<8192x128xf32, #tpu.memory_space<hbm>> -> memref<8192x128xf32, #tpu.memory_space<hbm>>
    tpu.wait_indirect_dma semaphore(%arg14 : memref<!tpu.dma_semaphore, #tpu.memory_space<semaphore_mem>>) src(%dma_wait3A_323 : memref<8192x128xf32, #tpu.memory_space<hbm>>) dst(%arg9 : memref<128x128xf32, #tpu.memory_space<vmem>>)
    %dma_wait3A_324 = arith.constant 2 : i32
    %dma_wait3A_325 = arith.constant 4 : i32
    %dma_wait3A_326 = arith.constant 0 : i32
    %dma_wait3A_327 = tpu.memref_slice %arg7[%dma_wait3A_324, %dma_wait3A_325, %dma_wait3A_326] : memref<3x8x128xi32, #tpu.memory_space<vmem>> -> memref<1x1x128xi32, #tpu.memory_space<vmem>>
    %dma_wait3A_328 = tpu.memref_squeeze %dma_wait3A_327 : memref<1x1x128xi32, #tpu.memory_space<vmem>> -> memref<128xi32, #tpu.memory_space<vmem>>
    %dma_wait3A_329 = arith.constant 0 : i32
    %dma_wait3A_330 = arith.constant 0 : i32
    %dma_wait3A_331 = tpu.memref_slice %arg5[%dma_wait3A_329, %dma_wait3A_330] : memref<8192x128xf32, #tpu.memory_space<hbm>> -> memref<8192x128xf32, #tpu.memory_space<hbm>>
    tpu.wait_indirect_dma semaphore(%arg14 : memref<!tpu.dma_semaphore, #tpu.memory_space<semaphore_mem>>) src(%dma_wait3A_331 : memref<8192x128xf32, #tpu.memory_space<hbm>>) dst(%arg10 : memref<128x128xf32, #tpu.memory_space<vmem>>)
    %scan3A_332 = arith.constant 0 : i32
    %scan3A_333 = arith.constant 0 : i32
    %scan3A_334 = arith.constant 128 : i32
    %scan3A_335 = arith.addi %scan3A_333, %scan3A_334 : i32
    %scan3A_336 = arith.constant 1 : i32
    %scan3A_337 = scf.for %scan3A_520 = %scan3A_333 to %scan3A_335 step %scan3A_336 iter_args(%scan3A_521 = %scan3A_332) -> (i32)  : i32 {
      %get3A = arith.index_cast %scan3A_520 : i32 to index
      %get3A_522 = arith.constant 0 : index
      %get3A_523 = tpu.vector_load %arg9[%get3A, %get3A_522] {strides = array<i32>} : memref<128x128xf32, #tpu.memory_space<vmem>>, vector<1x16xf32>,
      %get3A_524 = vector.shape_cast %get3A_523 : vector<1x16xf32> to vector<16xf32>
      %get3A_525 = arith.index_cast %scan3A_520 : i32 to index
      %get3A_526 = arith.constant 0 : index
      %get3A_527 = tpu.vector_load %arg10[%get3A_525, %get3A_526] {strides = array<i32>} : memref<128x128xf32, #tpu.memory_space<vmem>>, vector<1x16xf32>,
      %get3A_528 = vector.shape_cast %get3A_527 : vector<1x16xf32> to vector<16xf32>
      %add3A_529 = arith.addf %get3A_524, %get3A_528 : vector<16xf32>
      %swap3A = arith.index_cast %scan3A_520 : i32 to index
      %swap3A_530 = arith.constant 0 : index
      %swap3A_531 = tpu.vector_load %arg8[%swap3A, %swap3A_530] {strides = array<i32>} : memref<128x128xf32, #tpu.memory_space<vmem>>, vector<1x16xf32>,
      %swap3A_532 = vector.shape_cast %swap3A_531 : vector<1x16xf32> to vector<16xf32>
      %swap3A_533 = vector.shape_cast %add3A_529 : vector<16xf32> to vector<1x16xf32>
      tpu.vector_store %arg8[%swap3A, %swap3A_530], %swap3A_533 {add = true, strides = array<i32>} : memref<128x128xf32, #tpu.memory_space<vmem>>, vector<1x16xf32>,
      %get3A_534 = arith.index_cast %scan3A_520 : i32 to index
      %get3A_535 = arith.constant 16 : index
      %get3A_536 = tpu.vector_load %arg9[%get3A_534, %get3A_535] {strides = array<i32>} : memref<128x128xf32, #tpu.memory_space<vmem>>, vector<1x16xf32>,
      %get3A_537 = vector.shape_cast %get3A_536 : vector<1x16xf32> to vector<16xf32>
      %get3A_538 = arith.index_cast %scan3A_520 : i32 to index
      %get3A_539 = arith.constant 16 : index
      %get3A_540 = tpu.vector_load %arg10[%get3A_538, %get3A_539] {strides = array<i32>} : memref<128x128xf32, #tpu.memory_space<vmem>>, vector<1x16xf32>,
      %get3A_541 = vector.shape_cast %get3A_540 : vector<1x16xf32> to vector<16xf32>
      %add3A_542 = arith.addf %get3A_537, %get3A_541 : vector<16xf32>
      %swap3A_543 = arith.index_cast %scan3A_520 : i32 to index
      %swap3A_544 = arith.constant 16 : index
      %swap3A_545 = tpu.vector_load %arg8[%swap3A_543, %swap3A_544] {strides = array<i32>} : memref<128x128xf32, #tpu.memory_space<vmem>>, vector<1x16xf32>,
      %swap3A_546 = vector.shape_cast %swap3A_545 : vector<1x16xf32> to vector<16xf32>
      %swap3A_547 = vector.shape_cast %add3A_542 : vector<16xf32> to vector<1x16xf32>
      tpu.vector_store %arg8[%swap3A_543, %swap3A_544], %swap3A_547 {add = true, strides = array<i32>} : memref<128x128xf32, #tpu.memory_space<vmem>>, vector<1x16xf32>,
      %get3A_548 = arith.index_cast %scan3A_520 : i32 to index
      %get3A_549 = arith.constant 32 : index
      %get3A_550 = tpu.vector_load %arg9[%get3A_548, %get3A_549] {strides = array<i32>} : memref<128x128xf32, #tpu.memory_space<vmem>>, vector<1x16xf32>,
      %get3A_551 = vector.shape_cast %get3A_550 : vector<1x16xf32> to vector<16xf32>
      %get3A_552 = arith.index_cast %scan3A_520 : i32 to index
      %get3A_553 = arith.constant 32 : index
      %get3A_554 = tpu.vector_load %arg10[%get3A_552, %get3A_553] {strides = array<i32>} : memref<128x128xf32, #tpu.memory_space<vmem>>, vector<1x16xf32>,
      %get3A_555 = vector.shape_cast %get3A_554 : vector<1x16xf32> to vector<16xf32>
      %add3A_556 = arith.addf %get3A_551, %get3A_555 : vector<16xf32>
      %swap3A_557 = arith.index_cast %scan3A_520 : i32 to index
      %swap3A_558 = arith.constant 32 : index
      %swap3A_559 = tpu.vector_load %arg8[%swap3A_557, %swap3A_558] {strides = array<i32>} : memref<128x128xf32, #tpu.memory_space<vmem>>, vector<1x16xf32>,
      %swap3A_560 = vector.shape_cast %swap3A_559 : vector<1x16xf32> to vector<16xf32>
      %swap3A_561 = vector.shape_cast %add3A_556 : vector<16xf32> to vector<1x16xf32>
      tpu.vector_store %arg8[%swap3A_557, %swap3A_558], %swap3A_561 {add = true, strides = array<i32>} : memref<128x128xf32, #tpu.memory_space<vmem>>, vector<1x16xf32>,
      %get3A_562 = arith.index_cast %scan3A_520 : i32 to index
      %get3A_563 = arith.constant 48 : index
      %get3A_564 = tpu.vector_load %arg9[%get3A_562, %get3A_563] {strides = array<i32>} : memref<128x128xf32, #tpu.memory_space<vmem>>, vector<1x16xf32>,
      %get3A_565 = vector.shape_cast %get3A_564 : vector<1x16xf32> to vector<16xf32>
      %get3A_566 = arith.index_cast %scan3A_520 : i32 to index
      %get3A_567 = arith.constant 48 : index
      %get3A_568 = tpu.vector_load %arg10[%get3A_566, %get3A_567] {strides = array<i32>} : memref<128x128xf32, #tpu.memory_space<vmem>>, vector<1x16xf32>,
      %get3A_569 = vector.shape_cast %get3A_568 : vector<1x16xf32> to vector<16xf32>
      %add3A_570 = arith.addf %get3A_565, %get3A_569 : vector<16xf32>
      %swap3A_571 = arith.index_cast %scan3A_520 : i32 to index
      %swap3A_572 = arith.constant 48 : index
      %swap3A_573 = tpu.vector_load %arg8[%swap3A_571, %swap3A_572] {strides = array<i32>} : memref<128x128xf32, #tpu.memory_space<vmem>>, vector<1x16xf32>,
      %swap3A_574 = vector.shape_cast %swap3A_573 : vector<1x16xf32> to vector<16xf32>
      %swap3A_575 = vector.shape_cast %add3A_570 : vector<16xf32> to vector<1x16xf32>
      tpu.vector_store %arg8[%swap3A_571, %swap3A_572], %swap3A_575 {add = true, strides = array<i32>} : memref<128x128xf32, #tpu.memory_space<vmem>>, vector<1x16xf32>,
      %get3A_576 = arith.index_cast %scan3A_520 : i32 to index
      %get3A_577 = arith.constant 64 : index
      %get3A_578 = tpu.vector_load %arg9[%get3A_576, %get3A_577] {strides = array<i32>} : memref<128x128xf32, #tpu.memory_space<vmem>>, vector<1x16xf32>,
      %get3A_579 = vector.shape_cast %get3A_578 : vector<1x16xf32> to vector<16xf32>
      %get3A_580 = arith.index_cast %scan3A_520 : i32 to index
      %get3A_581 = arith.constant 64 : index
      %get3A_582 = tpu.vector_load %arg10[%get3A_580, %get3A_581] {strides = array<i32>} : memref<128x128xf32, #tpu.memory_space<vmem>>, vector<1x16xf32>,
      %get3A_583 = vector.shape_cast %get3A_582 : vector<1x16xf32> to vector<16xf32>
      %add3A_584 = arith.addf %get3A_579, %get3A_583 : vector<16xf32>
      %swap3A_585 = arith.index_cast %scan3A_520 : i32 to index
      %swap3A_586 = arith.constant 64 : index
      %swap3A_587 = tpu.vector_load %arg8[%swap3A_585, %swap3A_586] {strides = array<i32>} : memref<128x128xf32, #tpu.memory_space<vmem>>, vector<1x16xf32>,
      %swap3A_588 = vector.shape_cast %swap3A_587 : vector<1x16xf32> to vector<16xf32>
      %swap3A_589 = vector.shape_cast %add3A_584 : vector<16xf32> to vector<1x16xf32>
      tpu.vector_store %arg8[%swap3A_585, %swap3A_586], %swap3A_589 {add = true, strides = array<i32>} : memref<128x128xf32, #tpu.memory_space<vmem>>, vector<1x16xf32>,
      %get3A_590 = arith.index_cast %scan3A_520 : i32 to index
      %get3A_591 = arith.constant 80 : index
      %get3A_592 = tpu.vector_load %arg9[%get3A_590, %get3A_591] {strides = array<i32>} : memref<128x128xf32, #tpu.memory_space<vmem>>, vector<1x16xf32>,
      %get3A_593 = vector.shape_cast %get3A_592 : vector<1x16xf32> to vector<16xf32>
      %get3A_594 = arith.index_cast %scan3A_520 : i32 to index
      %get3A_595 = arith.constant 80 : index
      %get3A_596 = tpu.vector_load %arg10[%get3A_594, %get3A_595] {strides = array<i32>} : memref<128x128xf32, #tpu.memory_space<vmem>>, vector<1x16xf32>,
      %get3A_597 = vector.shape_cast %get3A_596 : vector<1x16xf32> to vector<16xf32>
      %add3A_598 = arith.addf %get3A_593, %get3A_597 : vector<16xf32>
      %swap3A_599 = arith.index_cast %scan3A_520 : i32 to index
      %swap3A_600 = arith.constant 80 : index
      %swap3A_601 = tpu.vector_load %arg8[%swap3A_599, %swap3A_600] {strides = array<i32>} : memref<128x128xf32, #tpu.memory_space<vmem>>, vector<1x16xf32>,
      %swap3A_602 = vector.shape_cast %swap3A_601 : vector<1x16xf32> to vector<16xf32>
      %swap3A_603 = vector.shape_cast %add3A_598 : vector<16xf32> to vector<1x16xf32>
      tpu.vector_store %arg8[%swap3A_599, %swap3A_600], %swap3A_603 {add = true, strides = array<i32>} : memref<128x128xf32, #tpu.memory_space<vmem>>, vector<1x16xf32>,
      %get3A_604 = arith.index_cast %scan3A_520 : i32 to index
      %get3A_605 = arith.constant 96 : index
      %get3A_606 = tpu.vector_load %arg9[%get3A_604, %get3A_605] {strides = array<i32>} : memref<128x128xf32, #tpu.memory_space<vmem>>, vector<1x16xf32>,
      %get3A_607 = vector.shape_cast %get3A_606 : vector<1x16xf32> to vector<16xf32>
      %get3A_608 = arith.index_cast %scan3A_520 : i32 to index
      %get3A_609 = arith.constant 96 : index
      %get3A_610 = tpu.vector_load %arg10[%get3A_608, %get3A_609] {strides = array<i32>} : memref<128x128xf32, #tpu.memory_space<vmem>>, vector<1x16xf32>,
      %get3A_611 = vector.shape_cast %get3A_610 : vector<1x16xf32> to vector<16xf32>
      %add3A_612 = arith.addf %get3A_607, %get3A_611 : vector<16xf32>
      %swap3A_613 = arith.index_cast %scan3A_520 : i32 to index
      %swap3A_614 = arith.constant 96 : index
      %swap3A_615 = tpu.vector_load %arg8[%swap3A_613, %swap3A_614] {strides = array<i32>} : memref<128x128xf32, #tpu.memory_space<vmem>>, vector<1x16xf32>,
      %swap3A_616 = vector.shape_cast %swap3A_615 : vector<1x16xf32> to vector<16xf32>
      %swap3A_617 = vector.shape_cast %add3A_612 : vector<16xf32> to vector<1x16xf32>
      tpu.vector_store %arg8[%swap3A_613, %swap3A_614], %swap3A_617 {add = true, strides = array<i32>} : memref<128x128xf32, #tpu.memory_space<vmem>>, vector<1x16xf32>,
      %get3A_618 = arith.index_cast %scan3A_520 : i32 to index
      %get3A_619 = arith.constant 112 : index
      %get3A_620 = tpu.vector_load %arg9[%get3A_618, %get3A_619] {strides = array<i32>} : memref<128x128xf32, #tpu.memory_space<vmem>>, vector<1x16xf32>,
      %get3A_621 = vector.shape_cast %get3A_620 : vector<1x16xf32> to vector<16xf32>
      %get3A_622 = arith.index_cast %scan3A_520 : i32 to index
      %get3A_623 = arith.constant 112 : index
      %get3A_624 = tpu.vector_load %arg10[%get3A_622, %get3A_623] {strides = array<i32>} : memref<128x128xf32, #tpu.memory_space<vmem>>, vector<1x16xf32>,
      %get3A_625 = vector.shape_cast %get3A_624 : vector<1x16xf32> to vector<16xf32>
      %add3A_626 = arith.addf %get3A_621, %get3A_625 : vector<16xf32>
      %swap3A_627 = arith.index_cast %scan3A_520 : i32 to index
      %swap3A_628 = arith.constant 112 : index
      %swap3A_629 = tpu.vector_load %arg8[%swap3A_627, %swap3A_628] {strides = array<i32>} : memref<128x128xf32, #tpu.memory_space<vmem>>, vector<1x16xf32>,
      %swap3A_630 = vector.shape_cast %swap3A_629 : vector<1x16xf32> to vector<16xf32>
      %swap3A_631 = vector.shape_cast %add3A_626 : vector<16xf32> to vector<1x16xf32>
      tpu.vector_store %arg8[%swap3A_627, %swap3A_628], %swap3A_631 {add = true, strides = array<i32>} : memref<128x128xf32, #tpu.memory_space<vmem>>, vector<1x16xf32>,
      %scan3A_632 = arith.constant 0 : i32
      scf.yield %scan3A_632 : i32
    }
    %scan3A_338 = arith.constant 128 : i32
    %add3A_339 = arith.constant 512 : i32
    %add3A_340 = arith.addi %mul3A_2, %add3A_339 : i32
    %dma_start3A_341 = arith.constant 0 : i32
    %dma_start3A_342 = tpu.memref_slice %arg6[%add3A_340, %dma_start3A_341] : memref<32768x128xf32, #tpu.memory_space<hbm>> -> memref<128x128xf32, #tpu.memory_space<hbm>>
    %dma_start3A_343 = arith.constant 0 : i32
    %dma_start3A_344 = tpu.memref_slice %arg6[%add3A_340, %dma_start3A_343] : memref<32768x128xf32, #tpu.memory_space<hbm>> -> memref<128x128xf32, #tpu.memory_space<hbm>>
    tpu.enqueue_dma source(%arg8 : memref<128x128xf32, #tpu.memory_space<vmem>>) target(%dma_start3A_344 : memref<128x128xf32, #tpu.memory_space<hbm>>) target_semaphore(%arg16 : memref<!tpu.dma_semaphore, #tpu.memory_space<semaphore_mem>>)
    %dma_wait3A_345 = arith.constant 0 : i32
    %dma_wait3A_346 = tpu.memref_slice %arg6[%add3A_340, %dma_wait3A_345] : memref<32768x128xf32, #tpu.memory_space<hbm>> -> memref<128x128xf32, #tpu.memory_space<hbm>>
    %dma_wait3A_347 = arith.constant 0 : i32
    %dma_wait3A_348 = tpu.memref_slice %arg6[%add3A_340, %dma_wait3A_347] : memref<32768x128xf32, #tpu.memory_space<hbm>> -> memref<128x128xf32, #tpu.memory_space<hbm>>
    tpu.wait_dma2 semaphore(%arg16 : memref<!tpu.dma_semaphore, #tpu.memory_space<semaphore_mem>>) src(%arg8 : memref<128x128xf32, #tpu.memory_space<vmem>>) dst(%dma_wait3A_348 : memref<128x128xf32, #tpu.memory_space<hbm>>)
    %dma_start3A_349 = arith.constant 0 : i32
    %dma_start3A_350 = arith.constant 6 : i32
    %dma_start3A_351 = arith.constant 0 : i32
    %dma_start3A_352 = tpu.memref_slice %arg7[%dma_start3A_349, %dma_start3A_350, %dma_start3A_351] : memref<3x8x128xi32, #tpu.memory_space<vmem>> -> memref<1x1x128xi32, #tpu.memory_space<vmem>>
    %dma_start3A_353 = tpu.memref_squeeze %dma_start3A_352 : memref<1x1x128xi32, #tpu.memory_space<vmem>> -> memref<128xi32, #tpu.memory_space<vmem>>
    %dma_start3A_354 = arith.constant 0 : i32
    %dma_start3A_355 = arith.constant 0 : i32
    %dma_start3A_356 = tpu.memref_slice %arg3[%dma_start3A_354, %dma_start3A_355] : memref<8192x128xf32, #tpu.memory_space<hbm>> -> memref<8192x128xf32, #tpu.memory_space<hbm>>
    tpu.enqueue_indirect_dma source(%dma_start3A_356 : memref<8192x128xf32, #tpu.memory_space<hbm>>) target(%arg8 : memref<128x128xf32, #tpu.memory_space<vmem>>) offsets(%dma_start3A_353 : memref<128xi32, #tpu.memory_space<vmem>>) semaphore(%arg14 : memref<!tpu.dma_semaphore, #tpu.memory_space<semaphore_mem>>)
    %dma_start3A_357 = arith.constant 1 : i32
    %dma_start3A_358 = arith.constant 6 : i32
    %dma_start3A_359 = arith.constant 0 : i32
    %dma_start3A_360 = tpu.memref_slice %arg7[%dma_start3A_357, %dma_start3A_358, %dma_start3A_359] : memref<3x8x128xi32, #tpu.memory_space<vmem>> -> memref<1x1x128xi32, #tpu.memory_space<vmem>>
    %dma_start3A_361 = tpu.memref_squeeze %dma_start3A_360 : memref<1x1x128xi32, #tpu.memory_space<vmem>> -> memref<128xi32, #tpu.memory_space<vmem>>
    %dma_start3A_362 = arith.constant 0 : i32
    %dma_start3A_363 = arith.constant 0 : i32
    %dma_start3A_364 = tpu.memref_slice %arg4[%dma_start3A_362, %dma_start3A_363] : memref<8192x128xf32, #tpu.memory_space<hbm>> -> memref<8192x128xf32, #tpu.memory_space<hbm>>
    tpu.enqueue_indirect_dma source(%dma_start3A_364 : memref<8192x128xf32, #tpu.memory_space<hbm>>) target(%arg9 : memref<128x128xf32, #tpu.memory_space<vmem>>) offsets(%dma_start3A_361 : memref<128xi32, #tpu.memory_space<vmem>>) semaphore(%arg14 : memref<!tpu.dma_semaphore, #tpu.memory_space<semaphore_mem>>)
    %dma_start3A_365 = arith.constant 2 : i32
    %dma_start3A_366 = arith.constant 6 : i32
    %dma_start3A_367 = arith.constant 0 : i32
    %dma_start3A_368 = tpu.memref_slice %arg7[%dma_start3A_365, %dma_start3A_366, %dma_start3A_367] : memref<3x8x128xi32, #tpu.memory_space<vmem>> -> memref<1x1x128xi32, #tpu.memory_space<vmem>>
    %dma_start3A_369 = tpu.memref_squeeze %dma_start3A_368 : memref<1x1x128xi32, #tpu.memory_space<vmem>> -> memref<128xi32, #tpu.memory_space<vmem>>
    %dma_start3A_370 = arith.constant 0 : i32
    %dma_start3A_371 = arith.constant 0 : i32
    %dma_start3A_372 = tpu.memref_slice %arg5[%dma_start3A_370, %dma_start3A_371] : memref<8192x128xf32, #tpu.memory_space<hbm>> -> memref<8192x128xf32, #tpu.memory_space<hbm>>
    tpu.enqueue_indirect_dma source(%dma_start3A_372 : memref<8192x128xf32, #tpu.memory_space<hbm>>) target(%arg10 : memref<128x128xf32, #tpu.memory_space<vmem>>) offsets(%dma_start3A_369 : memref<128xi32, #tpu.memory_space<vmem>>) semaphore(%arg14 : memref<!tpu.dma_semaphore, #tpu.memory_space<semaphore_mem>>)
    %dma_wait3A_373 = arith.constant 0 : i32
    %dma_wait3A_374 = arith.constant 5 : i32
    %dma_wait3A_375 = arith.constant 0 : i32
    %dma_wait3A_376 = tpu.memref_slice %arg7[%dma_wait3A_373, %dma_wait3A_374, %dma_wait3A_375] : memref<3x8x128xi32, #tpu.memory_space<vmem>> -> memref<1x1x128xi32, #tpu.memory_space<vmem>>
    %dma_wait3A_377 = tpu.memref_squeeze %dma_wait3A_376 : memref<1x1x128xi32, #tpu.memory_space<vmem>> -> memref<128xi32, #tpu.memory_space<vmem>>
    %dma_wait3A_378 = arith.constant 0 : i32
    %dma_wait3A_379 = arith.constant 0 : i32
    %dma_wait3A_380 = tpu.memref_slice %arg3[%dma_wait3A_378, %dma_wait3A_379] : memref<8192x128xf32, #tpu.memory_space<hbm>> -> memref<8192x128xf32, #tpu.memory_space<hbm>>
    tpu.wait_indirect_dma semaphore(%arg15 : memref<!tpu.dma_semaphore, #tpu.memory_space<semaphore_mem>>) src(%dma_wait3A_380 : memref<8192x128xf32, #tpu.memory_space<hbm>>) dst(%arg11 : memref<128x128xf32, #tpu.memory_space<vmem>>)
    %dma_wait3A_381 = arith.constant 1 : i32
    %dma_wait3A_382 = arith.constant 5 : i32
    %dma_wait3A_383 = arith.constant 0 : i32
    %dma_wait3A_384 = tpu.memref_slice %arg7[%dma_wait3A_381, %dma_wait3A_382, %dma_wait3A_383] : memref<3x8x128xi32, #tpu.memory_space<vmem>> -> memref<1x1x128xi32, #tpu.memory_space<vmem>>
    %dma_wait3A_385 = tpu.memref_squeeze %dma_wait3A_384 : memref<1x1x128xi32, #tpu.memory_space<vmem>> -> memref<128xi32, #tpu.memory_space<vmem>>
    %dma_wait3A_386 = arith.constant 0 : i32
    %dma_wait3A_387 = arith.constant 0 : i32
    %dma_wait3A_388 = tpu.memref_slice %arg4[%dma_wait3A_386, %dma_wait3A_387] : memref<8192x128xf32, #tpu.memory_space<hbm>> -> memref<8192x128xf32, #tpu.memory_space<hbm>>
    tpu.wait_indirect_dma semaphore(%arg15 : memref<!tpu.dma_semaphore, #tpu.memory_space<semaphore_mem>>) src(%dma_wait3A_388 : memref<8192x128xf32, #tpu.memory_space<hbm>>) dst(%arg12 : memref<128x128xf32, #tpu.memory_space<vmem>>)
    %dma_wait3A_389 = arith.constant 2 : i32
    %dma_wait3A_390 = arith.constant 5 : i32
    %dma_wait3A_391 = arith.constant 0 : i32
    %dma_wait3A_392 = tpu.memref_slice %arg7[%dma_wait3A_389, %dma_wait3A_390, %dma_wait3A_391] : memref<3x8x128xi32, #tpu.memory_space<vmem>> -> memref<1x1x128xi32, #tpu.memory_space<vmem>>
    %dma_wait3A_393 = tpu.memref_squeeze %dma_wait3A_392 : memref<1x1x128xi32, #tpu.memory_space<vmem>> -> memref<128xi32, #tpu.memory_space<vmem>>
    %dma_wait3A_394 = arith.constant 0 : i32
    %dma_wait3A_395 = arith.constant 0 : i32
    %dma_wait3A_396 = tpu.memref_slice %arg5[%dma_wait3A_394, %dma_wait3A_395] : memref<8192x128xf32, #tpu.memory_space<hbm>> -> memref<8192x128xf32, #tpu.memory_space<hbm>>
    tpu.wait_indirect_dma semaphore(%arg15 : memref<!tpu.dma_semaphore, #tpu.memory_space<semaphore_mem>>) src(%dma_wait3A_396 : memref<8192x128xf32, #tpu.memory_space<hbm>>) dst(%arg13 : memref<128x128xf32, #tpu.memory_space<vmem>>)
    %scan3A_397 = arith.constant 0 : i32
    %scan3A_398 = arith.constant 0 : i32
    %scan3A_399 = arith.constant 128 : i32
    %scan3A_400 = arith.addi %scan3A_398, %scan3A_399 : i32
    %scan3A_401 = arith.constant 1 : i32
    %scan3A_402 = scf.for %scan3A_520 = %scan3A_398 to %scan3A_400 step %scan3A_401 iter_args(%scan3A_521 = %scan3A_397) -> (i32)  : i32 {
      %get3A = arith.index_cast %scan3A_520 : i32 to index
      %get3A_522 = arith.constant 0 : index
      %get3A_523 = tpu.vector_load %arg12[%get3A, %get3A_522] {strides = array<i32>} : memref<128x128xf32, #tpu.memory_space<vmem>>, vector<1x16xf32>,
      %get3A_524 = vector.shape_cast %get3A_523 : vector<1x16xf32> to vector<16xf32>
      %get3A_525 = arith.index_cast %scan3A_520 : i32 to index
      %get3A_526 = arith.constant 0 : index
      %get3A_527 = tpu.vector_load %arg13[%get3A_525, %get3A_526] {strides = array<i32>} : memref<128x128xf32, #tpu.memory_space<vmem>>, vector<1x16xf32>,
      %get3A_528 = vector.shape_cast %get3A_527 : vector<1x16xf32> to vector<16xf32>
      %add3A_529 = arith.addf %get3A_524, %get3A_528 : vector<16xf32>
      %swap3A = arith.index_cast %scan3A_520 : i32 to index
      %swap3A_530 = arith.constant 0 : index
      %swap3A_531 = tpu.vector_load %arg11[%swap3A, %swap3A_530] {strides = array<i32>} : memref<128x128xf32, #tpu.memory_space<vmem>>, vector<1x16xf32>,
      %swap3A_532 = vector.shape_cast %swap3A_531 : vector<1x16xf32> to vector<16xf32>
      %swap3A_533 = vector.shape_cast %add3A_529 : vector<16xf32> to vector<1x16xf32>
      tpu.vector_store %arg11[%swap3A, %swap3A_530], %swap3A_533 {add = true, strides = array<i32>} : memref<128x128xf32, #tpu.memory_space<vmem>>, vector<1x16xf32>,
      %get3A_534 = arith.index_cast %scan3A_520 : i32 to index
      %get3A_535 = arith.constant 16 : index
      %get3A_536 = tpu.vector_load %arg12[%get3A_534, %get3A_535] {strides = array<i32>} : memref<128x128xf32, #tpu.memory_space<vmem>>, vector<1x16xf32>,
      %get3A_537 = vector.shape_cast %get3A_536 : vector<1x16xf32> to vector<16xf32>
      %get3A_538 = arith.index_cast %scan3A_520 : i32 to index
      %get3A_539 = arith.constant 16 : index
      %get3A_540 = tpu.vector_load %arg13[%get3A_538, %get3A_539] {strides = array<i32>} : memref<128x128xf32, #tpu.memory_space<vmem>>, vector<1x16xf32>,
      %get3A_541 = vector.shape_cast %get3A_540 : vector<1x16xf32> to vector<16xf32>
      %add3A_542 = arith.addf %get3A_537, %get3A_541 : vector<16xf32>
      %swap3A_543 = arith.index_cast %scan3A_520 : i32 to index
      %swap3A_544 = arith.constant 16 : index
      %swap3A_545 = tpu.vector_load %arg11[%swap3A_543, %swap3A_544] {strides = array<i32>} : memref<128x128xf32, #tpu.memory_space<vmem>>, vector<1x16xf32>,
      %swap3A_546 = vector.shape_cast %swap3A_545 : vector<1x16xf32> to vector<16xf32>
      %swap3A_547 = vector.shape_cast %add3A_542 : vector<16xf32> to vector<1x16xf32>
      tpu.vector_store %arg11[%swap3A_543, %swap3A_544], %swap3A_547 {add = true, strides = array<i32>} : memref<128x128xf32, #tpu.memory_space<vmem>>, vector<1x16xf32>,
      %get3A_548 = arith.index_cast %scan3A_520 : i32 to index
      %get3A_549 = arith.constant 32 : index
      %get3A_550 = tpu.vector_load %arg12[%get3A_548, %get3A_549] {strides = array<i32>} : memref<128x128xf32, #tpu.memory_space<vmem>>, vector<1x16xf32>,
      %get3A_551 = vector.shape_cast %get3A_550 : vector<1x16xf32> to vector<16xf32>
      %get3A_552 = arith.index_cast %scan3A_520 : i32 to index
      %get3A_553 = arith.constant 32 : index
      %get3A_554 = tpu.vector_load %arg13[%get3A_552, %get3A_553] {strides = array<i32>} : memref<128x128xf32, #tpu.memory_space<vmem>>, vector<1x16xf32>,
      %get3A_555 = vector.shape_cast %get3A_554 : vector<1x16xf32> to vector<16xf32>
      %add3A_556 = arith.addf %get3A_551, %get3A_555 : vector<16xf32>
      %swap3A_557 = arith.index_cast %scan3A_520 : i32 to index
      %swap3A_558 = arith.constant 32 : index
      %swap3A_559 = tpu.vector_load %arg11[%swap3A_557, %swap3A_558] {strides = array<i32>} : memref<128x128xf32, #tpu.memory_space<vmem>>, vector<1x16xf32>,
      %swap3A_560 = vector.shape_cast %swap3A_559 : vector<1x16xf32> to vector<16xf32>
      %swap3A_561 = vector.shape_cast %add3A_556 : vector<16xf32> to vector<1x16xf32>
      tpu.vector_store %arg11[%swap3A_557, %swap3A_558], %swap3A_561 {add = true, strides = array<i32>} : memref<128x128xf32, #tpu.memory_space<vmem>>, vector<1x16xf32>,
      %get3A_562 = arith.index_cast %scan3A_520 : i32 to index
      %get3A_563 = arith.constant 48 : index
      %get3A_564 = tpu.vector_load %arg12[%get3A_562, %get3A_563] {strides = array<i32>} : memref<128x128xf32, #tpu.memory_space<vmem>>, vector<1x16xf32>,
      %get3A_565 = vector.shape_cast %get3A_564 : vector<1x16xf32> to vector<16xf32>
      %get3A_566 = arith.index_cast %scan3A_520 : i32 to index
      %get3A_567 = arith.constant 48 : index
      %get3A_568 = tpu.vector_load %arg13[%get3A_566, %get3A_567] {strides = array<i32>} : memref<128x128xf32, #tpu.memory_space<vmem>>, vector<1x16xf32>,
      %get3A_569 = vector.shape_cast %get3A_568 : vector<1x16xf32> to vector<16xf32>
      %add3A_570 = arith.addf %get3A_565, %get3A_569 : vector<16xf32>
      %swap3A_571 = arith.index_cast %scan3A_520 : i32 to index
      %swap3A_572 = arith.constant 48 : index
      %swap3A_573 = tpu.vector_load %arg11[%swap3A_571, %swap3A_572] {strides = array<i32>} : memref<128x128xf32, #tpu.memory_space<vmem>>, vector<1x16xf32>,
      %swap3A_574 = vector.shape_cast %swap3A_573 : vector<1x16xf32> to vector<16xf32>
      %swap3A_575 = vector.shape_cast %add3A_570 : vector<16xf32> to vector<1x16xf32>
      tpu.vector_store %arg11[%swap3A_571, %swap3A_572], %swap3A_575 {add = true, strides = array<i32>} : memref<128x128xf32, #tpu.memory_space<vmem>>, vector<1x16xf32>,
      %get3A_576 = arith.index_cast %scan3A_520 : i32 to index
      %get3A_577 = arith.constant 64 : index
      %get3A_578 = tpu.vector_load %arg12[%get3A_576, %get3A_577] {strides = array<i32>} : memref<128x128xf32, #tpu.memory_space<vmem>>, vector<1x16xf32>,
      %get3A_579 = vector.shape_cast %get3A_578 : vector<1x16xf32> to vector<16xf32>
      %get3A_580 = arith.index_cast %scan3A_520 : i32 to index
      %get3A_581 = arith.constant 64 : index
      %get3A_582 = tpu.vector_load %arg13[%get3A_580, %get3A_581] {strides = array<i32>} : memref<128x128xf32, #tpu.memory_space<vmem>>, vector<1x16xf32>,
      %get3A_583 = vector.shape_cast %get3A_582 : vector<1x16xf32> to vector<16xf32>
      %add3A_584 = arith.addf %get3A_579, %get3A_583 : vector<16xf32>
      %swap3A_585 = arith.index_cast %scan3A_520 : i32 to index
      %swap3A_586 = arith.constant 64 : index
      %swap3A_587 = tpu.vector_load %arg11[%swap3A_585, %swap3A_586] {strides = array<i32>} : memref<128x128xf32, #tpu.memory_space<vmem>>, vector<1x16xf32>,
      %swap3A_588 = vector.shape_cast %swap3A_587 : vector<1x16xf32> to vector<16xf32>
      %swap3A_589 = vector.shape_cast %add3A_584 : vector<16xf32> to vector<1x16xf32>
      tpu.vector_store %arg11[%swap3A_585, %swap3A_586], %swap3A_589 {add = true, strides = array<i32>} : memref<128x128xf32, #tpu.memory_space<vmem>>, vector<1x16xf32>,
      %get3A_590 = arith.index_cast %scan3A_520 : i32 to index
      %get3A_591 = arith.constant 80 : index
      %get3A_592 = tpu.vector_load %arg12[%get3A_590, %get3A_591] {strides = array<i32>} : memref<128x128xf32, #tpu.memory_space<vmem>>, vector<1x16xf32>,
      %get3A_593 = vector.shape_cast %get3A_592 : vector<1x16xf32> to vector<16xf32>
      %get3A_594 = arith.index_cast %scan3A_520 : i32 to index
      %get3A_595 = arith.constant 80 : index
      %get3A_596 = tpu.vector_load %arg13[%get3A_594, %get3A_595] {strides = array<i32>} : memref<128x128xf32, #tpu.memory_space<vmem>>, vector<1x16xf32>,
      %get3A_597 = vector.shape_cast %get3A_596 : vector<1x16xf32> to vector<16xf32>
      %add3A_598 = arith.addf %get3A_593, %get3A_597 : vector<16xf32>
      %swap3A_599 = arith.index_cast %scan3A_520 : i32 to index
      %swap3A_600 = arith.constant 80 : index
      %swap3A_601 = tpu.vector_load %arg11[%swap3A_599, %swap3A_600] {strides = array<i32>} : memref<128x128xf32, #tpu.memory_space<vmem>>, vector<1x16xf32>,
      %swap3A_602 = vector.shape_cast %swap3A_601 : vector<1x16xf32> to vector<16xf32>
      %swap3A_603 = vector.shape_cast %add3A_598 : vector<16xf32> to vector<1x16xf32>
      tpu.vector_store %arg11[%swap3A_599, %swap3A_600], %swap3A_603 {add = true, strides = array<i32>} : memref<128x128xf32, #tpu.memory_space<vmem>>, vector<1x16xf32>,
      %get3A_604 = arith.index_cast %scan3A_520 : i32 to index
      %get3A_605 = arith.constant 96 : index
      %get3A_606 = tpu.vector_load %arg12[%get3A_604, %get3A_605] {strides = array<i32>} : memref<128x128xf32, #tpu.memory_space<vmem>>, vector<1x16xf32>,
      %get3A_607 = vector.shape_cast %get3A_606 : vector<1x16xf32> to vector<16xf32>
      %get3A_608 = arith.index_cast %scan3A_520 : i32 to index
      %get3A_609 = arith.constant 96 : index
      %get3A_610 = tpu.vector_load %arg13[%get3A_608, %get3A_609] {strides = array<i32>} : memref<128x128xf32, #tpu.memory_space<vmem>>, vector<1x16xf32>,
      %get3A_611 = vector.shape_cast %get3A_610 : vector<1x16xf32> to vector<16xf32>
      %add3A_612 = arith.addf %get3A_607, %get3A_611 : vector<16xf32>
      %swap3A_613 = arith.index_cast %scan3A_520 : i32 to index
      %swap3A_614 = arith.constant 96 : index
      %swap3A_615 = tpu.vector_load %arg11[%swap3A_613, %swap3A_614] {strides = array<i32>} : memref<128x128xf32, #tpu.memory_space<vmem>>, vector<1x16xf32>,
      %swap3A_616 = vector.shape_cast %swap3A_615 : vector<1x16xf32> to vector<16xf32>
      %swap3A_617 = vector.shape_cast %add3A_612 : vector<16xf32> to vector<1x16xf32>
      tpu.vector_store %arg11[%swap3A_613, %swap3A_614], %swap3A_617 {add = true, strides = array<i32>} : memref<128x128xf32, #tpu.memory_space<vmem>>, vector<1x16xf32>,
      %get3A_618 = arith.index_cast %scan3A_520 : i32 to index
      %get3A_619 = arith.constant 112 : index
      %get3A_620 = tpu.vector_load %arg12[%get3A_618, %get3A_619] {strides = array<i32>} : memref<128x128xf32, #tpu.memory_space<vmem>>, vector<1x16xf32>,
      %get3A_621 = vector.shape_cast %get3A_620 : vector<1x16xf32> to vector<16xf32>
      %get3A_622 = arith.index_cast %scan3A_520 : i32 to index
      %get3A_623 = arith.constant 112 : index
      %get3A_624 = tpu.vector_load %arg13[%get3A_622, %get3A_623] {strides = array<i32>} : memref<128x128xf32, #tpu.memory_space<vmem>>, vector<1x16xf32>,
      %get3A_625 = vector.shape_cast %get3A_624 : vector<1x16xf32> to vector<16xf32>
      %add3A_626 = arith.addf %get3A_621, %get3A_625 : vector<16xf32>
      %swap3A_627 = arith.index_cast %scan3A_520 : i32 to index
      %swap3A_628 = arith.constant 112 : index
      %swap3A_629 = tpu.vector_load %arg11[%swap3A_627, %swap3A_628] {strides = array<i32>} : memref<128x128xf32, #tpu.memory_space<vmem>>, vector<1x16xf32>,
      %swap3A_630 = vector.shape_cast %swap3A_629 : vector<1x16xf32> to vector<16xf32>
      %swap3A_631 = vector.shape_cast %add3A_626 : vector<16xf32> to vector<1x16xf32>
      tpu.vector_store %arg11[%swap3A_627, %swap3A_628], %swap3A_631 {add = true, strides = array<i32>} : memref<128x128xf32, #tpu.memory_space<vmem>>, vector<1x16xf32>,
      %scan3A_632 = arith.constant 0 : i32
      scf.yield %scan3A_632 : i32
    }
    %scan3A_403 = arith.constant 128 : i32
    %add3A_404 = arith.constant 640 : i32
    %add3A_405 = arith.addi %mul3A_2, %add3A_404 : i32
    %dma_start3A_406 = arith.constant 0 : i32
    %dma_start3A_407 = tpu.memref_slice %arg6[%add3A_405, %dma_start3A_406] : memref<32768x128xf32, #tpu.memory_space<hbm>> -> memref<128x128xf32, #tpu.memory_space<hbm>>
    %dma_start3A_408 = arith.constant 0 : i32
    %dma_start3A_409 = tpu.memref_slice %arg6[%add3A_405, %dma_start3A_408] : memref<32768x128xf32, #tpu.memory_space<hbm>> -> memref<128x128xf32, #tpu.memory_space<hbm>>
    tpu.enqueue_dma source(%arg11 : memref<128x128xf32, #tpu.memory_space<vmem>>) target(%dma_start3A_409 : memref<128x128xf32, #tpu.memory_space<hbm>>) target_semaphore(%arg17 : memref<!tpu.dma_semaphore, #tpu.memory_space<semaphore_mem>>)
    %dma_wait3A_410 = arith.constant 0 : i32
    %dma_wait3A_411 = tpu.memref_slice %arg6[%add3A_405, %dma_wait3A_410] : memref<32768x128xf32, #tpu.memory_space<hbm>> -> memref<128x128xf32, #tpu.memory_space<hbm>>
    %dma_wait3A_412 = arith.constant 0 : i32
    %dma_wait3A_413 = tpu.memref_slice %arg6[%add3A_405, %dma_wait3A_412] : memref<32768x128xf32, #tpu.memory_space<hbm>> -> memref<128x128xf32, #tpu.memory_space<hbm>>
    tpu.wait_dma2 semaphore(%arg17 : memref<!tpu.dma_semaphore, #tpu.memory_space<semaphore_mem>>) src(%arg11 : memref<128x128xf32, #tpu.memory_space<vmem>>) dst(%dma_wait3A_413 : memref<128x128xf32, #tpu.memory_space<hbm>>)
    %dma_start3A_414 = arith.constant 0 : i32
    %dma_start3A_415 = arith.constant 7 : i32
    %dma_start3A_416 = arith.constant 0 : i32
    %dma_start3A_417 = tpu.memref_slice %arg7[%dma_start3A_414, %dma_start3A_415, %dma_start3A_416] : memref<3x8x128xi32, #tpu.memory_space<vmem>> -> memref<1x1x128xi32, #tpu.memory_space<vmem>>
    %dma_start3A_418 = tpu.memref_squeeze %dma_start3A_417 : memref<1x1x128xi32, #tpu.memory_space<vmem>> -> memref<128xi32, #tpu.memory_space<vmem>>
    %dma_start3A_419 = arith.constant 0 : i32
    %dma_start3A_420 = arith.constant 0 : i32
    %dma_start3A_421 = tpu.memref_slice %arg3[%dma_start3A_419, %dma_start3A_420] : memref<8192x128xf32, #tpu.memory_space<hbm>> -> memref<8192x128xf32, #tpu.memory_space<hbm>>
    tpu.enqueue_indirect_dma source(%dma_start3A_421 : memref<8192x128xf32, #tpu.memory_space<hbm>>) target(%arg11 : memref<128x128xf32, #tpu.memory_space<vmem>>) offsets(%dma_start3A_418 : memref<128xi32, #tpu.memory_space<vmem>>) semaphore(%arg15 : memref<!tpu.dma_semaphore, #tpu.memory_space<semaphore_mem>>)
    %dma_start3A_422 = arith.constant 1 : i32
    %dma_start3A_423 = arith.constant 7 : i32
    %dma_start3A_424 = arith.constant 0 : i32
    %dma_start3A_425 = tpu.memref_slice %arg7[%dma_start3A_422, %dma_start3A_423, %dma_start3A_424] : memref<3x8x128xi32, #tpu.memory_space<vmem>> -> memref<1x1x128xi32, #tpu.memory_space<vmem>>
    %dma_start3A_426 = tpu.memref_squeeze %dma_start3A_425 : memref<1x1x128xi32, #tpu.memory_space<vmem>> -> memref<128xi32, #tpu.memory_space<vmem>>
    %dma_start3A_427 = arith.constant 0 : i32
    %dma_start3A_428 = arith.constant 0 : i32
    %dma_start3A_429 = tpu.memref_slice %arg4[%dma_start3A_427, %dma_start3A_428] : memref<8192x128xf32, #tpu.memory_space<hbm>> -> memref<8192x128xf32, #tpu.memory_space<hbm>>
    tpu.enqueue_indirect_dma source(%dma_start3A_429 : memref<8192x128xf32, #tpu.memory_space<hbm>>) target(%arg12 : memref<128x128xf32, #tpu.memory_space<vmem>>) offsets(%dma_start3A_426 : memref<128xi32, #tpu.memory_space<vmem>>) semaphore(%arg15 : memref<!tpu.dma_semaphore, #tpu.memory_space<semaphore_mem>>)
    %dma_start3A_430 = arith.constant 2 : i32
    %dma_start3A_431 = arith.constant 7 : i32
    %dma_start3A_432 = arith.constant 0 : i32
    %dma_start3A_433 = tpu.memref_slice %arg7[%dma_start3A_430, %dma_start3A_431, %dma_start3A_432] : memref<3x8x128xi32, #tpu.memory_space<vmem>> -> memref<1x1x128xi32, #tpu.memory_space<vmem>>
    %dma_start3A_434 = tpu.memref_squeeze %dma_start3A_433 : memref<1x1x128xi32, #tpu.memory_space<vmem>> -> memref<128xi32, #tpu.memory_space<vmem>>
    %dma_start3A_435 = arith.constant 0 : i32
    %dma_start3A_436 = arith.constant 0 : i32
    %dma_start3A_437 = tpu.memref_slice %arg5[%dma_start3A_435, %dma_start3A_436] : memref<8192x128xf32, #tpu.memory_space<hbm>> -> memref<8192x128xf32, #tpu.memory_space<hbm>>
    tpu.enqueue_indirect_dma source(%dma_start3A_437 : memref<8192x128xf32, #tpu.memory_space<hbm>>) target(%arg13 : memref<128x128xf32, #tpu.memory_space<vmem>>) offsets(%dma_start3A_434 : memref<128xi32, #tpu.memory_space<vmem>>) semaphore(%arg15 : memref<!tpu.dma_semaphore, #tpu.memory_space<semaphore_mem>>)
    %dma_wait3A_438 = arith.constant 0 : i32
    %dma_wait3A_439 = arith.constant 6 : i32
    %dma_wait3A_440 = arith.constant 0 : i32
    %dma_wait3A_441 = tpu.memref_slice %arg7[%dma_wait3A_438, %dma_wait3A_439, %dma_wait3A_440] : memref<3x8x128xi32, #tpu.memory_space<vmem>> -> memref<1x1x128xi32, #tpu.memory_space<vmem>>
    %dma_wait3A_442 = tpu.memref_squeeze %dma_wait3A_441 : memref<1x1x128xi32, #tpu.memory_space<vmem>> -> memref<128xi32, #tpu.memory_space<vmem>>
    %dma_wait3A_443 = arith.constant 0 : i32
    %dma_wait3A_444 = arith.constant 0 : i32
    %dma_wait3A_445 = tpu.memref_slice %arg3[%dma_wait3A_443, %dma_wait3A_444] : memref<8192x128xf32, #tpu.memory_space<hbm>> -> memref<8192x128xf32, #tpu.memory_space<hbm>>
    tpu.wait_indirect_dma semaphore(%arg14 : memref<!tpu.dma_semaphore, #tpu.memory_space<semaphore_mem>>) src(%dma_wait3A_445 : memref<8192x128xf32, #tpu.memory_space<hbm>>) dst(%arg8 : memref<128x128xf32, #tpu.memory_space<vmem>>)
    %dma_wait3A_446 = arith.constant 1 : i32
    %dma_wait3A_447 = arith.constant 6 : i32
    %dma_wait3A_448 = arith.constant 0 : i32
    %dma_wait3A_449 = tpu.memref_slice %arg7[%dma_wait3A_446, %dma_wait3A_447, %dma_wait3A_448] : memref<3x8x128xi32, #tpu.memory_space<vmem>> -> memref<1x1x128xi32, #tpu.memory_space<vmem>>
    %dma_wait3A_450 = tpu.memref_squeeze %dma_wait3A_449 : memref<1x1x128xi32, #tpu.memory_space<vmem>> -> memref<128xi32, #tpu.memory_space<vmem>>
    %dma_wait3A_451 = arith.constant 0 : i32
    %dma_wait3A_452 = arith.constant 0 : i32
    %dma_wait3A_453 = tpu.memref_slice %arg4[%dma_wait3A_451, %dma_wait3A_452] : memref<8192x128xf32, #tpu.memory_space<hbm>> -> memref<8192x128xf32, #tpu.memory_space<hbm>>
    tpu.wait_indirect_dma semaphore(%arg14 : memref<!tpu.dma_semaphore, #tpu.memory_space<semaphore_mem>>) src(%dma_wait3A_453 : memref<8192x128xf32, #tpu.memory_space<hbm>>) dst(%arg9 : memref<128x128xf32, #tpu.memory_space<vmem>>)
    %dma_wait3A_454 = arith.constant 2 : i32
    %dma_wait3A_455 = arith.constant 6 : i32
    %dma_wait3A_456 = arith.constant 0 : i32
    %dma_wait3A_457 = tpu.memref_slice %arg7[%dma_wait3A_454, %dma_wait3A_455, %dma_wait3A_456] : memref<3x8x128xi32, #tpu.memory_space<vmem>> -> memref<1x1x128xi32, #tpu.memory_space<vmem>>
    %dma_wait3A_458 = tpu.memref_squeeze %dma_wait3A_457 : memref<1x1x128xi32, #tpu.memory_space<vmem>> -> memref<128xi32, #tpu.memory_space<vmem>>
    %dma_wait3A_459 = arith.constant 0 : i32
    %dma_wait3A_460 = arith.constant 0 : i32
    %dma_wait3A_461 = tpu.memref_slice %arg5[%dma_wait3A_459, %dma_wait3A_460] : memref<8192x128xf32, #tpu.memory_space<hbm>> -> memref<8192x128xf32, #tpu.memory_space<hbm>>
    tpu.wait_indirect_dma semaphore(%arg14 : memref<!tpu.dma_semaphore, #tpu.memory_space<semaphore_mem>>) src(%dma_wait3A_461 : memref<8192x128xf32, #tpu.memory_space<hbm>>) dst(%arg10 : memref<128x128xf32, #tpu.memory_space<vmem>>)
    %scan3A_462 = arith.constant 0 : i32
    %scan3A_463 = arith.constant 0 : i32
    %scan3A_464 = arith.constant 128 : i32
    %scan3A_465 = arith.addi %scan3A_463, %scan3A_464 : i32
    %scan3A_466 = arith.constant 1 : i32
    %scan3A_467 = scf.for %scan3A_520 = %scan3A_463 to %scan3A_465 step %scan3A_466 iter_args(%scan3A_521 = %scan3A_462) -> (i32)  : i32 {
      %get3A = arith.index_cast %scan3A_520 : i32 to index
      %get3A_522 = arith.constant 0 : index
      %get3A_523 = tpu.vector_load %arg9[%get3A, %get3A_522] {strides = array<i32>} : memref<128x128xf32, #tpu.memory_space<vmem>>, vector<1x16xf32>,
      %get3A_524 = vector.shape_cast %get3A_523 : vector<1x16xf32> to vector<16xf32>
      %get3A_525 = arith.index_cast %scan3A_520 : i32 to index
      %get3A_526 = arith.constant 0 : index
      %get3A_527 = tpu.vector_load %arg10[%get3A_525, %get3A_526] {strides = array<i32>} : memref<128x128xf32, #tpu.memory_space<vmem>>, vector<1x16xf32>,
      %get3A_528 = vector.shape_cast %get3A_527 : vector<1x16xf32> to vector<16xf32>
      %add3A_529 = arith.addf %get3A_524, %get3A_528 : vector<16xf32>
      %swap3A = arith.index_cast %scan3A_520 : i32 to index
      %swap3A_530 = arith.constant 0 : index
      %swap3A_531 = tpu.vector_load %arg8[%swap3A, %swap3A_530] {strides = array<i32>} : memref<128x128xf32, #tpu.memory_space<vmem>>, vector<1x16xf32>,
      %swap3A_532 = vector.shape_cast %swap3A_531 : vector<1x16xf32> to vector<16xf32>
      %swap3A_533 = vector.shape_cast %add3A_529 : vector<16xf32> to vector<1x16xf32>
      tpu.vector_store %arg8[%swap3A, %swap3A_530], %swap3A_533 {add = true, strides = array<i32>} : memref<128x128xf32, #tpu.memory_space<vmem>>, vector<1x16xf32>,
      %get3A_534 = arith.index_cast %scan3A_520 : i32 to index
      %get3A_535 = arith.constant 16 : index
      %get3A_536 = tpu.vector_load %arg9[%get3A_534, %get3A_535] {strides = array<i32>} : memref<128x128xf32, #tpu.memory_space<vmem>>, vector<1x16xf32>,
      %get3A_537 = vector.shape_cast %get3A_536 : vector<1x16xf32> to vector<16xf32>
      %get3A_538 = arith.index_cast %scan3A_520 : i32 to index
      %get3A_539 = arith.constant 16 : index
      %get3A_540 = tpu.vector_load %arg10[%get3A_538, %get3A_539] {strides = array<i32>} : memref<128x128xf32, #tpu.memory_space<vmem>>, vector<1x16xf32>,
      %get3A_541 = vector.shape_cast %get3A_540 : vector<1x16xf32> to vector<16xf32>
      %add3A_542 = arith.addf %get3A_537, %get3A_541 : vector<16xf32>
      %swap3A_543 = arith.index_cast %scan3A_520 : i32 to index
      %swap3A_544 = arith.constant 16 : index
      %swap3A_545 = tpu.vector_load %arg8[%swap3A_543, %swap3A_544] {strides = array<i32>} : memref<128x128xf32, #tpu.memory_space<vmem>>, vector<1x16xf32>,
      %swap3A_546 = vector.shape_cast %swap3A_545 : vector<1x16xf32> to vector<16xf32>
      %swap3A_547 = vector.shape_cast %add3A_542 : vector<16xf32> to vector<1x16xf32>
      tpu.vector_store %arg8[%swap3A_543, %swap3A_544], %swap3A_547 {add = true, strides = array<i32>} : memref<128x128xf32, #tpu.memory_space<vmem>>, vector<1x16xf32>,
      %get3A_548 = arith.index_cast %scan3A_520 : i32 to index
      %get3A_549 = arith.constant 32 : index
      %get3A_550 = tpu.vector_load %arg9[%get3A_548, %get3A_549] {strides = array<i32>} : memref<128x128xf32, #tpu.memory_space<vmem>>, vector<1x16xf32>,
      %get3A_551 = vector.shape_cast %get3A_550 : vector<1x16xf32> to vector<16xf32>
      %get3A_552 = arith.index_cast %scan3A_520 : i32 to index
      %get3A_553 = arith.constant 32 : index
      %get3A_554 = tpu.vector_load %arg10[%get3A_552, %get3A_553] {strides = array<i32>} : memref<128x128xf32, #tpu.memory_space<vmem>>, vector<1x16xf32>,
      %get3A_555 = vector.shape_cast %get3A_554 : vector<1x16xf32> to vector<16xf32>
      %add3A_556 = arith.addf %get3A_551, %get3A_555 : vector<16xf32>
      %swap3A_557 = arith.index_cast %scan3A_520 : i32 to index
      %swap3A_558 = arith.constant 32 : index
      %swap3A_559 = tpu.vector_load %arg8[%swap3A_557, %swap3A_558] {strides = array<i32>} : memref<128x128xf32, #tpu.memory_space<vmem>>, vector<1x16xf32>,
      %swap3A_560 = vector.shape_cast %swap3A_559 : vector<1x16xf32> to vector<16xf32>
      %swap3A_561 = vector.shape_cast %add3A_556 : vector<16xf32> to vector<1x16xf32>
      tpu.vector_store %arg8[%swap3A_557, %swap3A_558], %swap3A_561 {add = true, strides = array<i32>} : memref<128x128xf32, #tpu.memory_space<vmem>>, vector<1x16xf32>,
      %get3A_562 = arith.index_cast %scan3A_520 : i32 to index
      %get3A_563 = arith.constant 48 : index
      %get3A_564 = tpu.vector_load %arg9[%get3A_562, %get3A_563] {strides = array<i32>} : memref<128x128xf32, #tpu.memory_space<vmem>>, vector<1x16xf32>,
      %get3A_565 = vector.shape_cast %get3A_564 : vector<1x16xf32> to vector<16xf32>
      %get3A_566 = arith.index_cast %scan3A_520 : i32 to index
      %get3A_567 = arith.constant 48 : index
      %get3A_568 = tpu.vector_load %arg10[%get3A_566, %get3A_567] {strides = array<i32>} : memref<128x128xf32, #tpu.memory_space<vmem>>, vector<1x16xf32>,
      %get3A_569 = vector.shape_cast %get3A_568 : vector<1x16xf32> to vector<16xf32>
      %add3A_570 = arith.addf %get3A_565, %get3A_569 : vector<16xf32>
      %swap3A_571 = arith.index_cast %scan3A_520 : i32 to index
      %swap3A_572 = arith.constant 48 : index
      %swap3A_573 = tpu.vector_load %arg8[%swap3A_571, %swap3A_572] {strides = array<i32>} : memref<128x128xf32, #tpu.memory_space<vmem>>, vector<1x16xf32>,
      %swap3A_574 = vector.shape_cast %swap3A_573 : vector<1x16xf32> to vector<16xf32>
      %swap3A_575 = vector.shape_cast %add3A_570 : vector<16xf32> to vector<1x16xf32>
      tpu.vector_store %arg8[%swap3A_571, %swap3A_572], %swap3A_575 {add = true, strides = array<i32>} : memref<128x128xf32, #tpu.memory_space<vmem>>, vector<1x16xf32>,
      %get3A_576 = arith.index_cast %scan3A_520 : i32 to index
      %get3A_577 = arith.constant 64 : index
      %get3A_578 = tpu.vector_load %arg9[%get3A_576, %get3A_577] {strides = array<i32>} : memref<128x128xf32, #tpu.memory_space<vmem>>, vector<1x16xf32>,
      %get3A_579 = vector.shape_cast %get3A_578 : vector<1x16xf32> to vector<16xf32>
      %get3A_580 = arith.index_cast %scan3A_520 : i32 to index
      %get3A_581 = arith.constant 64 : index
      %get3A_582 = tpu.vector_load %arg10[%get3A_580, %get3A_581] {strides = array<i32>} : memref<128x128xf32, #tpu.memory_space<vmem>>, vector<1x16xf32>,
      %get3A_583 = vector.shape_cast %get3A_582 : vector<1x16xf32> to vector<16xf32>
      %add3A_584 = arith.addf %get3A_579, %get3A_583 : vector<16xf32>
      %swap3A_585 = arith.index_cast %scan3A_520 : i32 to index
      %swap3A_586 = arith.constant 64 : index
      %swap3A_587 = tpu.vector_load %arg8[%swap3A_585, %swap3A_586] {strides = array<i32>} : memref<128x128xf32, #tpu.memory_space<vmem>>, vector<1x16xf32>,
      %swap3A_588 = vector.shape_cast %swap3A_587 : vector<1x16xf32> to vector<16xf32>
      %swap3A_589 = vector.shape_cast %add3A_584 : vector<16xf32> to vector<1x16xf32>
      tpu.vector_store %arg8[%swap3A_585, %swap3A_586], %swap3A_589 {add = true, strides = array<i32>} : memref<128x128xf32, #tpu.memory_space<vmem>>, vector<1x16xf32>,
      %get3A_590 = arith.index_cast %scan3A_520 : i32 to index
      %get3A_591 = arith.constant 80 : index
      %get3A_592 = tpu.vector_load %arg9[%get3A_590, %get3A_591] {strides = array<i32>} : memref<128x128xf32, #tpu.memory_space<vmem>>, vector<1x16xf32>,
      %get3A_593 = vector.shape_cast %get3A_592 : vector<1x16xf32> to vector<16xf32>
      %get3A_594 = arith.index_cast %scan3A_520 : i32 to index
      %get3A_595 = arith.constant 80 : index
      %get3A_596 = tpu.vector_load %arg10[%get3A_594, %get3A_595] {strides = array<i32>} : memref<128x128xf32, #tpu.memory_space<vmem>>, vector<1x16xf32>,
      %get3A_597 = vector.shape_cast %get3A_596 : vector<1x16xf32> to vector<16xf32>
      %add3A_598 = arith.addf %get3A_593, %get3A_597 : vector<16xf32>
      %swap3A_599 = arith.index_cast %scan3A_520 : i32 to index
      %swap3A_600 = arith.constant 80 : index
      %swap3A_601 = tpu.vector_load %arg8[%swap3A_599, %swap3A_600] {strides = array<i32>} : memref<128x128xf32, #tpu.memory_space<vmem>>, vector<1x16xf32>,
      %swap3A_602 = vector.shape_cast %swap3A_601 : vector<1x16xf32> to vector<16xf32>
      %swap3A_603 = vector.shape_cast %add3A_598 : vector<16xf32> to vector<1x16xf32>
      tpu.vector_store %arg8[%swap3A_599, %swap3A_600], %swap3A_603 {add = true, strides = array<i32>} : memref<128x128xf32, #tpu.memory_space<vmem>>, vector<1x16xf32>,
      %get3A_604 = arith.index_cast %scan3A_520 : i32 to index
      %get3A_605 = arith.constant 96 : index
      %get3A_606 = tpu.vector_load %arg9[%get3A_604, %get3A_605] {strides = array<i32>} : memref<128x128xf32, #tpu.memory_space<vmem>>, vector<1x16xf32>,
      %get3A_607 = vector.shape_cast %get3A_606 : vector<1x16xf32> to vector<16xf32>
      %get3A_608 = arith.index_cast %scan3A_520 : i32 to index
      %get3A_609 = arith.constant 96 : index
      %get3A_610 = tpu.vector_load %arg10[%get3A_608, %get3A_609] {strides = array<i32>} : memref<128x128xf32, #tpu.memory_space<vmem>>, vector<1x16xf32>,
      %get3A_611 = vector.shape_cast %get3A_610 : vector<1x16xf32> to vector<16xf32>
      %add3A_612 = arith.addf %get3A_607, %get3A_611 : vector<16xf32>
      %swap3A_613 = arith.index_cast %scan3A_520 : i32 to index
      %swap3A_614 = arith.constant 96 : index
      %swap3A_615 = tpu.vector_load %arg8[%swap3A_613, %swap3A_614] {strides = array<i32>} : memref<128x128xf32, #tpu.memory_space<vmem>>, vector<1x16xf32>,
      %swap3A_616 = vector.shape_cast %swap3A_615 : vector<1x16xf32> to vector<16xf32>
      %swap3A_617 = vector.shape_cast %add3A_612 : vector<16xf32> to vector<1x16xf32>
      tpu.vector_store %arg8[%swap3A_613, %swap3A_614], %swap3A_617 {add = true, strides = array<i32>} : memref<128x128xf32, #tpu.memory_space<vmem>>, vector<1x16xf32>,
      %get3A_618 = arith.index_cast %scan3A_520 : i32 to index
      %get3A_619 = arith.constant 112 : index
      %get3A_620 = tpu.vector_load %arg9[%get3A_618, %get3A_619] {strides = array<i32>} : memref<128x128xf32, #tpu.memory_space<vmem>>, vector<1x16xf32>,
      %get3A_621 = vector.shape_cast %get3A_620 : vector<1x16xf32> to vector<16xf32>
      %get3A_622 = arith.index_cast %scan3A_520 : i32 to index
      %get3A_623 = arith.constant 112 : index
      %get3A_624 = tpu.vector_load %arg10[%get3A_622, %get3A_623] {strides = array<i32>} : memref<128x128xf32, #tpu.memory_space<vmem>>, vector<1x16xf32>,
      %get3A_625 = vector.shape_cast %get3A_624 : vector<1x16xf32> to vector<16xf32>
      %add3A_626 = arith.addf %get3A_621, %get3A_625 : vector<16xf32>
      %swap3A_627 = arith.index_cast %scan3A_520 : i32 to index
      %swap3A_628 = arith.constant 112 : index
      %swap3A_629 = tpu.vector_load %arg8[%swap3A_627, %swap3A_628] {strides = array<i32>} : memref<128x128xf32, #tpu.memory_space<vmem>>, vector<1x16xf32>,
      %swap3A_630 = vector.shape_cast %swap3A_629 : vector<1x16xf32> to vector<16xf32>
      %swap3A_631 = vector.shape_cast %add3A_626 : vector<16xf32> to vector<1x16xf32>
      tpu.vector_store %arg8[%swap3A_627, %swap3A_628], %swap3A_631 {add = true, strides = array<i32>} : memref<128x128xf32, #tpu.memory_space<vmem>>, vector<1x16xf32>,
      %scan3A_632 = arith.constant 0 : i32
      scf.yield %scan3A_632 : i32
    }
    %scan3A_468 = arith.constant 128 : i32
    %add3A_469 = arith.constant 768 : i32
    %add3A_470 = arith.addi %mul3A_2, %add3A_469 : i32
    %dma_start3A_471 = arith.constant 0 : i32
    %dma_start3A_472 = tpu.memref_slice %arg6[%add3A_470, %dma_start3A_471] : memref<32768x128xf32, #tpu.memory_space<hbm>> -> memref<128x128xf32, #tpu.memory_space<hbm>>
    %dma_start3A_473 = arith.constant 0 : i32
    %dma_start3A_474 = tpu.memref_slice %arg6[%add3A_470, %dma_start3A_473] : memref<32768x128xf32, #tpu.memory_space<hbm>> -> memref<128x128xf32, #tpu.memory_space<hbm>>
    tpu.enqueue_dma source(%arg8 : memref<128x128xf32, #tpu.memory_space<vmem>>) target(%dma_start3A_474 : memref<128x128xf32, #tpu.memory_space<hbm>>) target_semaphore(%arg16 : memref<!tpu.dma_semaphore, #tpu.memory_space<semaphore_mem>>)
    %dma_wait3A_475 = arith.constant 0 : i32
    %dma_wait3A_476 = arith.constant 7 : i32
    %dma_wait3A_477 = arith.constant 0 : i32
    %dma_wait3A_478 = tpu.memref_slice %arg7[%dma_wait3A_475, %dma_wait3A_476, %dma_wait3A_477] : memref<3x8x128xi32, #tpu.memory_space<vmem>> -> memref<1x1x128xi32, #tpu.memory_space<vmem>>
    %dma_wait3A_479 = tpu.memref_squeeze %dma_wait3A_478 : memref<1x1x128xi32, #tpu.memory_space<vmem>> -> memref<128xi32, #tpu.memory_space<vmem>>
    %dma_wait3A_480 = arith.constant 0 : i32
    %dma_wait3A_481 = arith.constant 0 : i32
    %dma_wait3A_482 = tpu.memref_slice %arg3[%dma_wait3A_480, %dma_wait3A_481] : memref<8192x128xf32, #tpu.memory_space<hbm>> -> memref<8192x128xf32, #tpu.memory_space<hbm>>
    tpu.wait_indirect_dma semaphore(%arg15 : memref<!tpu.dma_semaphore, #tpu.memory_space<semaphore_mem>>) src(%dma_wait3A_482 : memref<8192x128xf32, #tpu.memory_space<hbm>>) dst(%arg11 : memref<128x128xf32, #tpu.memory_space<vmem>>)
    %dma_wait3A_483 = arith.constant 1 : i32
    %dma_wait3A_484 = arith.constant 7 : i32
    %dma_wait3A_485 = arith.constant 0 : i32
    %dma_wait3A_486 = tpu.memref_slice %arg7[%dma_wait3A_483, %dma_wait3A_484, %dma_wait3A_485] : memref<3x8x128xi32, #tpu.memory_space<vmem>> -> memref<1x1x128xi32, #tpu.memory_space<vmem>>
    %dma_wait3A_487 = tpu.memref_squeeze %dma_wait3A_486 : memref<1x1x128xi32, #tpu.memory_space<vmem>> -> memref<128xi32, #tpu.memory_space<vmem>>
    %dma_wait3A_488 = arith.constant 0 : i32
    %dma_wait3A_489 = arith.constant 0 : i32
    %dma_wait3A_490 = tpu.memref_slice %arg4[%dma_wait3A_488, %dma_wait3A_489] : memref<8192x128xf32, #tpu.memory_space<hbm>> -> memref<8192x128xf32, #tpu.memory_space<hbm>>
    tpu.wait_indirect_dma semaphore(%arg15 : memref<!tpu.dma_semaphore, #tpu.memory_space<semaphore_mem>>) src(%dma_wait3A_490 : memref<8192x128xf32, #tpu.memory_space<hbm>>) dst(%arg12 : memref<128x128xf32, #tpu.memory_space<vmem>>)
    %dma_wait3A_491 = arith.constant 2 : i32
    %dma_wait3A_492 = arith.constant 7 : i32
    %dma_wait3A_493 = arith.constant 0 : i32
    %dma_wait3A_494 = tpu.memref_slice %arg7[%dma_wait3A_491, %dma_wait3A_492, %dma_wait3A_493] : memref<3x8x128xi32, #tpu.memory_space<vmem>> -> memref<1x1x128xi32, #tpu.memory_space<vmem>>
    %dma_wait3A_495 = tpu.memref_squeeze %dma_wait3A_494 : memref<1x1x128xi32, #tpu.memory_space<vmem>> -> memref<128xi32, #tpu.memory_space<vmem>>
    %dma_wait3A_496 = arith.constant 0 : i32
    %dma_wait3A_497 = arith.constant 0 : i32
    %dma_wait3A_498 = tpu.memref_slice %arg5[%dma_wait3A_496, %dma_wait3A_497] : memref<8192x128xf32, #tpu.memory_space<hbm>> -> memref<8192x128xf32, #tpu.memory_space<hbm>>
    tpu.wait_indirect_dma semaphore(%arg15 : memref<!tpu.dma_semaphore, #tpu.memory_space<semaphore_mem>>) src(%dma_wait3A_498 : memref<8192x128xf32, #tpu.memory_space<hbm>>) dst(%arg13 : memref<128x128xf32, #tpu.memory_space<vmem>>)
    %scan3A_499 = arith.constant 0 : i32
    %scan3A_500 = arith.constant 0 : i32
    %scan3A_501 = arith.constant 128 : i32
    %scan3A_502 = arith.addi %scan3A_500, %scan3A_501 : i32
    %scan3A_503 = arith.constant 1 : i32
    %scan3A_504 = scf.for %scan3A_520 = %scan3A_500 to %scan3A_502 step %scan3A_503 iter_args(%scan3A_521 = %scan3A_499) -> (i32)  : i32 {
      %get3A = arith.index_cast %scan3A_520 : i32 to index
      %get3A_522 = arith.constant 0 : index
      %get3A_523 = tpu.vector_load %arg12[%get3A, %get3A_522] {strides = array<i32>} : memref<128x128xf32, #tpu.memory_space<vmem>>, vector<1x16xf32>,
      %get3A_524 = vector.shape_cast %get3A_523 : vector<1x16xf32> to vector<16xf32>
      %get3A_525 = arith.index_cast %scan3A_520 : i32 to index
      %get3A_526 = arith.constant 0 : index
      %get3A_527 = tpu.vector_load %arg13[%get3A_525, %get3A_526] {strides = array<i32>} : memref<128x128xf32, #tpu.memory_space<vmem>>, vector<1x16xf32>,
      %get3A_528 = vector.shape_cast %get3A_527 : vector<1x16xf32> to vector<16xf32>
      %add3A_529 = arith.addf %get3A_524, %get3A_528 : vector<16xf32>
      %swap3A = arith.index_cast %scan3A_520 : i32 to index
      %swap3A_530 = arith.constant 0 : index
      %swap3A_531 = tpu.vector_load %arg11[%swap3A, %swap3A_530] {strides = array<i32>} : memref<128x128xf32, #tpu.memory_space<vmem>>, vector<1x16xf32>,
      %swap3A_532 = vector.shape_cast %swap3A_531 : vector<1x16xf32> to vector<16xf32>
      %swap3A_533 = vector.shape_cast %add3A_529 : vector<16xf32> to vector<1x16xf32>
      tpu.vector_store %arg11[%swap3A, %swap3A_530], %swap3A_533 {add = true, strides = array<i32>} : memref<128x128xf32, #tpu.memory_space<vmem>>, vector<1x16xf32>,
      %get3A_534 = arith.index_cast %scan3A_520 : i32 to index
      %get3A_535 = arith.constant 16 : index
      %get3A_536 = tpu.vector_load %arg12[%get3A_534, %get3A_535] {strides = array<i32>} : memref<128x128xf32, #tpu.memory_space<vmem>>, vector<1x16xf32>,
      %get3A_537 = vector.shape_cast %get3A_536 : vector<1x16xf32> to vector<16xf32>
      %get3A_538 = arith.index_cast %scan3A_520 : i32 to index
      %get3A_539 = arith.constant 16 : index
      %get3A_540 = tpu.vector_load %arg13[%get3A_538, %get3A_539] {strides = array<i32>} : memref<128x128xf32, #tpu.memory_space<vmem>>, vector<1x16xf32>,
      %get3A_541 = vector.shape_cast %get3A_540 : vector<1x16xf32> to vector<16xf32>
      %add3A_542 = arith.addf %get3A_537, %get3A_541 : vector<16xf32>
      %swap3A_543 = arith.index_cast %scan3A_520 : i32 to index
      %swap3A_544 = arith.constant 16 : index
      %swap3A_545 = tpu.vector_load %arg11[%swap3A_543, %swap3A_544] {strides = array<i32>} : memref<128x128xf32, #tpu.memory_space<vmem>>, vector<1x16xf32>,
      %swap3A_546 = vector.shape_cast %swap3A_545 : vector<1x16xf32> to vector<16xf32>
      %swap3A_547 = vector.shape_cast %add3A_542 : vector<16xf32> to vector<1x16xf32>
      tpu.vector_store %arg11[%swap3A_543, %swap3A_544], %swap3A_547 {add = true, strides = array<i32>} : memref<128x128xf32, #tpu.memory_space<vmem>>, vector<1x16xf32>,
      %get3A_548 = arith.index_cast %scan3A_520 : i32 to index
      %get3A_549 = arith.constant 32 : index
      %get3A_550 = tpu.vector_load %arg12[%get3A_548, %get3A_549] {strides = array<i32>} : memref<128x128xf32, #tpu.memory_space<vmem>>, vector<1x16xf32>,
      %get3A_551 = vector.shape_cast %get3A_550 : vector<1x16xf32> to vector<16xf32>
      %get3A_552 = arith.index_cast %scan3A_520 : i32 to index
      %get3A_553 = arith.constant 32 : index
      %get3A_554 = tpu.vector_load %arg13[%get3A_552, %get3A_553] {strides = array<i32>} : memref<128x128xf32, #tpu.memory_space<vmem>>, vector<1x16xf32>,
      %get3A_555 = vector.shape_cast %get3A_554 : vector<1x16xf32> to vector<16xf32>
      %add3A_556 = arith.addf %get3A_551, %get3A_555 : vector<16xf32>
      %swap3A_557 = arith.index_cast %scan3A_520 : i32 to index
      %swap3A_558 = arith.constant 32 : index
      %swap3A_559 = tpu.vector_load %arg11[%swap3A_557, %swap3A_558] {strides = array<i32>} : memref<128x128xf32, #tpu.memory_space<vmem>>, vector<1x16xf32>,
      %swap3A_560 = vector.shape_cast %swap3A_559 : vector<1x16xf32> to vector<16xf32>
      %swap3A_561 = vector.shape_cast %add3A_556 : vector<16xf32> to vector<1x16xf32>
      tpu.vector_store %arg11[%swap3A_557, %swap3A_558], %swap3A_561 {add = true, strides = array<i32>} : memref<128x128xf32, #tpu.memory_space<vmem>>, vector<1x16xf32>,
      %get3A_562 = arith.index_cast %scan3A_520 : i32 to index
      %get3A_563 = arith.constant 48 : index
      %get3A_564 = tpu.vector_load %arg12[%get3A_562, %get3A_563] {strides = array<i32>} : memref<128x128xf32, #tpu.memory_space<vmem>>, vector<1x16xf32>,
      %get3A_565 = vector.shape_cast %get3A_564 : vector<1x16xf32> to vector<16xf32>
      %get3A_566 = arith.index_cast %scan3A_520 : i32 to index
      %get3A_567 = arith.constant 48 : index
      %get3A_568 = tpu.vector_load %arg13[%get3A_566, %get3A_567] {strides = array<i32>} : memref<128x128xf32, #tpu.memory_space<vmem>>, vector<1x16xf32>,
      %get3A_569 = vector.shape_cast %get3A_568 : vector<1x16xf32> to vector<16xf32>
      %add3A_570 = arith.addf %get3A_565, %get3A_569 : vector<16xf32>
      %swap3A_571 = arith.index_cast %scan3A_520 : i32 to index
      %swap3A_572 = arith.constant 48 : index
      %swap3A_573 = tpu.vector_load %arg11[%swap3A_571, %swap3A_572] {strides = array<i32>} : memref<128x128xf32, #tpu.memory_space<vmem>>, vector<1x16xf32>,
      %swap3A_574 = vector.shape_cast %swap3A_573 : vector<1x16xf32> to vector<16xf32>
      %swap3A_575 = vector.shape_cast %add3A_570 : vector<16xf32> to vector<1x16xf32>
      tpu.vector_store %arg11[%swap3A_571, %swap3A_572], %swap3A_575 {add = true, strides = array<i32>} : memref<128x128xf32, #tpu.memory_space<vmem>>, vector<1x16xf32>,
      %get3A_576 = arith.index_cast %scan3A_520 : i32 to index
      %get3A_577 = arith.constant 64 : index
      %get3A_578 = tpu.vector_load %arg12[%get3A_576, %get3A_577] {strides = array<i32>} : memref<128x128xf32, #tpu.memory_space<vmem>>, vector<1x16xf32>,
      %get3A_579 = vector.shape_cast %get3A_578 : vector<1x16xf32> to vector<16xf32>
      %get3A_580 = arith.index_cast %scan3A_520 : i32 to index
      %get3A_581 = arith.constant 64 : index
      %get3A_582 = tpu.vector_load %arg13[%get3A_580, %get3A_581] {strides = array<i32>} : memref<128x128xf32, #tpu.memory_space<vmem>>, vector<1x16xf32>,
      %get3A_583 = vector.shape_cast %get3A_582 : vector<1x16xf32> to vector<16xf32>
      %add3A_584 = arith.addf %get3A_579, %get3A_583 : vector<16xf32>
      %swap3A_585 = arith.index_cast %scan3A_520 : i32 to index
      %swap3A_586 = arith.constant 64 : index
      %swap3A_587 = tpu.vector_load %arg11[%swap3A_585, %swap3A_586] {strides = array<i32>} : memref<128x128xf32, #tpu.memory_space<vmem>>, vector<1x16xf32>,
      %swap3A_588 = vector.shape_cast %swap3A_587 : vector<1x16xf32> to vector<16xf32>
      %swap3A_589 = vector.shape_cast %add3A_584 : vector<16xf32> to vector<1x16xf32>
      tpu.vector_store %arg11[%swap3A_585, %swap3A_586], %swap3A_589 {add = true, strides = array<i32>} : memref<128x128xf32, #tpu.memory_space<vmem>>, vector<1x16xf32>,
      %get3A_590 = arith.index_cast %scan3A_520 : i32 to index
      %get3A_591 = arith.constant 80 : index
      %get3A_592 = tpu.vector_load %arg12[%get3A_590, %get3A_591] {strides = array<i32>} : memref<128x128xf32, #tpu.memory_space<vmem>>, vector<1x16xf32>,
      %get3A_593 = vector.shape_cast %get3A_592 : vector<1x16xf32> to vector<16xf32>
      %get3A_594 = arith.index_cast %scan3A_520 : i32 to index
      %get3A_595 = arith.constant 80 : index
      %get3A_596 = tpu.vector_load %arg13[%get3A_594, %get3A_595] {strides = array<i32>} : memref<128x128xf32, #tpu.memory_space<vmem>>, vector<1x16xf32>,
      %get3A_597 = vector.shape_cast %get3A_596 : vector<1x16xf32> to vector<16xf32>
      %add3A_598 = arith.addf %get3A_593, %get3A_597 : vector<16xf32>
      %swap3A_599 = arith.index_cast %scan3A_520 : i32 to index
      %swap3A_600 = arith.constant 80 : index
      %swap3A_601 = tpu.vector_load %arg11[%swap3A_599, %swap3A_600] {strides = array<i32>} : memref<128x128xf32, #tpu.memory_space<vmem>>, vector<1x16xf32>,
      %swap3A_602 = vector.shape_cast %swap3A_601 : vector<1x16xf32> to vector<16xf32>
      %swap3A_603 = vector.shape_cast %add3A_598 : vector<16xf32> to vector<1x16xf32>
      tpu.vector_store %arg11[%swap3A_599, %swap3A_600], %swap3A_603 {add = true, strides = array<i32>} : memref<128x128xf32, #tpu.memory_space<vmem>>, vector<1x16xf32>,
      %get3A_604 = arith.index_cast %scan3A_520 : i32 to index
      %get3A_605 = arith.constant 96 : index
      %get3A_606 = tpu.vector_load %arg12[%get3A_604, %get3A_605] {strides = array<i32>} : memref<128x128xf32, #tpu.memory_space<vmem>>, vector<1x16xf32>,
      %get3A_607 = vector.shape_cast %get3A_606 : vector<1x16xf32> to vector<16xf32>
      %get3A_608 = arith.index_cast %scan3A_520 : i32 to index
      %get3A_609 = arith.constant 96 : index
      %get3A_610 = tpu.vector_load %arg13[%get3A_608, %get3A_609] {strides = array<i32>} : memref<128x128xf32, #tpu.memory_space<vmem>>, vector<1x16xf32>,
      %get3A_611 = vector.shape_cast %get3A_610 : vector<1x16xf32> to vector<16xf32>
      %add3A_612 = arith.addf %get3A_607, %get3A_611 : vector<16xf32>
      %swap3A_613 = arith.index_cast %scan3A_520 : i32 to index
      %swap3A_614 = arith.constant 96 : index
      %swap3A_615 = tpu.vector_load %arg11[%swap3A_613, %swap3A_614] {strides = array<i32>} : memref<128x128xf32, #tpu.memory_space<vmem>>, vector<1x16xf32>,
      %swap3A_616 = vector.shape_cast %swap3A_615 : vector<1x16xf32> to vector<16xf32>
      %swap3A_617 = vector.shape_cast %add3A_612 : vector<16xf32> to vector<1x16xf32>
      tpu.vector_store %arg11[%swap3A_613, %swap3A_614], %swap3A_617 {add = true, strides = array<i32>} : memref<128x128xf32, #tpu.memory_space<vmem>>, vector<1x16xf32>,
      %get3A_618 = arith.index_cast %scan3A_520 : i32 to index
      %get3A_619 = arith.constant 112 : index
      %get3A_620 = tpu.vector_load %arg12[%get3A_618, %get3A_619] {strides = array<i32>} : memref<128x128xf32, #tpu.memory_space<vmem>>, vector<1x16xf32>,
      %get3A_621 = vector.shape_cast %get3A_620 : vector<1x16xf32> to vector<16xf32>
      %get3A_622 = arith.index_cast %scan3A_520 : i32 to index
      %get3A_623 = arith.constant 112 : index
      %get3A_624 = tpu.vector_load %arg13[%get3A_622, %get3A_623] {strides = array<i32>} : memref<128x128xf32, #tpu.memory_space<vmem>>, vector<1x16xf32>,
      %get3A_625 = vector.shape_cast %get3A_624 : vector<1x16xf32> to vector<16xf32>
      %add3A_626 = arith.addf %get3A_621, %get3A_625 : vector<16xf32>
      %swap3A_627 = arith.index_cast %scan3A_520 : i32 to index
      %swap3A_628 = arith.constant 112 : index
      %swap3A_629 = tpu.vector_load %arg11[%swap3A_627, %swap3A_628] {strides = array<i32>} : memref<128x128xf32, #tpu.memory_space<vmem>>, vector<1x16xf32>,
      %swap3A_630 = vector.shape_cast %swap3A_629 : vector<1x16xf32> to vector<16xf32>
      %swap3A_631 = vector.shape_cast %add3A_626 : vector<16xf32> to vector<1x16xf32>
      tpu.vector_store %arg11[%swap3A_627, %swap3A_628], %swap3A_631 {add = true, strides = array<i32>} : memref<128x128xf32, #tpu.memory_space<vmem>>, vector<1x16xf32>,
      %scan3A_632 = arith.constant 0 : i32
      scf.yield %scan3A_632 : i32
    }
    %scan3A_505 = arith.constant 128 : i32
    %add3A_506 = arith.constant 896 : i32
    %add3A_507 = arith.addi %mul3A_2, %add3A_506 : i32
    %dma_start3A_508 = arith.constant 0 : i32
    %dma_start3A_509 = tpu.memref_slice %arg6[%add3A_507, %dma_start3A_508] : memref<32768x128xf32, #tpu.memory_space<hbm>> -> memref<128x128xf32, #tpu.memory_space<hbm>>
    %dma_start3A_510 = arith.constant 0 : i32
    %dma_start3A_511 = tpu.memref_slice %arg6[%add3A_507, %dma_start3A_510] : memref<32768x128xf32, #tpu.memory_space<hbm>> -> memref<128x128xf32, #tpu.memory_space<hbm>>
    tpu.enqueue_dma source(%arg11 : memref<128x128xf32, #tpu.memory_space<vmem>>) target(%dma_start3A_511 : memref<128x128xf32, #tpu.memory_space<hbm>>) target_semaphore(%arg17 : memref<!tpu.dma_semaphore, #tpu.memory_space<semaphore_mem>>)
    %dma_wait3A_512 = arith.constant 0 : i32
    %dma_wait3A_513 = tpu.memref_slice %arg6[%add3A_470, %dma_wait3A_512] : memref<32768x128xf32, #tpu.memory_space<hbm>> -> memref<128x128xf32, #tpu.memory_space<hbm>>
    %dma_wait3A_514 = arith.constant 0 : i32
    %dma_wait3A_515 = tpu.memref_slice %arg6[%add3A_470, %dma_wait3A_514] : memref<32768x128xf32, #tpu.memory_space<hbm>> -> memref<128x128xf32, #tpu.memory_space<hbm>>
    tpu.wait_dma2 semaphore(%arg16 : memref<!tpu.dma_semaphore, #tpu.memory_space<semaphore_mem>>) src(%arg8 : memref<128x128xf32, #tpu.memory_space<vmem>>) dst(%dma_wait3A_515 : memref<128x128xf32, #tpu.memory_space<hbm>>)
    %dma_wait3A_516 = arith.constant 0 : i32
    %dma_wait3A_517 = tpu.memref_slice %arg6[%add3A_507, %dma_wait3A_516] : memref<32768x128xf32, #tpu.memory_space<hbm>> -> memref<128x128xf32, #tpu.memory_space<hbm>>
    %dma_wait3A_518 = arith.constant 0 : i32
    %dma_wait3A_519 = tpu.memref_slice %arg6[%add3A_507, %dma_wait3A_518] : memref<32768x128xf32, #tpu.memory_space<hbm>> -> memref<128x128xf32, #tpu.memory_space<hbm>>
    tpu.wait_dma2 semaphore(%arg17 : memref<!tpu.dma_semaphore, #tpu.memory_space<semaphore_mem>>) src(%arg11 : memref<128x128xf32, #tpu.memory_space<vmem>>) dst(%dma_wait3A_519 : memref<128x128xf32, #tpu.memory_space<hbm>>)
    return
  }
}

</mosaic_0001>

<sc_bundles>
// kernel: kernel.3.cloned.1.call-start
scs
__scs_entry_jumppad:
0x0: {  	(pc) =	sbr.rel $0x88, $3  }
0x1: {  	(tag) =	ssettag $0x0;
	lr =	simm.s32 $0x1  }
0x2: {  	[smem:$0x3F9D] =	sst lr;
	_ =	strace $0xD0000000  }
0x3: {  	_ = 	snop  }
0x4: {  	_ = 	snop  }
0x5: {  	_ = 	snop  }
0x6: {  	_ = 	snop  }
0x7: {  	_ = 	snop  }
__scs_overlays_trampoline_lowered:
0x8: {  	[smem:$0x3FAC] =	sst s0  }
0x9: {  	[smem:$0x3FAD] =	sst s1  }
0xa: {  	[smem:$0x3FAE] =	sst s2  }
0xb: {  	[smem:$0x3FAF] =	sst s3  }
0xc: {  	[smem:$0x3FB0] =	sst s4  }
0xd: {  	[smem:$0x3FB1] =	sst s5  }
0xe: {  	[smem:$0x3FB2] =	sst s6  }
0xf: {  	[smem:$0x3FB3] =	sst s7  }
0x10: {  	[smem:$0x3FB4] =	sst s8  }
0x11: {  	[smem:$0x3FB5] =	sst s9;
	s0 =	simm.s32 @!p0 $0x0  }
0x12: {  	s1 =	sld [smem:$0x3F9B];
	s0 =	simm.s32 @p0 $0x1  }
0x13: {  	[smem:$0x3FB6] =	sst s0;
	s0 =	simm.s32 @!p1 $0x0  }
0x14: {  	s2 =	sld [smem:$0x3F9A];
	s0 =	simm.s32 @p1 $0x1  }
0x15: {  	[smem:$0x3FB7] =	sst s0;
	s0 =	simm.s32 @!p2 $0x0  }
0x16: {  	s3 =	sld [smem:$0x3FDB];
	s0 =	simm.s32 @p2 $0x1  }
0x17: {  	s4 =	simm.s32 $0x1BF5;
	[smem:$0x3FB9] =	sst s0  }
0x18: {  	s0 =	sld [smem:$0x3F9C];
	_ =	swait.ge [sflag:s4], $0x0  }
0x19: {  	s7 =	sld [smem:$0x3F9D]  }
0x1a: {  	s8 =	sadd.s32 $0xFFFFE003, lr  }
0x1b: {  	s9 =	sadd.s32 $0xFFFFFEF7, lr;
	s5 =	simm.s32 $0xFFFFFFFF;
	p2 =	slt.u32 s8, $0xFFFFF086  }
0x1c: {  	p1 =	slt.u32 s9, $0xF7A;
	s5 =	simm.s32 @!p2 $0x0  }
0x1d: {  	s5 =	simm.s32 @p1 $0x1;
	p0 =	seq.s32 s7, s2  }
0x1e: {  	s7 =	smul.u32 @!p0 $0xF7A, s2;
	p2 =	seq.s32 @!p0 s5, $0x0  }
0x1f: {  	s9 =	smul.u32 $0xF7A, s1;
	s8 =	simm.s32 @!p0 $0x1BF5;
	p2 =	por !p2, p0  }
0x20: {  	[sflag:s8] =	ssyncset.s32 @!p0 $0xFFFFF086;
	s6 =	sadd.s32 @!p0 s3, s7;
	s7 =	simm.s32 @!p0 $0x108  }
0x21: {  	s3 =	sadd.s32 s3, s9;
	s6 =	sadd.s32 @!p0 $0x88, s6;
	s7 =	simm.s32 @p2 $0x1082  }
0x22: {  	[simem:s7], [sflag:s8] =	dma.local @!p0 [hbm:s6], $0xF7A  }
0x23: {  	s9 =	sor.u32 $0xD0000000, s2;
	s6 =	simm.s32 $0x108;
	_ =	swait.ge @!p0 [sflag:s8], $0x0  }
0x24: {  	s3 =	sadd.s32 $0x88, s3;
	s6 =	simm.s32 @!p1 $0x1082;
	[sflag:s4] =	ssyncset.s32 $0xFFFFF086  }
0x25: {  	[simem:s6], [sflag:s4] =	dma.local [hbm:s3], $0xF7A  }
0x26: {  	[smem:$0x3F9D] =	sst s1;
	(tag) =	ssettag s2;
	_ =	strace s9  }
0x27: {  	s1 =	sld [smem:$0x3FAD]  }
0x28: {  	s2 =	sld [smem:$0x3FAE]  }
0x29: {  	s4 =	sld [smem:$0x3FB0]  }
0x2a: {  	p0 =	seq.s32 s5, $0x0;
	s5 =	sld [smem:$0x3FB1]  }
0x2b: {  	s6 =	sld [smem:$0x3FB2]  }
0x2c: {  	s7 =	sld [smem:$0x3FB3]  }
0x2d: {  	s3 =	simm.s32 $0x108;
	s8 =	sld [smem:$0x3FB4]  }
0x2e: {  	s3 =	simm.s32 @!p0 $0x1082;
	s9 =	sld [smem:$0x3FB5]  }
0x2f: {  	lr =	sadd.s32 s0, s3;
	s0 =	sld [smem:$0x3FAC]  }
0x30: {  	s3 =	sld [smem:$0x3FAF]  }
0x31: {  	[smem:$0x3FB8] =	sst s10  }
0x32: {  	s10 =	sld [smem:$0x3FB6];
	_ =	sdelay $0x3  }
0x33: {  	p0 =	seq.s32 s10, $0x1;
	s10 =	sld [smem:$0x3FB8];
	_ =	sdelay $0x3  }
0x34: {  	[smem:$0x3FB8] =	sst s10  }
0x35: {  	s10 =	sld [smem:$0x3FB7];
	_ =	sdelay $0x3  }
0x36: {  	p1 =	seq.s32 s10, $0x1;
	s10 =	sld [smem:$0x3FB8];
	_ =	sdelay $0x3  }
0x37: {  	[smem:$0x3FB8] =	sst s10  }
0x38: {  	s10 =	sld [smem:$0x3FB9]  }
0x39: {  	_ = 	snop;
	(pc) =	sbr.ind lr, $3  }
0x3a: {  	_ = 	snop  }
0x3b: {  	_ = 	snop  }
0x3c: {  	p2 =	seq.s32 s10, $0x1;
	s10 =	sld [smem:$0x3FB8]  }
0x3d: {  	_ =	shalt  }
0x3e: {  	_ =	shalt  }
0x3f: {  	_ =	shalt  }
0x40: {  	_ =	shalt  }
0x41: {  	_ =	shalt  }
0x42: {  	_ =	shalt  }
0x43: {  	_ =	shalt  }
0x44: {  	_ =	shalt  }
0x45: {  	_ =	shalt  }
0x46: {  	_ =	shalt  }
0x47: {  	_ =	shalt  }
0x48: {  	_ =	shalt  }
0x49: {  	_ =	shalt  }
0x4a: {  	_ =	shalt  }
0x4b: {  	_ =	shalt  }
0x4c: {  	_ =	shalt  }
0x4d: {  	_ =	shalt  }
0x4e: {  	_ =	shalt  }
0x4f: {  	_ =	shalt  }
0x50: {  	_ =	shalt  }
0x51: {  	_ =	shalt  }
0x52: {  	_ =	shalt  }
0x53: {  	_ =	shalt  }
0x54: {  	_ =	shalt  }
0x55: {  	_ =	shalt  }
0x56: {  	_ =	shalt  }
0x57: {  	_ =	shalt  }
0x58: {  	_ =	shalt  }
0x59: {  	_ =	shalt  }
0x5a: {  	_ =	shalt  }
0x5b: {  	_ =	shalt  }
0x5c: {  	_ =	shalt  }
0x5d: {  	_ =	shalt  }
0x5e: {  	_ =	shalt  }
0x5f: {  	_ =	shalt  }
0x60: {  	_ =	shalt  }
0x61: {  	_ =	shalt  }
0x62: {  	_ =	shalt  }
0x63: {  	_ =	shalt  }
0x64: {  	_ =	shalt  }
0x65: {  	_ =	shalt  }
0x66: {  	_ =	shalt  }
0x67: {  	_ =	shalt  }
0x68: {  	_ =	shalt  }
0x69: {  	_ =	shalt  }
0x6a: {  	_ =	shalt  }
0x6b: {  	_ =	shalt  }
0x6c: {  	_ =	shalt  }
0x6d: {  	_ =	shalt  }
0x6e: {  	_ =	shalt  }
0x6f: {  	_ =	shalt  }
0x70: {  	_ =	shalt  }
0x71: {  	_ =	shalt  }
0x72: {  	_ =	shalt  }
0x73: {  	_ =	shalt  }
0x74: {  	_ =	shalt  }
0x75: {  	_ =	shalt  }
0x76: {  	_ =	shalt  }
0x77: {  	_ =	shalt  }
0x78: {  	_ =	shalt  }
0x79: {  	_ =	shalt  }
0x7a: {  	_ =	shalt  }
0x7b: {  	_ =	shalt  }
0x7c: {  	_ =	shalt  }
0x7d: {  	_ =	shalt  }
0x7e: {  	_ =	shalt  }
0x7f: {  	_ =	shalt  }
0x80: {  	_ =	shalt  }
0x81: {  	_ =	shalt  }
0x82: {  	_ =	shalt  }
0x83: {  	_ =	shalt  }
0x84: {  	_ =	shalt  }
0x85: {  	_ =	shalt  }
0x86: {  	_ =	shalt  }
0x87: {  	_ =	shalt  }
.Lfunc_end0:
.L_simem_size_0:
called_computation_lowered:
.L_overlay_start_0:
0x88: {  	s2 =	sld [smem:$0x3FD9]  }
0x89: {  	s3 =	sld [smem:$0x3FFE];
	_ =	sdelay $0x1  }
0x8a: {  	s1 =	srdreg.scid  }
0x8b: {  	s0 =	sand.u32 $0x1, s1  }
0x8c: {  	s17 =	sshll.u32 s0, $0xA;
	s2 =	sadd.s32 s3, s2  }
0x8d: {  	s2 =	sadd.s32 s2, s17  }
0x8e: {  	[smem:$0x3FC4] =	sst s2  }
0x8f: {  	_ = 	snop  }
0x90: {  	s2 =	sld [smem:$0x3FC8]  }
0x91: {  	s18 =	sld [smem:$0x3FC7]  }
0x92: {  	s4 =	sld [smem:$0x3FC6]  }
0x93: {  	s5 =	sld [smem:$0x3FD0];
	(tm) =	ssettm $0x1  }
0x94: {  	s6 =	sld [smem:$0x3FFB];
	_ =	sdelay $0x3  }
0x95: {  	_ =	strace s6  }
0x96: {  	s6 =	sld [smem:$0x3FFC];
	_ =	sdelay $0x3  }
0x97: {  	_ =	strace s6  }
0x98: {  	s6 =	sld [smem:$0x3FFD];
	_ =	sdelay $0x3  }
0x99: {  	_ =	strace s6  }
0x9a: {  	_ =	strace $0x8FFFFFFF  }
0x9b: {  	s19 =	sld [smem:$0x3FDB];
	_ =	sdelay $0x1  }
0x9c: {  	s7 =	simm.s32 $_scs_section_size  }
0x9d: {  	s8 =	simm.s32 $_size__tile_overlayer_lowered;
	s9 =	simm.s32 $_tile_overlayer_lowered  }
0x9e: {  	s22 =	simm.s32 $0x1BFF;
	s21 =	sshll.u32 s9, $0x1;
	s6 =	sadd.s32 s7, s19  }
0x9f: {  	s10 =	simm.s32 $0x0;
	s20 =	sshll.u32 s8, $0x1;
	s8 =	sadd.s32 s21, s6  }
0xa0: {  	[timem:s10], [sflag:s22] =	dma.local [hbm:s8], s20  }
0xa1: {  	_ =	swait.ge [sflag:s22], s20  }
0xa2: {  	s7 =	ssub.s32 $0x0, s20;
	[sflag:s22] =	ssyncset.done $0x0  }
0xa3: {  	[sflag:s22] =	ssyncadd.s32 s7;
	_ =	sdelay $0x1  }
0xa4: {  	s23 =	simm.s32 $0x1B8B  }
0xa5: {  	_ =	swait.ge [sflag:s23], $0x1  }
0xa6: {  	[sflag:s23] =	ssyncset.done $0x0  }
0xa7: {  	s25 =	simm.s32 $0x1B8E;
	s24 =	sld [smem:$0x3FFE];
	[sflag:s23] =	ssyncadd.s32 $0xFFFFFFFF  }
0xa8: {  	s26 =	simm.s32 $execute0_lowered;
	[smem:$0x3FD2] =	sst s25  }
0xa9: {  	s8 =	sshll.u32 s26, $0x1;
	_ =	strace $0x80000046;
	[dreg:$0x1] =	wrdreg $0xFFFFFFFF  }
0xaa: {  	s28 =	simm.s32 $_size_execute0_lowered;
	s6 =	sadd.s32 s6, s8;
	[dreg:$0x0] =	wrdreg $0x0  }
0xab: {  	s8 =	sshll.u32 s28, $0x1;
	[dreg:$0x2] =	wrdreg s6  }
0xac: {  	[dreg:$0x3] =	wrdreg s8  }
0xad: {  	[dreg:$0x4] =	wrdreg $0xC0  }
0xae: {  	_ =	task [dreg:s10], $0x5FFFF  }
0xaf: {  	[dreg:$0x1] =	wrdreg $0xFFFFFFFF  }
0xb0: {  	[dreg:$0x0] =	wrdreg $0x60  }
0xb1: {  	[dreg:$0x2] =	wrdreg s24  }
0xb2: {  	[dreg:$0x3] =	wrdreg s2  }
0xb3: {  	[dreg:$0x4] =	wrdreg s18  }
0xb4: {  	[dreg:$0x5] =	wrdreg s4  }
0xb5: {  	[dreg:$0x6] =	wrdreg s5  }
0xb6: {  	[dreg:$0x7] =	wrdreg $0x9  }
0xb7: {  	_ =	task.clear_ibuf [dreg:s10], $0x8FFFF;
	_ =	strace $0x90000046  }
0xb8: {  	s29 =	simm.s32 $0x9;
	_ =	strace $0x80000048  }
0xb9: {  	_ =	swait.ge [sflag:s29], $0x1  }
0xba: {  	[sflag:s29] =	ssyncadd.s32 $0xFFFFFFFF  }
0xbb: {  	_ =	strace $0x90000048  }
0xbc: {  	_ =	sfence  }
0xbd: {  	s30 =	sld [smem:$0x0];
	_ =	sdelay $0x2  }
0xbe: {  	s31 =	sshll.u32 s1, $0xD;
	s1 =	sshrl.u32 s1, $0x2  }
0xbf: {  	s3 =	sand.u32 $0x4000, s31;
	s1 =	sadd.s32 s1, s30  }
0xc0: {  	s0 =	sor.u32 s3, s0;
	s1 =	sshll.u32 s1, $0x11  }
0xc1: {  	s0 =	sor.u32 s1, s0  }
0xc2: {  	s0 =	sadd.s32 $0x8F2B, s0  }
0xc3: {  	[sflag:s0] =	ssyncadd.remote.s32 $0x1  }
0xc4: {  	_ =	sfence.sel $0xFFFF  }
0xc5: {  	[dreg:$0x0] =	wrdreg $0xFFFFFFFF;
	(pc) =	sbr.abs _section_cstart, $3  }
0xc6: {  	[dreg:$0x1] =	wrdreg $0xFFFFFFFF  }
0xc7: {  	_ =	task.clear_ibuf [dreg:s10], $0x2FFFF;
	_ =	strace $0x9FFFFFFF  }
0xc8: {  	(tm) =	ssettm $0x7FFFFFFF  }
0xc9: {  	_ =	shalt  }
tec
execute0_lowered:
.L_overlay_start_1:
0x0: {  	(tag) =	ssettag $0x1  }
0x1: {  	s0 =	rddreg [dreg:$0x0]  }
0x2: {  	s1 =	rddreg [dreg:$0x1]  }
0x3: {  	s2 =	rddreg [dreg:$0x2]  }
0x4: {  	s4 =	rddreg [dreg:$0x3];
	s3 =	srdreg.scid  }
0x5: {  	s5 =	stileid.u32;
	s6 =	rddreg [dreg:$0x4];
	s16 =	simm.s32 $0x5  }
0x6: {  	s17 =	simm.s32 $0x80;
	s18 =	simm.s32 $0xC00;
	s20 =	simm.s32 $0x4C00  }
0x7: {  	s22 =	simm.s32 $0x8C00;
	s23 =	simm.s32 $0xCC00;
	s25 =	simm.s32 $0x10C00  }
0x8: {  	s28 =	simm.s32 $0x14C00;
	s29 =	simm.s32 $0x1;
	s30 =	simm.s32 $0x3  }
0x9: {  	s19 =	simm.s32 $0x2;
	s21 =	simm.s32 $0x4;
	s24 =	simm.s32 $0x0  }
0xa: {  	s3 =	sand.u32 $0x1, s3;
	s7 =	sshll.u32 s5, $0x1;
	s5 =	simm.s32 $0x0  }
0xb: {  	s7 =	sor.u32 s3, s7;
	[smem:$0x7FF] =	sst s5;
	s3 =	ssub.s32 $0x2, s3  }
0xc: {  	s8 =	smul.u32 $0x180, s7;
	s7 =	sshll.u32 s7, $0xE;
	s31 =	sshrl.u32 s3, $0x1  }
0xd: {  	_ =	strace $0x80000047;
	s6 =	sadd.s32 s6, s7;
	s3 =	ssub.s32 s3, s31  }
0xe: {  	s0 =	sadd.s32 s8, s0;
	s8 =	sadd.s32 $0x800, s6;
	s9 =	sadd.s32 $0x1000, s6  }
0xf: {  	s10 =	sadd.s32 $0x1800, s6;
	s11 =	sadd.s32 $0x2000, s6;
	s12 =	sadd.s32 $0x2800, s6  }
0x10: {  	s13 =	sadd.s32 $0x3000, s6;
	s14 =	sadd.s32 $0x3800, s6;
	s15 =	smax.u32 s3, $0x1  }
0x11: {  	s3 =	simm.s32 $0x780;
	s7 =	sadd.s32 $0x400, s0;
	s0 =	simm.s32 $0xB80  }
.LBB2_1:
0x12: {  	[tilespmem:s5], [sflag:$0x5] =	stream.linear.gather [hbm4b:s7+s5], $0xC00, $0x38;
	[tilespmem:$0x18C00] =	vst v63  }
0x13: {  	_ =	swait.ge [sflag:s16], $0xC00  }
0x14: {  	[sflag:s16] =	ssyncset.done $0x0  }
0x15: {  	[sflag:s16] =	ssyncadd.s32 $0xFFFFF400  }
0x16: {  	[tilespmem:s18], [sflag:$0x1] =	stream.indirect.gather [hbm4b:s1+s17], $0x80, s5, s17, $0xb8;
	[tilespmem:$0x18C00] =	vst v63  }
0x17: {  	s26 =	simm.s32 $0x400  }
0x18: {  	[tilespmem:s20], [sflag:$0x1] =	stream.indirect.gather [hbm4b:s2+s17], $0x80, s26, s17, $0xb8;
	[tilespmem:$0x18C00] =	vst v63  }
0x19: {  	s26 =	simm.s32 $0x800  }
0x1a: {  	[tilespmem:s22], [sflag:$0x1] =	stream.indirect.gather [hbm4b:s4+s17], $0x80, s26, s17, $0xb8;
	[tilespmem:$0x18C00] =	vst v63  }
0x1b: {  	_ = 	snop  }
0x1c: {  	[tilespmem:s23], [sflag:$0x2] =	stream.indirect.gather [hbm4b:s1+s17], $0x80, s17, s17, $0xb8;
	[tilespmem:$0x18C00] =	vst v63  }
0x1d: {  	s26 =	simm.s32 $0x480  }
0x1e: {  	[tilespmem:s25], [sflag:$0x2] =	stream.indirect.gather [hbm4b:s2+s17], $0x80, s26, s17, $0xb8;
	[tilespmem:$0x18C00] =	vst v63  }
0x1f: {  	s26 =	simm.s32 $0x880  }
0x20: {  	[tilespmem:s28], [sflag:$0x2] =	stream.indirect.gather [hbm4b:s4+s17], $0x80, s26, s17, $0xb8;
	[tilespmem:$0x18C00] =	vst v63  }
0x21: {  	_ =	swait.ge [sflag:s29], $0x4000  }
0x22: {  	[sflag:s29] =	ssyncset.done $0x0  }
0x23: {  	[sflag:s29] =	ssyncadd.s32 $0xFFFFC000  }
0x24: {  	_ =	swait.ge [sflag:s29], $0x4000  }
0x25: {  	[sflag:s29] =	ssyncset.done $0x0  }
0x26: {  	[sflag:s29] =	ssyncadd.s32 $0xFFFFC000  }
0x27: {  	_ =	swait.ge [sflag:s29], $0x4000  }
0x28: {  	[sflag:s29] =	ssyncset.done $0x0  }
0x29: {  	s26 =	simm.s32 $0x0;
	[sflag:s29] =	ssyncadd.s32 $0xFFFFC000  }
0x2a: {  	s31 =	simm.s32 $0x200;
	v0 =	vld [tilespmem:s26+$0x4C70]  }
.LBB2_2:
0x2b: {  	p0 =	sne.s32 s31, $0xFE00;
	v1 =	vld [tilespmem:s26+$0x8C70]  }
0x2c: {  	v2 =	vld [tilespmem:s26+$0x4C00]  }
0x2d: {  	v3 =	vld [tilespmem:s26+$0x8C00]  }
0x2e: {  	v4 =	vld [tilespmem:s26+$0x4C10]  }
0x2f: {  	v5 =	vld [tilespmem:s26+$0x8C10]  }
0x30: {  	v6 =	vld [tilespmem:s26+$0x4C20];
	v0 =	vadd.f32 v1, v0  }
0x31: {  	v1 =	vld [tilespmem:s26+$0x8C20]  }
0x32: {  	v2 =	vadd.f32 v3, v2;
	[tilespmem:s26+$0xC70] =	vst.add.f32.msk $0xffff, v0  }
0x33: {  	v0 =	vld [tilespmem:s26+$0x4C30]  }
0x34: {  	v3 =	vadd.f32 v5, v4;
	v4 =	vld [tilespmem:s26+$0x8C30]  }
0x35: {  	v5 =	vld [tilespmem:s26+$0x4C40]  }
0x36: {  	v1 =	vadd.f32 v1, v6;
	v6 =	vld [tilespmem:s26+$0x8C40]  }
0x37: {  	v7 =	vld [tilespmem:s26+$0x4C50]  }
0x38: {  	v8 =	vld [tilespmem:s26+$0x8C50]  }
0x39: {  	v0 =	vadd.f32 v4, v0;
	v4 =	vld [tilespmem:s26+$0x4C60]  }
0x3a: {  	v9 =	vld [tilespmem:s26+$0x8C60]  }
0x3b: {  	[tilespmem:s26+$0xC00] =	vst.add.f32.msk $0xffff, v2;
	v2 =	vadd.f32 v6, v5  }
0x3c: {  	[tilespmem:s26+$0xC10] =	vst.add.f32.msk $0xffff, v3  }
0x3d: {  	[tilespmem:s26+$0xC20] =	vst.add.f32.msk $0xffff, v1;
	v1 =	vadd.f32 v8, v7  }
.Ltmp0:
0x3e: {  	[tilespmem:s26+$0xC30] =	vst.add.f32.msk $0xffff, v0;
	(pc) =	sbr.rel @p0 .LBB2_2-.Ltmp0, $4  }
0x3f: {  	[tilespmem:s26+$0xC40] =	vst.add.f32.msk $0xffff, v2;
	v0 =	vadd.f32 v9, v4  }
0x40: {  	[tilespmem:s26+$0xC50] =	vst.add.f32.msk $0xffff, v1  }
0x41: {  	[tilespmem:s26+$0xC60] =	vst.add.f32.msk $0xffff, v0;
	s26 =	sshra.s32 s31, $0x2  }
0x42: {  	s31 =	sadd.s32 $0x200, s31;
	v0 =	vld [tilespmem:s26+$0x4C70]  }
0x43: {  	v1 =	vld [tilespmem:s26+$0x8C70]  }
0x44: {  	v2 =	vld [tilespmem:s26+$0x4C00]  }
0x45: {  	v3 =	vld [tilespmem:s26+$0x8C00]  }
0x46: {  	v4 =	vld [tilespmem:s26+$0x4C10]  }
0x47: {  	v5 =	vld [tilespmem:s26+$0x8C10]  }
0x48: {  	v6 =	vld [tilespmem:s26+$0x4C20]  }
0x49: {  	v7 =	vld [tilespmem:s26+$0x8C30]  }
0x4a: {  	v8 =	vld [tilespmem:s26+$0x4C40]  }
0x4b: {  	v9 =	vld [tilespmem:s26+$0x8C40]  }
0x4c: {  	v10 =	vld [tilespmem:s26+$0x4C50]  }
0x4d: {  	v11 =	vld [tilespmem:s26+$0x8C50];
	v0 =	vadd.f32 v1, v0  }
0x4e: {  	v1 =	vld [tilespmem:s26+$0x8C20]  }
0x4f: {  	[tilespmem:s26+$0xC70] =	vst.add.f32.msk $0xffff, v0  }
0x50: {  	v0 =	vld [tilespmem:s26+$0x4C30]  }
0x51: {  	v63 =	vld [tilespmem:s26+$0x8C60];
	v2 =	vadd.f32 v3, v2  }
0x52: {  	v3 =	vld [tilespmem:s26+$0x4C60];
	v4 =	vadd.f32 v5, v4  }
0x53: {  	[tilespmem:s26+$0xC00] =	vst.add.f32.msk $0xffff, v2;
	v2 =	vadd.f32 v9, v8  }
0x54: {  	[tilespmem:s26+$0xC10] =	vst.add.f32.msk $0xffff, v4;
	v1 =	vadd.f32 v1, v6  }
0x55: {  	[tilespmem:s26+$0xC40] =	vst.add.f32.msk $0xffff, v2;
	v0 =	vadd.f32 v7, v0  }
0x56: {  	[tilespmem:s26+$0xC20] =	vst.add.f32.msk $0xffff, v1;
	v1 =	vadd.f32 v11, v10  }
0x57: {  	[tilespmem:s26+$0xC30] =	vst.add.f32.msk $0xffff, v0;
	v0 =	vadd.f32 v63, v3  }
0x58: {  	[tilespmem:s26+$0xC50] =	vst.add.f32.msk $0xffff, v1  }
0x59: {  	[tilespmem:s26+$0xC60] =	vst.add.f32.msk $0xffff, v0;
	s26 =	simm.s32 $0x0  }
0x5a: {  	[hbm4b:s6+s26] =	stream.linear.scatter [tilespmem:s18], [sflag:$0x3], $0x4000, $0x38;
	[tilespmem:$0x18C00] =	vst v63  }
0x5b: {  	_ =	swait.ge [sflag:s30], $0x4000  }
0x5c: {  	[sflag:s30] =	ssyncset.done $0x0  }
0x5d: {  	s26 =	simm.s32 $0x100;
	[sflag:s30] =	ssyncadd.s32 $0xFFFFC000  }
0x5e: {  	[tilespmem:s18], [sflag:$0x1] =	stream.indirect.gather [hbm4b:s1+s17], $0x80, s26, s17, $0xb8;
	[tilespmem:$0x18C00] =	vst v63  }
0x5f: {  	s26 =	simm.s32 $0x500  }
0x60: {  	[tilespmem:s20], [sflag:$0x1] =	stream.indirect.gather [hbm4b:s2+s17], $0x80, s26, s17, $0xb8;
	[tilespmem:$0x18C00] =	vst v63  }
0x61: {  	s26 =	simm.s32 $0x900  }
0x62: {  	[tilespmem:s22], [sflag:$0x1] =	stream.indirect.gather [hbm4b:s4+s17], $0x80, s26, s17, $0xb8;
	[tilespmem:$0x18C00] =	vst v63  }
0x63: {  	_ =	swait.ge [sflag:s19], $0x4000  }
0x64: {  	[sflag:s19] =	ssyncset.done $0x0  }
0x65: {  	[sflag:s19] =	ssyncadd.s32 $0xFFFFC000  }
0x66: {  	_ =	swait.ge [sflag:s19], $0x4000  }
0x67: {  	[sflag:s19] =	ssyncset.done $0x0  }
0x68: {  	[sflag:s19] =	ssyncadd.s32 $0xFFFFC000  }
0x69: {  	_ =	swait.ge [sflag:s19], $0x4000  }
0x6a: {  	[sflag:s19] =	ssyncset.done $0x0  }
0x6b: {  	s26 =	simm.s32 $0x0;
	[sflag:s19] =	ssyncadd.s32 $0xFFFFC000  }
0x6c: {  	s31 =	simm.s32 $0x200;
	v0 =	vld [tilespmem:s26+$0x10C70]  }
.LBB2_4:
0x6d: {  	p0 =	sne.s32 s31, $0xFE00;
	v1 =	vld [tilespmem:s26+$0x14C70]  }
0x6e: {  	v2 =	vld [tilespmem:s26+$0x10C00]  }
0x6f: {  	v3 =	vld [tilespmem:s26+$0x14C00]  }
0x70: {  	v4 =	vld [tilespmem:s26+$0x10C10]  }
0x71: {  	v5 =	vld [tilespmem:s26+$0x14C10]  }
0x72: {  	v6 =	vld [tilespmem:s26+$0x10C20];
	v0 =	vadd.f32 v1, v0  }
0x73: {  	v1 =	vld [tilespmem:s26+$0x14C20]  }
0x74: {  	v2 =	vadd.f32 v3, v2;
	[tilespmem:s26+$0xCC70] =	vst.add.f32.msk $0xffff, v0  }
0x75: {  	v0 =	vld [tilespmem:s26+$0x10C30]  }
0x76: {  	v3 =	vadd.f32 v5, v4;
	v4 =	vld [tilespmem:s26+$0x14C30]  }
0x77: {  	v5 =	vld [tilespmem:s26+$0x10C40]  }
0x78: {  	v1 =	vadd.f32 v1, v6;
	v6 =	vld [tilespmem:s26+$0x14C40]  }
0x79: {  	v7 =	vld [tilespmem:s26+$0x10C50]  }
0x7a: {  	v8 =	vld [tilespmem:s26+$0x14C50]  }
0x7b: {  	v0 =	vadd.f32 v4, v0;
	v4 =	vld [tilespmem:s26+$0x10C60]  }
0x7c: {  	v9 =	vld [tilespmem:s26+$0x14C60]  }
0x7d: {  	[tilespmem:s26+$0xCC00] =	vst.add.f32.msk $0xffff, v2;
	v2 =	vadd.f32 v6, v5  }
0x7e: {  	[tilespmem:s26+$0xCC10] =	vst.add.f32.msk $0xffff, v3  }
0x7f: {  	[tilespmem:s26+$0xCC20] =	vst.add.f32.msk $0xffff, v1;
	v1 =	vadd.f32 v8, v7  }
.Ltmp1:
0x80: {  	[tilespmem:s26+$0xCC30] =	vst.add.f32.msk $0xffff, v0;
	(pc) =	sbr.rel @p0 .LBB2_4-.Ltmp1, $4  }
0x81: {  	[tilespmem:s26+$0xCC40] =	vst.add.f32.msk $0xffff, v2;
	v0 =	vadd.f32 v9, v4  }
0x82: {  	[tilespmem:s26+$0xCC50] =	vst.add.f32.msk $0xffff, v1  }
0x83: {  	[tilespmem:s26+$0xCC60] =	vst.add.f32.msk $0xffff, v0;
	s26 =	sshra.s32 s31, $0x2  }
0x84: {  	s31 =	sadd.s32 $0x200, s31;
	v0 =	vld [tilespmem:s26+$0x10C70]  }
0x85: {  	v1 =	vld [tilespmem:s26+$0x14C70]  }
0x86: {  	v2 =	vld [tilespmem:s26+$0x10C00]  }
0x87: {  	v3 =	vld [tilespmem:s26+$0x14C00]  }
0x88: {  	v4 =	vld [tilespmem:s26+$0x10C10]  }
0x89: {  	v5 =	vld [tilespmem:s26+$0x14C10]  }
0x8a: {  	v6 =	vld [tilespmem:s26+$0x10C20]  }
0x8b: {  	v7 =	vld [tilespmem:s26+$0x14C30]  }
0x8c: {  	v8 =	vld [tilespmem:s26+$0x10C40]  }
0x8d: {  	v9 =	vld [tilespmem:s26+$0x14C40]  }
0x8e: {  	v10 =	vld [tilespmem:s26+$0x10C50]  }
0x8f: {  	v11 =	vld [tilespmem:s26+$0x14C50];
	v0 =	vadd.f32 v1, v0  }
0x90: {  	v1 =	vld [tilespmem:s26+$0x14C20]  }
0x91: {  	[tilespmem:s26+$0xCC70] =	vst.add.f32.msk $0xffff, v0  }
0x92: {  	v0 =	vld [tilespmem:s26+$0x10C30]  }
0x93: {  	v63 =	vld [tilespmem:s26+$0x14C60];
	v2 =	vadd.f32 v3, v2  }
0x94: {  	v3 =	vld [tilespmem:s26+$0x10C60];
	v4 =	vadd.f32 v5, v4  }
0x95: {  	[tilespmem:s26+$0xCC00] =	vst.add.f32.msk $0xffff, v2;
	v2 =	vadd.f32 v9, v8  }
0x96: {  	[tilespmem:s26+$0xCC10] =	vst.add.f32.msk $0xffff, v4;
	v1 =	vadd.f32 v1, v6  }
0x97: {  	[tilespmem:s26+$0xCC40] =	vst.add.f32.msk $0xffff, v2;
	v0 =	vadd.f32 v7, v0  }
0x98: {  	[tilespmem:s26+$0xCC20] =	vst.add.f32.msk $0xffff, v1;
	v1 =	vadd.f32 v11, v10  }
0x99: {  	[tilespmem:s26+$0xCC30] =	vst.add.f32.msk $0xffff, v0;
	v0 =	vadd.f32 v63, v3  }
0x9a: {  	[tilespmem:s26+$0xCC50] =	vst.add.f32.msk $0xffff, v1  }
0x9b: {  	[tilespmem:s26+$0xCC60] =	vst.add.f32.msk $0xffff, v0;
	s26 =	simm.s32 $0x0  }
0x9c: {  	[hbm4b:s8+s26] =	stream.linear.scatter [tilespmem:s23], [sflag:$0x4], $0x4000, $0x38;
	[tilespmem:$0x18C00] =	vst v63  }
0x9d: {  	_ =	swait.ge [sflag:s21], $0x4000  }
0x9e: {  	[sflag:s21] =	ssyncset.done $0x0  }
0x9f: {  	s26 =	simm.s32 $0x180;
	[sflag:s21] =	ssyncadd.s32 $0xFFFFC000  }
0xa0: {  	[tilespmem:s23], [sflag:$0x2] =	stream.indirect.gather [hbm4b:s1+s17], $0x80, s26, s17, $0xb8;
	[tilespmem:$0x18C00] =	vst v63  }
0xa1: {  	s26 =	simm.s32 $0x580  }
0xa2: {  	[tilespmem:s25], [sflag:$0x2] =	stream.indirect.gather [hbm4b:s2+s17], $0x80, s26, s17, $0xb8;
	[tilespmem:$0x18C00] =	vst v63  }
0xa3: {  	s26 =	simm.s32 $0x980  }
0xa4: {  	[tilespmem:s28], [sflag:$0x2] =	stream.indirect.gather [hbm4b:s4+s17], $0x80, s26, s17, $0xb8;
	[tilespmem:$0x18C00] =	vst v63  }
0xa5: {  	_ =	swait.ge [sflag:s29], $0x4000  }
0xa6: {  	[sflag:s29] =	ssyncset.done $0x0  }
0xa7: {  	[sflag:s29] =	ssyncadd.s32 $0xFFFFC000  }
0xa8: {  	_ =	swait.ge [sflag:s29], $0x4000  }
0xa9: {  	[sflag:s29] =	ssyncset.done $0x0  }
0xaa: {  	[sflag:s29] =	ssyncadd.s32 $0xFFFFC000  }
0xab: {  	_ =	swait.ge [sflag:s29], $0x4000  }
0xac: {  	[sflag:s29] =	ssyncset.done $0x0  }
0xad: {  	s26 =	simm.s32 $0x0;
	[sflag:s29] =	ssyncadd.s32 $0xFFFFC000  }
0xae: {  	s31 =	simm.s32 $0x200;
	v0 =	vld [tilespmem:s26+$0x4C70]  }
.LBB2_6:
0xaf: {  	p0 =	sne.s32 s31, $0xFE00;
	v1 =	vld [tilespmem:s26+$0x8C70]  }
0xb0: {  	v2 =	vld [tilespmem:s26+$0x4C00]  }
0xb1: {  	v3 =	vld [tilespmem:s26+$0x8C00]  }
0xb2: {  	v4 =	vld [tilespmem:s26+$0x4C10]  }
0xb3: {  	v5 =	vld [tilespmem:s26+$0x8C10]  }
0xb4: {  	v6 =	vld [tilespmem:s26+$0x4C20];
	v0 =	vadd.f32 v1, v0  }
0xb5: {  	v1 =	vld [tilespmem:s26+$0x8C20]  }
0xb6: {  	v2 =	vadd.f32 v3, v2;
	[tilespmem:s26+$0xC70] =	vst.add.f32.msk $0xffff, v0  }
0xb7: {  	v0 =	vld [tilespmem:s26+$0x4C30]  }
0xb8: {  	v3 =	vadd.f32 v5, v4;
	v4 =	vld [tilespmem:s26+$0x8C30]  }
0xb9: {  	v5 =	vld [tilespmem:s26+$0x4C40]  }
0xba: {  	v1 =	vadd.f32 v1, v6;
	v6 =	vld [tilespmem:s26+$0x8C40]  }
0xbb: {  	v7 =	vld [tilespmem:s26+$0x4C50]  }
0xbc: {  	v8 =	vld [tilespmem:s26+$0x8C50]  }
0xbd: {  	v0 =	vadd.f32 v4, v0;
	v4 =	vld [tilespmem:s26+$0x4C60]  }
0xbe: {  	v9 =	vld [tilespmem:s26+$0x8C60]  }
0xbf: {  	[tilespmem:s26+$0xC00] =	vst.add.f32.msk $0xffff, v2;
	v2 =	vadd.f32 v6, v5  }
0xc0: {  	[tilespmem:s26+$0xC10] =	vst.add.f32.msk $0xffff, v3  }
0xc1: {  	[tilespmem:s26+$0xC20] =	vst.add.f32.msk $0xffff, v1;
	v1 =	vadd.f32 v8, v7  }
.Ltmp2:
0xc2: {  	[tilespmem:s26+$0xC30] =	vst.add.f32.msk $0xffff, v0;
	(pc) =	sbr.rel @p0 .LBB2_6-.Ltmp2, $4  }
0xc3: {  	[tilespmem:s26+$0xC40] =	vst.add.f32.msk $0xffff, v2;
	v0 =	vadd.f32 v9, v4  }
0xc4: {  	[tilespmem:s26+$0xC50] =	vst.add.f32.msk $0xffff, v1  }
0xc5: {  	[tilespmem:s26+$0xC60] =	vst.add.f32.msk $0xffff, v0;
	s26 =	sshra.s32 s31, $0x2  }
0xc6: {  	s31 =	sadd.s32 $0x200, s31;
	v0 =	vld [tilespmem:s26+$0x4C70]  }
0xc7: {  	v1 =	vld [tilespmem:s26+$0x8C70]  }
0xc8: {  	v2 =	vld [tilespmem:s26+$0x4C00]  }
0xc9: {  	v3 =	vld [tilespmem:s26+$0x8C00]  }
0xca: {  	v4 =	vld [tilespmem:s26+$0x4C10]  }
0xcb: {  	v5 =	vld [tilespmem:s26+$0x8C10]  }
0xcc: {  	v6 =	vld [tilespmem:s26+$0x4C20]  }
0xcd: {  	v7 =	vld [tilespmem:s26+$0x8C30]  }
0xce: {  	v8 =	vld [tilespmem:s26+$0x4C40]  }
0xcf: {  	v9 =	vld [tilespmem:s26+$0x8C40]  }
0xd0: {  	v10 =	vld [tilespmem:s26+$0x4C50]  }
0xd1: {  	v11 =	vld [tilespmem:s26+$0x8C50];
	v0 =	vadd.f32 v1, v0  }
0xd2: {  	v1 =	vld [tilespmem:s26+$0x8C20]  }
0xd3: {  	[tilespmem:s26+$0xC70] =	vst.add.f32.msk $0xffff, v0  }
0xd4: {  	v0 =	vld [tilespmem:s26+$0x4C30]  }
0xd5: {  	v63 =	vld [tilespmem:s26+$0x8C60];
	v2 =	vadd.f32 v3, v2  }
0xd6: {  	v3 =	vld [tilespmem:s26+$0x4C60];
	v4 =	vadd.f32 v5, v4  }
0xd7: {  	[tilespmem:s26+$0xC00] =	vst.add.f32.msk $0xffff, v2;
	v2 =	vadd.f32 v9, v8  }
0xd8: {  	[tilespmem:s26+$0xC10] =	vst.add.f32.msk $0xffff, v4;
	v1 =	vadd.f32 v1, v6  }
0xd9: {  	[tilespmem:s26+$0xC40] =	vst.add.f32.msk $0xffff, v2;
	v0 =	vadd.f32 v7, v0  }
0xda: {  	[tilespmem:s26+$0xC20] =	vst.add.f32.msk $0xffff, v1;
	v1 =	vadd.f32 v11, v10  }
0xdb: {  	[tilespmem:s26+$0xC30] =	vst.add.f32.msk $0xffff, v0;
	v0 =	vadd.f32 v63, v3  }
0xdc: {  	[tilespmem:s26+$0xC50] =	vst.add.f32.msk $0xffff, v1  }
0xdd: {  	[tilespmem:s26+$0xC60] =	vst.add.f32.msk $0xffff, v0;
	s26 =	simm.s32 $0x0  }
0xde: {  	[hbm4b:s9+s26] =	stream.linear.scatter [tilespmem:s18], [sflag:$0x3], $0x4000, $0x38;
	[tilespmem:$0x18C00] =	vst v63  }
0xdf: {  	_ =	swait.ge [sflag:s30], $0x4000  }
0xe0: {  	[sflag:s30] =	ssyncset.done $0x0  }
0xe1: {  	s26 =	simm.s32 $0x200;
	[sflag:s30] =	ssyncadd.s32 $0xFFFFC000  }
0xe2: {  	[tilespmem:s18], [sflag:$0x1] =	stream.indirect.gather [hbm4b:s1+s17], $0x80, s26, s17, $0xb8;
	[tilespmem:$0x18C00] =	vst v63  }
0xe3: {  	s26 =	simm.s32 $0x600  }
0xe4: {  	[tilespmem:s20], [sflag:$0x1] =	stream.indirect.gather [hbm4b:s2+s17], $0x80, s26, s17, $0xb8;
	[tilespmem:$0x18C00] =	vst v63  }
0xe5: {  	s26 =	simm.s32 $0xA00  }
0xe6: {  	[tilespmem:s22], [sflag:$0x1] =	stream.indirect.gather [hbm4b:s4+s17], $0x80, s26, s17, $0xb8;
	[tilespmem:$0x18C00] =	vst v63  }
0xe7: {  	_ =	swait.ge [sflag:s19], $0x4000  }
0xe8: {  	[sflag:s19] =	ssyncset.done $0x0  }
0xe9: {  	[sflag:s19] =	ssyncadd.s32 $0xFFFFC000  }
0xea: {  	_ =	swait.ge [sflag:s19], $0x4000  }
0xeb: {  	[sflag:s19] =	ssyncset.done $0x0  }
0xec: {  	[sflag:s19] =	ssyncadd.s32 $0xFFFFC000  }
0xed: {  	_ =	swait.ge [sflag:s19], $0x4000  }
0xee: {  	[sflag:s19] =	ssyncset.done $0x0  }
0xef: {  	s26 =	simm.s32 $0x0;
	[sflag:s19] =	ssyncadd.s32 $0xFFFFC000  }
0xf0: {  	s31 =	simm.s32 $0x200;
	v0 =	vld [tilespmem:s26+$0x10C70]  }
.LBB2_8:
0xf1: {  	p0 =	sne.s32 s31, $0xFE00;
	v1 =	vld [tilespmem:s26+$0x14C70]  }
0xf2: {  	v2 =	vld [tilespmem:s26+$0x10C00]  }
0xf3: {  	v3 =	vld [tilespmem:s26+$0x14C00]  }
0xf4: {  	v4 =	vld [tilespmem:s26+$0x10C10]  }
0xf5: {  	v5 =	vld [tilespmem:s26+$0x14C10]  }
0xf6: {  	v6 =	vld [tilespmem:s26+$0x10C20];
	v0 =	vadd.f32 v1, v0  }
0xf7: {  	v1 =	vld [tilespmem:s26+$0x14C20]  }
0xf8: {  	v2 =	vadd.f32 v3, v2;
	[tilespmem:s26+$0xCC70] =	vst.add.f32.msk $0xffff, v0  }
0xf9: {  	v0 =	vld [tilespmem:s26+$0x10C30]  }
0xfa: {  	v3 =	vadd.f32 v5, v4;
	v4 =	vld [tilespmem:s26+$0x14C30]  }
0xfb: {  	v5 =	vld [tilespmem:s26+$0x10C40]  }
0xfc: {  	v1 =	vadd.f32 v1, v6;
	v6 =	vld [tilespmem:s26+$0x14C40]  }
0xfd: {  	v7 =	vld [tilespmem:s26+$0x10C50]  }
0xfe: {  	v8 =	vld [tilespmem:s26+$0x14C50]  }
0xff: {  	v0 =	vadd.f32 v4, v0;
	v4 =	vld [tilespmem:s26+$0x10C60]  }
0x100: {  	v9 =	vld [tilespmem:s26+$0x14C60]  }
0x101: {  	[tilespmem:s26+$0xCC00] =	vst.add.f32.msk $0xffff, v2;
	v2 =	vadd.f32 v6, v5  }
0x102: {  	[tilespmem:s26+$0xCC10] =	vst.add.f32.msk $0xffff, v3  }
0x103: {  	[tilespmem:s26+$0xCC20] =	vst.add.f32.msk $0xffff, v1;
	v1 =	vadd.f32 v8, v7  }
.Ltmp3:
0x104: {  	[tilespmem:s26+$0xCC30] =	vst.add.f32.msk $0xffff, v0;
	(pc) =	sbr.rel @p0 .LBB2_8-.Ltmp3, $4  }
0x105: {  	[tilespmem:s26+$0xCC40] =	vst.add.f32.msk $0xffff, v2;
	v0 =	vadd.f32 v9, v4  }
0x106: {  	[tilespmem:s26+$0xCC50] =	vst.add.f32.msk $0xffff, v1  }
0x107: {  	[tilespmem:s26+$0xCC60] =	vst.add.f32.msk $0xffff, v0;
	s26 =	sshra.s32 s31, $0x2  }
0x108: {  	s31 =	sadd.s32 $0x200, s31;
	v0 =	vld [tilespmem:s26+$0x10C70]  }
0x109: {  	v1 =	vld [tilespmem:s26+$0x14C70]  }
0x10a: {  	v2 =	vld [tilespmem:s26+$0x10C00]  }
0x10b: {  	v3 =	vld [tilespmem:s26+$0x14C00]  }
0x10c: {  	v4 =	vld [tilespmem:s26+$0x10C10]  }
0x10d: {  	v5 =	vld [tilespmem:s26+$0x14C10]  }
0x10e: {  	v6 =	vld [tilespmem:s26+$0x10C20]  }
0x10f: {  	v7 =	vld [tilespmem:s26+$0x14C30]  }
0x110: {  	v8 =	vld [tilespmem:s26+$0x10C40]  }
0x111: {  	v9 =	vld [tilespmem:s26+$0x14C40]  }
0x112: {  	v10 =	vld [tilespmem:s26+$0x10C50]  }
0x113: {  	v11 =	vld [tilespmem:s26+$0x14C50];
	v0 =	vadd.f32 v1, v0  }
0x114: {  	v1 =	vld [tilespmem:s26+$0x14C20]  }
0x115: {  	[tilespmem:s26+$0xCC70] =	vst.add.f32.msk $0xffff, v0  }
0x116: {  	v0 =	vld [tilespmem:s26+$0x10C30]  }
0x117: {  	v63 =	vld [tilespmem:s26+$0x14C60];
	v2 =	vadd.f32 v3, v2  }
0x118: {  	v3 =	vld [tilespmem:s26+$0x10C60];
	v4 =	vadd.f32 v5, v4  }
0x119: {  	[tilespmem:s26+$0xCC00] =	vst.add.f32.msk $0xffff, v2;
	v2 =	vadd.f32 v9, v8  }
0x11a: {  	[tilespmem:s26+$0xCC10] =	vst.add.f32.msk $0xffff, v4;
	v1 =	vadd.f32 v1, v6  }
0x11b: {  	[tilespmem:s26+$0xCC40] =	vst.add.f32.msk $0xffff, v2;
	v0 =	vadd.f32 v7, v0  }
0x11c: {  	[tilespmem:s26+$0xCC20] =	vst.add.f32.msk $0xffff, v1;
	v1 =	vadd.f32 v11, v10  }
0x11d: {  	[tilespmem:s26+$0xCC30] =	vst.add.f32.msk $0xffff, v0;
	v0 =	vadd.f32 v63, v3  }
0x11e: {  	[tilespmem:s26+$0xCC50] =	vst.add.f32.msk $0xffff, v1  }
0x11f: {  	[tilespmem:s26+$0xCC60] =	vst.add.f32.msk $0xffff, v0;
	s26 =	simm.s32 $0x0  }
0x120: {  	[hbm4b:s10+s26] =	stream.linear.scatter [tilespmem:s23], [sflag:$0x4], $0x4000, $0x38;
	[tilespmem:$0x18C00] =	vst v63  }
0x121: {  	_ =	swait.ge [sflag:s21], $0x4000  }
0x122: {  	[sflag:s21] =	ssyncset.done $0x0  }
0x123: {  	s26 =	simm.s32 $0x280;
	[sflag:s21] =	ssyncadd.s32 $0xFFFFC000  }
0x124: {  	[tilespmem:s23], [sflag:$0x2] =	stream.indirect.gather [hbm4b:s1+s17], $0x80, s26, s17, $0xb8;
	[tilespmem:$0x18C00] =	vst v63  }
0x125: {  	s26 =	simm.s32 $0x680  }
0x126: {  	[tilespmem:s25], [sflag:$0x2] =	stream.indirect.gather [hbm4b:s2+s17], $0x80, s26, s17, $0xb8;
	[tilespmem:$0x18C00] =	vst v63  }
0x127: {  	s26 =	simm.s32 $0xA80  }
0x128: {  	[tilespmem:s28], [sflag:$0x2] =	stream.indirect.gather [hbm4b:s4+s17], $0x80, s26, s17, $0xb8;
	[tilespmem:$0x18C00] =	vst v63  }
0x129: {  	_ =	swait.ge [sflag:s29], $0x4000  }
0x12a: {  	[sflag:s29] =	ssyncset.done $0x0  }
0x12b: {  	[sflag:s29] =	ssyncadd.s32 $0xFFFFC000  }
0x12c: {  	_ =	swait.ge [sflag:s29], $0x4000  }
0x12d: {  	[sflag:s29] =	ssyncset.done $0x0  }
0x12e: {  	[sflag:s29] =	ssyncadd.s32 $0xFFFFC000  }
0x12f: {  	_ =	swait.ge [sflag:s29], $0x4000  }
0x130: {  	[sflag:s29] =	ssyncset.done $0x0  }
0x131: {  	s26 =	simm.s32 $0x0;
	[sflag:s29] =	ssyncadd.s32 $0xFFFFC000  }
0x132: {  	s31 =	simm.s32 $0x200;
	v0 =	vld [tilespmem:s26+$0x4C70]  }
.LBB2_10:
0x133: {  	p0 =	sne.s32 s31, $0xFE00;
	v1 =	vld [tilespmem:s26+$0x8C70]  }
0x134: {  	v2 =	vld [tilespmem:s26+$0x4C00]  }
0x135: {  	v3 =	vld [tilespmem:s26+$0x8C00]  }
0x136: {  	v4 =	vld [tilespmem:s26+$0x4C10]  }
0x137: {  	v5 =	vld [tilespmem:s26+$0x8C10]  }
0x138: {  	v6 =	vld [tilespmem:s26+$0x4C20];
	v0 =	vadd.f32 v1, v0  }
0x139: {  	v1 =	vld [tilespmem:s26+$0x8C20]  }
0x13a: {  	v2 =	vadd.f32 v3, v2;
	[tilespmem:s26+$0xC70] =	vst.add.f32.msk $0xffff, v0  }
0x13b: {  	v0 =	vld [tilespmem:s26+$0x4C30]  }
0x13c: {  	v3 =	vadd.f32 v5, v4;
	v4 =	vld [tilespmem:s26+$0x8C30]  }
0x13d: {  	v5 =	vld [tilespmem:s26+$0x4C40]  }
0x13e: {  	v1 =	vadd.f32 v1, v6;
	v6 =	vld [tilespmem:s26+$0x8C40]  }
0x13f: {  	v7 =	vld [tilespmem:s26+$0x4C50]  }
0x140: {  	v8 =	vld [tilespmem:s26+$0x8C50]  }
0x141: {  	v0 =	vadd.f32 v4, v0;
	v4 =	vld [tilespmem:s26+$0x4C60]  }
0x142: {  	v9 =	vld [tilespmem:s26+$0x8C60]  }
0x143: {  	[tilespmem:s26+$0xC00] =	vst.add.f32.msk $0xffff, v2;
	v2 =	vadd.f32 v6, v5  }
0x144: {  	[tilespmem:s26+$0xC10] =	vst.add.f32.msk $0xffff, v3  }
0x145: {  	[tilespmem:s26+$0xC20] =	vst.add.f32.msk $0xffff, v1;
	v1 =	vadd.f32 v8, v7  }
.Ltmp4:
0x146: {  	[tilespmem:s26+$0xC30] =	vst.add.f32.msk $0xffff, v0;
	(pc) =	sbr.rel @p0 .LBB2_10-.Ltmp4, $4  }
0x147: {  	[tilespmem:s26+$0xC40] =	vst.add.f32.msk $0xffff, v2;
	v0 =	vadd.f32 v9, v4  }
0x148: {  	[tilespmem:s26+$0xC50] =	vst.add.f32.msk $0xffff, v1  }
0x149: {  	[tilespmem:s26+$0xC60] =	vst.add.f32.msk $0xffff, v0;
	s26 =	sshra.s32 s31, $0x2  }
0x14a: {  	s31 =	sadd.s32 $0x200, s31;
	v0 =	vld [tilespmem:s26+$0x4C70]  }
0x14b: {  	v1 =	vld [tilespmem:s26+$0x8C70]  }
0x14c: {  	v2 =	vld [tilespmem:s26+$0x4C00]  }
0x14d: {  	v3 =	vld [tilespmem:s26+$0x8C00]  }
0x14e: {  	v4 =	vld [tilespmem:s26+$0x4C10]  }
0x14f: {  	v5 =	vld [tilespmem:s26+$0x8C10]  }
0x150: {  	v6 =	vld [tilespmem:s26+$0x4C20]  }
0x151: {  	v7 =	vld [tilespmem:s26+$0x8C30]  }
0x152: {  	v8 =	vld [tilespmem:s26+$0x4C40]  }
0x153: {  	v9 =	vld [tilespmem:s26+$0x8C40]  }
0x154: {  	v10 =	vld [tilespmem:s26+$0x4C50]  }
0x155: {  	v11 =	vld [tilespmem:s26+$0x8C50];
	v0 =	vadd.f32 v1, v0  }
0x156: {  	v1 =	vld [tilespmem:s26+$0x8C20]  }
0x157: {  	[tilespmem:s26+$0xC70] =	vst.add.f32.msk $0xffff, v0  }
0x158: {  	v0 =	vld [tilespmem:s26+$0x4C30]  }
0x159: {  	v63 =	vld [tilespmem:s26+$0x8C60];
	v2 =	vadd.f32 v3, v2  }
0x15a: {  	v3 =	vld [tilespmem:s26+$0x4C60];
	v4 =	vadd.f32 v5, v4  }
0x15b: {  	[tilespmem:s26+$0xC00] =	vst.add.f32.msk $0xffff, v2;
	v2 =	vadd.f32 v9, v8  }
0x15c: {  	[tilespmem:s26+$0xC10] =	vst.add.f32.msk $0xffff, v4;
	v1 =	vadd.f32 v1, v6  }
0x15d: {  	[tilespmem:s26+$0xC40] =	vst.add.f32.msk $0xffff, v2;
	v0 =	vadd.f32 v7, v0  }
0x15e: {  	[tilespmem:s26+$0xC20] =	vst.add.f32.msk $0xffff, v1;
	v1 =	vadd.f32 v11, v10  }
0x15f: {  	[tilespmem:s26+$0xC30] =	vst.add.f32.msk $0xffff, v0;
	v0 =	vadd.f32 v63, v3  }
0x160: {  	[tilespmem:s26+$0xC50] =	vst.add.f32.msk $0xffff, v1  }
0x161: {  	[tilespmem:s26+$0xC60] =	vst.add.f32.msk $0xffff, v0;
	s26 =	simm.s32 $0x0  }
0x162: {  	[hbm4b:s11+s26] =	stream.linear.scatter [tilespmem:s18], [sflag:$0x3], $0x4000, $0x38;
	[tilespmem:$0x18C00] =	vst v63  }
0x163: {  	_ =	swait.ge [sflag:s30], $0x4000  }
0x164: {  	[sflag:s30] =	ssyncset.done $0x0  }
0x165: {  	s26 =	simm.s32 $0x300;
	[sflag:s30] =	ssyncadd.s32 $0xFFFFC000  }
0x166: {  	[tilespmem:s18], [sflag:$0x1] =	stream.indirect.gather [hbm4b:s1+s17], $0x80, s26, s17, $0xb8;
	[tilespmem:$0x18C00] =	vst v63  }
0x167: {  	s26 =	simm.s32 $0x700  }
0x168: {  	[tilespmem:s20], [sflag:$0x1] =	stream.indirect.gather [hbm4b:s2+s17], $0x80, s26, s17, $0xb8;
	[tilespmem:$0x18C00] =	vst v63  }
0x169: {  	s26 =	simm.s32 $0xB00  }
0x16a: {  	[tilespmem:s22], [sflag:$0x1] =	stream.indirect.gather [hbm4b:s4+s17], $0x80, s26, s17, $0xb8;
	[tilespmem:$0x18C00] =	vst v63  }
0x16b: {  	_ =	swait.ge [sflag:s19], $0x4000  }
0x16c: {  	[sflag:s19] =	ssyncset.done $0x0  }
0x16d: {  	[sflag:s19] =	ssyncadd.s32 $0xFFFFC000  }
0x16e: {  	_ =	swait.ge [sflag:s19], $0x4000  }
0x16f: {  	[sflag:s19] =	ssyncset.done $0x0  }
0x170: {  	[sflag:s19] =	ssyncadd.s32 $0xFFFFC000  }
0x171: {  	_ =	swait.ge [sflag:s19], $0x4000  }
0x172: {  	[sflag:s19] =	ssyncset.done $0x0  }
0x173: {  	s26 =	simm.s32 $0x0;
	[sflag:s19] =	ssyncadd.s32 $0xFFFFC000  }
0x174: {  	s31 =	simm.s32 $0x200;
	v0 =	vld [tilespmem:s26+$0x10C70]  }
.LBB2_12:
0x175: {  	p0 =	sne.s32 s31, $0xFE00;
	v1 =	vld [tilespmem:s26+$0x14C70]  }
0x176: {  	v2 =	vld [tilespmem:s26+$0x10C00]  }
0x177: {  	v3 =	vld [tilespmem:s26+$0x14C00]  }
0x178: {  	v4 =	vld [tilespmem:s26+$0x10C10]  }
0x179: {  	v5 =	vld [tilespmem:s26+$0x14C10]  }
0x17a: {  	v6 =	vld [tilespmem:s26+$0x10C20];
	v0 =	vadd.f32 v1, v0  }
0x17b: {  	v1 =	vld [tilespmem:s26+$0x14C20]  }
0x17c: {  	v2 =	vadd.f32 v3, v2;
	[tilespmem:s26+$0xCC70] =	vst.add.f32.msk $0xffff, v0  }
0x17d: {  	v0 =	vld [tilespmem:s26+$0x10C30]  }
0x17e: {  	v3 =	vadd.f32 v5, v4;
	v4 =	vld [tilespmem:s26+$0x14C30]  }
0x17f: {  	v5 =	vld [tilespmem:s26+$0x10C40]  }
0x180: {  	v1 =	vadd.f32 v1, v6;
	v6 =	vld [tilespmem:s26+$0x14C40]  }
0x181: {  	v7 =	vld [tilespmem:s26+$0x10C50]  }
0x182: {  	v8 =	vld [tilespmem:s26+$0x14C50]  }
0x183: {  	v0 =	vadd.f32 v4, v0;
	v4 =	vld [tilespmem:s26+$0x10C60]  }
0x184: {  	v9 =	vld [tilespmem:s26+$0x14C60]  }
0x185: {  	[tilespmem:s26+$0xCC00] =	vst.add.f32.msk $0xffff, v2;
	v2 =	vadd.f32 v6, v5  }
0x186: {  	[tilespmem:s26+$0xCC10] =	vst.add.f32.msk $0xffff, v3  }
0x187: {  	[tilespmem:s26+$0xCC20] =	vst.add.f32.msk $0xffff, v1;
	v1 =	vadd.f32 v8, v7  }
.Ltmp5:
0x188: {  	[tilespmem:s26+$0xCC30] =	vst.add.f32.msk $0xffff, v0;
	(pc) =	sbr.rel @p0 .LBB2_12-.Ltmp5, $4  }
0x189: {  	[tilespmem:s26+$0xCC40] =	vst.add.f32.msk $0xffff, v2;
	v0 =	vadd.f32 v9, v4  }
0x18a: {  	[tilespmem:s26+$0xCC50] =	vst.add.f32.msk $0xffff, v1  }
0x18b: {  	[tilespmem:s26+$0xCC60] =	vst.add.f32.msk $0xffff, v0;
	s26 =	sshra.s32 s31, $0x2  }
0x18c: {  	s31 =	sadd.s32 $0x200, s31;
	v0 =	vld [tilespmem:s26+$0x10C70]  }
0x18d: {  	v1 =	vld [tilespmem:s26+$0x14C70]  }
0x18e: {  	v2 =	vld [tilespmem:s26+$0x10C00]  }
0x18f: {  	v3 =	vld [tilespmem:s26+$0x14C00]  }
0x190: {  	v4 =	vld [tilespmem:s26+$0x10C10]  }
0x191: {  	v5 =	vld [tilespmem:s26+$0x14C10]  }
0x192: {  	v6 =	vld [tilespmem:s26+$0x10C20]  }
0x193: {  	v7 =	vld [tilespmem:s26+$0x14C30]  }
0x194: {  	v8 =	vld [tilespmem:s26+$0x10C40]  }
0x195: {  	v9 =	vld [tilespmem:s26+$0x14C40]  }
0x196: {  	v10 =	vld [tilespmem:s26+$0x10C50]  }
0x197: {  	v11 =	vld [tilespmem:s26+$0x14C50];
	v0 =	vadd.f32 v1, v0  }
0x198: {  	v1 =	vld [tilespmem:s26+$0x14C20]  }
0x199: {  	[tilespmem:s26+$0xCC70] =	vst.add.f32.msk $0xffff, v0  }
0x19a: {  	v0 =	vld [tilespmem:s26+$0x10C30]  }
0x19b: {  	v63 =	vld [tilespmem:s26+$0x14C60];
	v2 =	vadd.f32 v3, v2  }
0x19c: {  	v3 =	vld [tilespmem:s26+$0x10C60];
	v4 =	vadd.f32 v5, v4  }
0x19d: {  	[tilespmem:s26+$0xCC00] =	vst.add.f32.msk $0xffff, v2;
	v2 =	vadd.f32 v9, v8  }
0x19e: {  	[tilespmem:s26+$0xCC10] =	vst.add.f32.msk $0xffff, v4;
	v1 =	vadd.f32 v1, v6  }
0x19f: {  	[tilespmem:s26+$0xCC40] =	vst.add.f32.msk $0xffff, v2;
	v0 =	vadd.f32 v7, v0  }
0x1a0: {  	[tilespmem:s26+$0xCC20] =	vst.add.f32.msk $0xffff, v1;
	v1 =	vadd.f32 v11, v10  }
0x1a1: {  	[tilespmem:s26+$0xCC30] =	vst.add.f32.msk $0xffff, v0;
	v0 =	vadd.f32 v63, v3  }
0x1a2: {  	[tilespmem:s26+$0xCC50] =	vst.add.f32.msk $0xffff, v1  }
0x1a3: {  	[tilespmem:s26+$0xCC60] =	vst.add.f32.msk $0xffff, v0;
	s26 =	simm.s32 $0x0  }
0x1a4: {  	[hbm4b:s12+s26] =	stream.linear.scatter [tilespmem:s23], [sflag:$0x4], $0x4000, $0x38;
	[tilespmem:$0x18C00] =	vst v63  }
0x1a5: {  	_ =	swait.ge [sflag:s21], $0x4000  }
0x1a6: {  	[sflag:s21] =	ssyncset.done $0x0  }
0x1a7: {  	s26 =	simm.s32 $0x380;
	[sflag:s21] =	ssyncadd.s32 $0xFFFFC000  }
0x1a8: {  	[tilespmem:s23], [sflag:$0x2] =	stream.indirect.gather [hbm4b:s1+s17], $0x80, s26, s17, $0xb8;
	[tilespmem:$0x18C00] =	vst v63  }
0x1a9: {  	_ = 	snop  }
0x1aa: {  	[tilespmem:s25], [sflag:$0x2] =	stream.indirect.gather [hbm4b:s2+s17], $0x80, s3, s17, $0xb8;
	[tilespmem:$0x18C00] =	vst v63  }
0x1ab: {  	_ = 	snop  }
0x1ac: {  	[tilespmem:s28], [sflag:$0x2] =	stream.indirect.gather [hbm4b:s4+s17], $0x80, s0, s17, $0xb8;
	[tilespmem:$0x18C00] =	vst v63  }
0x1ad: {  	_ =	swait.ge [sflag:s29], $0x4000  }
0x1ae: {  	[sflag:s29] =	ssyncset.done $0x0  }
0x1af: {  	[sflag:s29] =	ssyncadd.s32 $0xFFFFC000  }
0x1b0: {  	_ =	swait.ge [sflag:s29], $0x4000  }
0x1b1: {  	[sflag:s29] =	ssyncset.done $0x0  }
0x1b2: {  	[sflag:s29] =	ssyncadd.s32 $0xFFFFC000  }
0x1b3: {  	_ =	swait.ge [sflag:s29], $0x4000  }
0x1b4: {  	[sflag:s29] =	ssyncset.done $0x0  }
0x1b5: {  	s26 =	simm.s32 $0x0;
	[sflag:s29] =	ssyncadd.s32 $0xFFFFC000  }
0x1b6: {  	s31 =	simm.s32 $0x200;
	v0 =	vld [tilespmem:s26+$0x4C70]  }
.LBB2_14:
0x1b7: {  	p0 =	sne.s32 s31, $0xFE00;
	v1 =	vld [tilespmem:s26+$0x8C70]  }
0x1b8: {  	v2 =	vld [tilespmem:s26+$0x4C00]  }
0x1b9: {  	v3 =	vld [tilespmem:s26+$0x8C00]  }
0x1ba: {  	v4 =	vld [tilespmem:s26+$0x4C10]  }
0x1bb: {  	v5 =	vld [tilespmem:s26+$0x8C10]  }
0x1bc: {  	v6 =	vld [tilespmem:s26+$0x4C20];
	v0 =	vadd.f32 v1, v0  }
0x1bd: {  	v1 =	vld [tilespmem:s26+$0x8C20]  }
0x1be: {  	v2 =	vadd.f32 v3, v2;
	[tilespmem:s26+$0xC70] =	vst.add.f32.msk $0xffff, v0  }
0x1bf: {  	v0 =	vld [tilespmem:s26+$0x4C30]  }
0x1c0: {  	v3 =	vadd.f32 v5, v4;
	v4 =	vld [tilespmem:s26+$0x8C30]  }
0x1c1: {  	v5 =	vld [tilespmem:s26+$0x4C40]  }
0x1c2: {  	v1 =	vadd.f32 v1, v6;
	v6 =	vld [tilespmem:s26+$0x8C40]  }
0x1c3: {  	v7 =	vld [tilespmem:s26+$0x4C50]  }
0x1c4: {  	v8 =	vld [tilespmem:s26+$0x8C50]  }
0x1c5: {  	v0 =	vadd.f32 v4, v0;
	v4 =	vld [tilespmem:s26+$0x4C60]  }
0x1c6: {  	v9 =	vld [tilespmem:s26+$0x8C60]  }
0x1c7: {  	[tilespmem:s26+$0xC00] =	vst.add.f32.msk $0xffff, v2;
	v2 =	vadd.f32 v6, v5  }
0x1c8: {  	[tilespmem:s26+$0xC10] =	vst.add.f32.msk $0xffff, v3  }
0x1c9: {  	[tilespmem:s26+$0xC20] =	vst.add.f32.msk $0xffff, v1;
	v1 =	vadd.f32 v8, v7  }
.Ltmp6:
0x1ca: {  	[tilespmem:s26+$0xC30] =	vst.add.f32.msk $0xffff, v0;
	(pc) =	sbr.rel @p0 .LBB2_14-.Ltmp6, $4  }
0x1cb: {  	[tilespmem:s26+$0xC40] =	vst.add.f32.msk $0xffff, v2;
	v0 =	vadd.f32 v9, v4  }
0x1cc: {  	[tilespmem:s26+$0xC50] =	vst.add.f32.msk $0xffff, v1  }
0x1cd: {  	[tilespmem:s26+$0xC60] =	vst.add.f32.msk $0xffff, v0;
	s26 =	sshra.s32 s31, $0x2  }
0x1ce: {  	s31 =	sadd.s32 $0x200, s31;
	v0 =	vld [tilespmem:s26+$0x4C70]  }
0x1cf: {  	v1 =	vld [tilespmem:s26+$0x8C70]  }
0x1d0: {  	v2 =	vld [tilespmem:s26+$0x4C00]  }
0x1d1: {  	v3 =	vld [tilespmem:s26+$0x8C00]  }
0x1d2: {  	v4 =	vld [tilespmem:s26+$0x4C10]  }
0x1d3: {  	v5 =	vld [tilespmem:s26+$0x8C10]  }
0x1d4: {  	v6 =	vld [tilespmem:s26+$0x4C20]  }
0x1d5: {  	v7 =	vld [tilespmem:s26+$0x8C30]  }
0x1d6: {  	v8 =	vld [tilespmem:s26+$0x4C40]  }
0x1d7: {  	v9 =	vld [tilespmem:s26+$0x8C40]  }
0x1d8: {  	v10 =	vld [tilespmem:s26+$0x4C50]  }
0x1d9: {  	v11 =	vld [tilespmem:s26+$0x8C50];
	v0 =	vadd.f32 v1, v0  }
0x1da: {  	v1 =	vld [tilespmem:s26+$0x8C20]  }
0x1db: {  	[tilespmem:s26+$0xC70] =	vst.add.f32.msk $0xffff, v0  }
0x1dc: {  	v0 =	vld [tilespmem:s26+$0x4C30]  }
0x1dd: {  	v63 =	vld [tilespmem:s26+$0x8C60];
	v2 =	vadd.f32 v3, v2  }
0x1de: {  	v3 =	vld [tilespmem:s26+$0x4C60];
	v4 =	vadd.f32 v5, v4  }
0x1df: {  	[tilespmem:s26+$0xC00] =	vst.add.f32.msk $0xffff, v2;
	v2 =	vadd.f32 v9, v8  }
0x1e0: {  	[tilespmem:s26+$0xC10] =	vst.add.f32.msk $0xffff, v4;
	v1 =	vadd.f32 v1, v6  }
0x1e1: {  	[tilespmem:s26+$0xC40] =	vst.add.f32.msk $0xffff, v2;
	v0 =	vadd.f32 v7, v0  }
0x1e2: {  	[tilespmem:s26+$0xC20] =	vst.add.f32.msk $0xffff, v1;
	v1 =	vadd.f32 v11, v10  }
0x1e3: {  	[tilespmem:s26+$0xC30] =	vst.add.f32.msk $0xffff, v0;
	v0 =	vadd.f32 v63, v3  }
0x1e4: {  	[tilespmem:s26+$0xC50] =	vst.add.f32.msk $0xffff, v1  }
0x1e5: {  	[tilespmem:s26+$0xC60] =	vst.add.f32.msk $0xffff, v0;
	s26 =	simm.s32 $0x0  }
0x1e6: {  	[hbm4b:s13+s26] =	stream.linear.scatter [tilespmem:s18], [sflag:$0x3], $0x4000, $0x38;
	[tilespmem:$0x18C00] =	vst v63  }
0x1e7: {  	_ =	swait.ge [sflag:s19], $0x4000  }
0x1e8: {  	[sflag:s19] =	ssyncset.done $0x0  }
0x1e9: {  	[sflag:s19] =	ssyncadd.s32 $0xFFFFC000  }
0x1ea: {  	_ =	swait.ge [sflag:s19], $0x4000  }
0x1eb: {  	[sflag:s19] =	ssyncset.done $0x0  }
0x1ec: {  	[sflag:s19] =	ssyncadd.s32 $0xFFFFC000  }
0x1ed: {  	_ =	swait.ge [sflag:s19], $0x4000  }
0x1ee: {  	[sflag:s19] =	ssyncset.done $0x0  }
0x1ef: {  	s26 =	simm.s32 $0x0;
	[sflag:s19] =	ssyncadd.s32 $0xFFFFC000  }
0x1f0: {  	s31 =	simm.s32 $0x200;
	v0 =	vld [tilespmem:s26+$0x10C70]  }
.LBB2_16:
0x1f1: {  	p0 =	sne.s32 s31, $0xFE00;
	v1 =	vld [tilespmem:s26+$0x14C70]  }
0x1f2: {  	v2 =	vld [tilespmem:s26+$0x10C00]  }
0x1f3: {  	v3 =	vld [tilespmem:s26+$0x14C00]  }
0x1f4: {  	v4 =	vld [tilespmem:s26+$0x10C10]  }
0x1f5: {  	v5 =	vld [tilespmem:s26+$0x14C10]  }
0x1f6: {  	v6 =	vld [tilespmem:s26+$0x10C20];
	v0 =	vadd.f32 v1, v0  }
0x1f7: {  	v1 =	vld [tilespmem:s26+$0x14C20]  }
0x1f8: {  	v2 =	vadd.f32 v3, v2;
	[tilespmem:s26+$0xCC70] =	vst.add.f32.msk $0xffff, v0  }
0x1f9: {  	v0 =	vld [tilespmem:s26+$0x10C30]  }
0x1fa: {  	v3 =	vadd.f32 v5, v4;
	v4 =	vld [tilespmem:s26+$0x14C30]  }
0x1fb: {  	v5 =	vld [tilespmem:s26+$0x10C40]  }
0x1fc: {  	v1 =	vadd.f32 v1, v6;
	v6 =	vld [tilespmem:s26+$0x14C40]  }
0x1fd: {  	v7 =	vld [tilespmem:s26+$0x10C50]  }
0x1fe: {  	v8 =	vld [tilespmem:s26+$0x14C50]  }
0x1ff: {  	v0 =	vadd.f32 v4, v0;
	v4 =	vld [tilespmem:s26+$0x10C60]  }
0x200: {  	v9 =	vld [tilespmem:s26+$0x14C60]  }
0x201: {  	[tilespmem:s26+$0xCC00] =	vst.add.f32.msk $0xffff, v2;
	v2 =	vadd.f32 v6, v5  }
0x202: {  	[tilespmem:s26+$0xCC10] =	vst.add.f32.msk $0xffff, v3  }
0x203: {  	[tilespmem:s26+$0xCC20] =	vst.add.f32.msk $0xffff, v1;
	v1 =	vadd.f32 v8, v7  }
.Ltmp7:
0x204: {  	[tilespmem:s26+$0xCC30] =	vst.add.f32.msk $0xffff, v0;
	(pc) =	sbr.rel @p0 .LBB2_16-.Ltmp7, $4  }
0x205: {  	[tilespmem:s26+$0xCC40] =	vst.add.f32.msk $0xffff, v2;
	v0 =	vadd.f32 v9, v4  }
0x206: {  	[tilespmem:s26+$0xCC50] =	vst.add.f32.msk $0xffff, v1  }
0x207: {  	[tilespmem:s26+$0xCC60] =	vst.add.f32.msk $0xffff, v0;
	s26 =	sshra.s32 s31, $0x2  }
0x208: {  	s31 =	sadd.s32 $0x200, s31;
	v0 =	vld [tilespmem:s26+$0x10C70]  }
0x209: {  	v1 =	vld [tilespmem:s26+$0x14C70]  }
0x20a: {  	v2 =	vld [tilespmem:s26+$0x10C00]  }
0x20b: {  	v3 =	vld [tilespmem:s26+$0x14C00]  }
0x20c: {  	v4 =	vld [tilespmem:s26+$0x10C10]  }
0x20d: {  	v5 =	vld [tilespmem:s26+$0x14C10]  }
0x20e: {  	v6 =	vld [tilespmem:s26+$0x10C20]  }
0x20f: {  	v57 =	vld [tilespmem:s26+$0x14C20]  }
0x210: {  	v58 =	vld [tilespmem:s26+$0x10C30]  }
0x211: {  	v7 =	vld [tilespmem:s26+$0x14C30]  }
0x212: {  	v8 =	vld [tilespmem:s26+$0x10C40]  }
0x213: {  	v9 =	vld [tilespmem:s26+$0x14C40]  }
0x214: {  	v10 =	vld [tilespmem:s26+$0x10C50]  }
0x215: {  	v11 =	vld [tilespmem:s26+$0x14C50]  }
0x216: {  	v59 =	vld [tilespmem:s26+$0x10C60];
	v0 =	vadd.f32 v1, v0  }
0x217: {  	v60 =	vld [tilespmem:s26+$0x14C60];
	v2 =	vadd.f32 v3, v2  }
0x218: {  	v4 =	vadd.f32 v5, v4;
	[tilespmem:s26+$0xCC70] =	vst.add.f32.msk $0xffff, v0  }
0x219: {  	v1 =	vadd.f32 v57, v6;
	[tilespmem:s26+$0xCC00] =	vst.add.f32.msk $0xffff, v2  }
0x21a: {  	v61 =	vadd.f32 v9, v8;
	[tilespmem:s26+$0xCC10] =	vst.add.f32.msk $0xffff, v4  }
0x21b: {  	v62 =	vadd.f32 v11, v10;
	[tilespmem:s26+$0xCC20] =	vst.add.f32.msk $0xffff, v1  }
0x21c: {  	v63 =	vadd.f32 v60, v59;
	[tilespmem:s26+$0xCC40] =	vst.add.f32.msk $0xffff, v61  }
0x21d: {  	v0 =	vadd.f32 v7, v58;
	[tilespmem:s26+$0xCC50] =	vst.add.f32.msk $0xffff, v62  }
0x21e: {  	[tilespmem:s26+$0xCC60] =	vst.add.f32.msk $0xffff, v63  }
0x21f: {  	s24 =	sadd.s32 $0x1, s24;
	[tilespmem:s26+$0xCC30] =	vst.add.f32.msk $0xffff, v0  }
0x220: {  	[hbm4b:s14+s5] =	stream.linear.scatter [tilespmem:s23], [sflag:$0x4], $0x4000, $0x38;
	[tilespmem:$0x18C00] =	vst v63  }
0x221: {  	p0 =	sne.s32 s24, s15;
	_ =	swait.ge [sflag:s30], $0x4000  }
.Ltmp8:
0x222: {  	[sflag:s30] =	ssyncset.done $0x0;
	(pc) =	sbr.rel @p0 .LBB2_1-.Ltmp8, $4  }
0x223: {  	[sflag:s30] =	ssyncadd.s32 $0xFFFFC000  }
0x224: {  	_ =	swait.ge [sflag:s21], $0x4000  }
0x225: {  	[sflag:s21] =	ssyncset.done $0x0  }
0x226: {  	[sflag:s21] =	ssyncadd.s32 $0xFFFFC000  }
0x227: {  	_ =	sfence.sel $0x180000  }
0x228: {  	[bflag:$0x0] =	sbarrier.arrive $0xFFFF  }
0x229: {  	_ =	strace $0x90000047  }
0x22a: {  	s0 =	stileid.u32;
	[bflag:$0x2] =	sbarrier.arrive $0xFFFF  }
0x22b: {  	p0 =	sne.s32 s0, $0x0;
	s0 =	rddreg [dreg:$0x5]  }
0x22c: {  	s0 =	sadd.s32 @!p0 $0x100000, s0  }
0x22d: {  	[sflag:s0] =	ssyncadd.tile.s32 @!p0 $0x1;
	_ =	shalt  }
.Lfunc_end2:
_tile_overlayer_lowered:
.L_overlay_start_2:
0x22e: {  	(tag) =	ssettag $0x2  }
0x22f: {  	s0 =	rddreg [dreg:$0x0];
	s2 =	stileid.u32  }
0x230: {  	s1 =	rddreg [dreg:$0x1];
	p0 =	sne.s32 s2, $0x0  }
0x231: {  	s3 =	rddreg [dreg:$0x2];
	[bflag:$0x3] =	sbarrier.arrive $0xFFFF;
	s2 =	simm.s32 @!p0 $0x1C05  }
0x232: {  	[timem:s3], [sflag:s2] =	dma.local @!p0 [hbm:s0], s1  }
0x233: {  	s0 =	simm.s32 @!p0 $0x5  }
0x234: {  	_ =	swait.ge @!p0 [sflag:s0], s1  }
0x235: {  	s1 =	ssub.s32 @!p0 $0x0, s1;
	[sflag:s0] =	ssyncset.done @!p0 $0x0  }
0x236: {  	[sflag:s0] =	ssyncadd.s32 @!p0 s1  }
0x237: {  	[bflag:$0x3] =	sbarrier.arrive $0xFFFF  }
0x238: {  	_ =	shalt  }

</sc_bundles>
